<compile_context>
chip_gen: v7x
topology: tpu7x:2x2x1
jax: 0.10.2.dev20260603
libtpu: 0.0.44.dev20260713+nightly
codegen_flags: <defaults>
</compile_context>

<pallas_src>
import functools

import jax
import jax.numpy as jnp
from jax import lax
from jax.experimental import pallas as pl
from jax.experimental.pallas import tpu as pltpu
from jax.experimental.pallas import tpu_sc as plsc

B = 16384
D_NODE = 256
D_MEM = 512
D_EMB = 256

NC = 2
NS = 16
NW = NC * NS
BPW = B // NW
CH = 32
NBUF = 5
NCHUNK = BPW // CH

_mesh = plsc.VectorSubcoreMesh(core_axis_name="c", subcore_axis_name="s")


def _sc_gather_body(nf_hbm, mem_hbm, idx_hbm, gnf_hbm, gmem_hbm,
                    idx_v, nf_buf, mem_buf, *sems):
    wid = lax.axis_index("s") * NC + lax.axis_index("c")
    base = wid * BPW
    pltpu.sync_copy(idx_hbm.at[pl.ds(base, BPW)], idx_v)
    sem_g = sems[:NBUF]
    sem_w = sems[NBUF:]

    def fire_gather(c, p):
        ix = idx_v.at[pl.ds(c * CH, CH)]
        return (pltpu.async_copy(nf_hbm.at[ix], nf_buf.at[p], sem_g[p]),
                pltpu.async_copy(mem_hbm.at[ix], mem_buf.at[p], sem_g[p]))

    def fire_write(c, p):
        o = base + c * CH
        return (pltpu.async_copy(nf_buf.at[p], gnf_hbm.at[pl.ds(o, CH)], sem_w[p]),
                pltpu.async_copy(mem_buf.at[p], gmem_hbm.at[pl.ds(o, CH)], sem_w[p]))

    gather_cps = [None] * NBUF
    write_cps = [None] * NBUF
    for p in range(min(NBUF, NCHUNK)):
        gather_cps[p] = fire_gather(p, p)
    for c in range(NCHUNK):
        p = c % NBUF
        for cp in gather_cps[p]:
            cp.wait()
        write_cps[p] = fire_write(c, p)
        nxt = c + NBUF
        if nxt < NCHUNK:
            for cp in write_cps[p]:
                cp.wait()
            gather_cps[p] = fire_gather(nxt, p)
    for p in range(NBUF):
        if write_cps[p] is not None:
            for cp in write_cps[p]:
                cp.wait()


_sc_gather = functools.partial(
    pl.kernel,
    out_type=(
        jax.ShapeDtypeStruct((B, D_NODE), jnp.float32),
        jax.ShapeDtypeStruct((B, D_MEM), jnp.float32),
    ),
    mesh=_mesh,
    scratch_types=[
        pltpu.VMEM((BPW,), jnp.int32),
        pltpu.VMEM((NBUF, CH, D_NODE), jnp.float32),
        pltpu.VMEM((NBUF, CH, D_MEM), jnp.float32),
    ] + [pltpu.SemaphoreType.DMA] * (2 * NBUF),
)(_sc_gather_body)


TB = 4096


def _mm_body(gnf_ref, gmem_ref, wn_ref, wm_ref, o_ref):
    o_ref[...] = (
        jnp.dot(gnf_ref[...], wn_ref[...], preferred_element_type=jnp.float32)
        + jnp.dot(gmem_ref[...], wm_ref[...], preferred_element_type=jnp.float32)
    )


_mm = pl.pallas_call(
    _mm_body,
    grid=(B // TB,),
    in_specs=[
        pl.BlockSpec((TB, D_NODE), lambda i: (i, 0)),
        pl.BlockSpec((TB, D_MEM), lambda i: (i, 0)),
        pl.BlockSpec((D_NODE, D_EMB), lambda i: (0, 0)),
        pl.BlockSpec((D_MEM, D_EMB), lambda i: (0, 0)),
    ],
    out_specs=pl.BlockSpec((TB, D_EMB), lambda i: (i, 0)),
    out_shape=jax.ShapeDtypeStruct((B, D_EMB), jnp.float32),
)


def kernel(memory, source_nodes, timestamps, node_features,
           W_node, W_mem, W_time, time_w, time_b):
    del timestamps, W_time, time_w, time_b
    gnf, gmem = _sc_gather(node_features, memory, source_nodes)
    return _mm(gnf, gmem, W_node, W_mem)

# --- scband reference (transcript-rebuilt; emitter-appended) ---
"""Pipeline reference for scband-graph-embedding-49426483642555 (READ-ONLY COPY).

The authoritative reference and input builder live on the scoring server;
editing this copy changes nothing except your own understanding.
"""

import jax, jax.numpy as jnp
import numpy as np

N_NODES = 100000
D_NODE = 256
D_MEM = 512
D_TIME = 100
D_EMB = 256
B = 16384


def setup_inputs(seed: int = 0) -> dict:
    key = jax.random.key(seed)
    ks = jax.random.split(key, 9)
    node_features = jax.random.normal(ks[0], (N_NODES, D_NODE), dtype=jnp.float32)
    memory = jax.random.normal(ks[1], (N_NODES, D_MEM), dtype=jnp.float32)
    source_nodes = jax.random.randint(ks[2], (B,), 0, N_NODES, dtype=jnp.int32)
    timestamps = jax.random.uniform(ks[3], (B,), dtype=jnp.float32) * 1000.0
    # Linear weights stored as [in, out] so forward is x @ W (equivalent to torch x @ W.T)
    W_node = jax.random.normal(ks[4], (D_NODE, D_EMB), dtype=jnp.float32) / np.sqrt(D_NODE)
    W_mem = jax.random.normal(ks[5], (D_MEM, D_EMB), dtype=jnp.float32) / np.sqrt(D_MEM)
    W_time = jax.random.normal(ks[6], (D_TIME, D_EMB), dtype=jnp.float32) / np.sqrt(D_TIME)
    time_w = jax.random.normal(ks[7], (1, D_TIME), dtype=jnp.float32)
    time_b = jax.random.normal(ks[8], (D_TIME,), dtype=jnp.float32) * 0.01
    return {
        "memory": memory,
        "source_nodes": source_nodes,
        "timestamps": timestamps,
        "node_features": node_features,
        "W_node": W_node,
        "W_mem": W_mem,
        "W_time": W_time,
        "time_w": time_w,
        "time_b": time_b,
    }


def reference(memory, source_nodes, timestamps, node_features, W_node, W_mem, W_time, time_w, time_b):
    # GraphEmbedding.compute_embedding with n_layers=0 (aggregate() is abstract,
    # so the only executable path is the base case).
    ts = timestamps[:, None]  # [B, 1]
    # src_time_emb = time_proj(time_encoder(zeros_like(ts))) -- computed in the
    # original forward before the n_layers==0 early return, but unused in output.
    src_time_emb = jnp.cos(jnp.zeros_like(ts) @ time_w + time_b) @ W_time
    h_src = jnp.take(node_features, source_nodes, axis=0) @ W_node  # node_proj(node_features[src])
    h_mem = jnp.take(memory, source_nodes, axis=0) @ W_mem          # memory_proj(mem[src])
    h_src = h_src + h_mem
    del src_time_emb
    return h_src

if __name__ == "__main__":
    import jax
    _d = setup_inputs()
    print(jax.jit(kernel)(*tuple(_d.values())))

</pallas_src>

<mosaic_0001>
#map = affine_map<(d0, d1) -> (0, 0)>
#map1 = affine_map<(d0, d1) -> (0)>
module attributes {stable_mosaic.version = 14 : i64} {
  func.func @_sc_gather_body(%arg0: i32, %arg1: i32, %arg2: memref<100000x256xf32, #tpu.memory_space<hbm>>, %arg3: memref<100000x512xf32, #tpu.memory_space<hbm>>, %arg4: memref<16384xi32, #tpu.memory_space<hbm>>, %arg5: memref<16384x256xf32, #tpu.memory_space<hbm>>, %arg6: memref<16384x512xf32, #tpu.memory_space<hbm>>, %arg7: memref<512xi32, #tpu.memory_space<vmem>>, %arg8: memref<5x32x256xf32, #tpu.memory_space<vmem>>, %arg9: memref<5x32x512xf32, #tpu.memory_space<vmem>>, %arg10: memref<!tpu.dma_semaphore, #tpu.memory_space<semaphore_mem>>, %arg11: memref<!tpu.dma_semaphore, #tpu.memory_space<semaphore_mem>>, %arg12: memref<!tpu.dma_semaphore, #tpu.memory_space<semaphore_mem>>, %arg13: memref<!tpu.dma_semaphore, #tpu.memory_space<semaphore_mem>>, %arg14: memref<!tpu.dma_semaphore, #tpu.memory_space<semaphore_mem>>, %arg15: memref<!tpu.dma_semaphore, #tpu.memory_space<semaphore_mem>>, %arg16: memref<!tpu.dma_semaphore, #tpu.memory_space<semaphore_mem>>, %arg17: memref<!tpu.dma_semaphore, #tpu.memory_space<semaphore_mem>>, %arg18: memref<!tpu.dma_semaphore, #tpu.memory_space<semaphore_mem>>, %arg19: memref<!tpu.dma_semaphore, #tpu.memory_space<semaphore_mem>>) attributes {dimension_semantics = [#tpu.dimension_semantics<core_parallel>, #tpu.dimension_semantics<subcore_parallel>], iteration_bounds = array<i64: 2, 16>, scalar_prefetch = 0 : i64, scratch_operands = 13 : i64, tpu.core_type = #tpu.core_type<sc_vector_subcore>, window_params = [{transform_indices = #map}, {transform_indices = #map}, {transform_indices = #map1}, {transform_indices = #map}, {transform_indices = #map}]} {
    %mul3A = arith.constant 2 : i32
    %mul3A_0 = arith.muli %arg1, %mul3A : i32
    %add3A = arith.addi %mul3A_0, %arg0 : i32
    %mul3A_1 = arith.constant 512 : i32
    %mul3A_2 = arith.muli %add3A, %mul3A_1 : i32
    "tpu.region"() ({
      %run_scoped3A = tpu.sem_alloc : memref<!tpu.dma_semaphore, #tpu.memory_space<semaphore_mem>>
      %dma_start3A_1505 = tpu.memref_slice %arg4[%mul3A_2] : memref<16384xi32, #tpu.memory_space<hbm>> -> memref<512xi32, #tpu.memory_space<hbm>>
      %dma_start3A_1506 = tpu.memref_slice %arg4[%mul3A_2] : memref<16384xi32, #tpu.memory_space<hbm>> -> memref<512xi32, #tpu.memory_space<hbm>>
      tpu.enqueue_dma source(%dma_start3A_1506 : memref<512xi32, #tpu.memory_space<hbm>>) target(%arg7 : memref<512xi32, #tpu.memory_space<vmem>>) target_semaphore(%run_scoped3A : memref<!tpu.dma_semaphore, #tpu.memory_space<semaphore_mem>>)
      %dma_wait3A_1507 = tpu.memref_slice %arg4[%mul3A_2] : memref<16384xi32, #tpu.memory_space<hbm>> -> memref<512xi32, #tpu.memory_space<hbm>>
      %dma_wait3A_1508 = tpu.memref_slice %arg4[%mul3A_2] : memref<16384xi32, #tpu.memory_space<hbm>> -> memref<512xi32, #tpu.memory_space<hbm>>
      tpu.wait_dma2 semaphore(%run_scoped3A : memref<!tpu.dma_semaphore, #tpu.memory_space<semaphore_mem>>) src(%dma_wait3A_1508 : memref<512xi32, #tpu.memory_space<hbm>>) dst(%arg7 : memref<512xi32, #tpu.memory_space<vmem>>)
      tpu.yield
    }) : () -> ()
    %dma_start3A = arith.constant 0 : i32
    %dma_start3A_3 = arith.constant 0 : i32
    %dma_start3A_4 = arith.constant 0 : i32
    %dma_start3A_5 = tpu.memref_slice %arg8[%dma_start3A, %dma_start3A_3, %dma_start3A_4] : memref<5x32x256xf32, #tpu.memory_space<vmem>> -> memref<1x32x256xf32, #tpu.memory_space<vmem>>
    %dma_start3A_6 = tpu.memref_squeeze %dma_start3A_5 : memref<1x32x256xf32, #tpu.memory_space<vmem>> -> memref<32x256xf32, #tpu.memory_space<vmem>>
    %dma_start3A_7 = arith.constant 0 : i32
    %dma_start3A_8 = tpu.memref_slice %arg7[%dma_start3A_7] : memref<512xi32, #tpu.memory_space<vmem>> -> memref<32xi32, #tpu.memory_space<vmem>>
    %dma_start3A_9 = arith.constant 0 : i32
    %dma_start3A_10 = arith.constant 0 : i32
    %dma_start3A_11 = tpu.memref_slice %arg2[%dma_start3A_9, %dma_start3A_10] : memref<100000x256xf32, #tpu.memory_space<hbm>> -> memref<100000x256xf32, #tpu.memory_space<hbm>>
    tpu.enqueue_indirect_dma source(%dma_start3A_11 : memref<100000x256xf32, #tpu.memory_space<hbm>>) target(%dma_start3A_6 : memref<32x256xf32, #tpu.memory_space<vmem>>) offsets(%dma_start3A_8 : memref<32xi32, #tpu.memory_space<vmem>>) semaphore(%arg10 : memref<!tpu.dma_semaphore, #tpu.memory_space<semaphore_mem>>)
    %dma_start3A_12 = arith.constant 0 : i32
    %dma_start3A_13 = arith.constant 0 : i32
    %dma_start3A_14 = arith.constant 0 : i32
    %dma_start3A_15 = tpu.memref_slice %arg9[%dma_start3A_12, %dma_start3A_13, %dma_start3A_14] : memref<5x32x512xf32, #tpu.memory_space<vmem>> -> memref<1x32x512xf32, #tpu.memory_space<vmem>>
    %dma_start3A_16 = tpu.memref_squeeze %dma_start3A_15 : memref<1x32x512xf32, #tpu.memory_space<vmem>> -> memref<32x512xf32, #tpu.memory_space<vmem>>
    %dma_start3A_17 = arith.constant 0 : i32
    %dma_start3A_18 = tpu.memref_slice %arg7[%dma_start3A_17] : memref<512xi32, #tpu.memory_space<vmem>> -> memref<32xi32, #tpu.memory_space<vmem>>
    %dma_start3A_19 = arith.constant 0 : i32
    %dma_start3A_20 = arith.constant 0 : i32
    %dma_start3A_21 = tpu.memref_slice %arg3[%dma_start3A_19, %dma_start3A_20] : memref<100000x512xf32, #tpu.memory_space<hbm>> -> memref<100000x512xf32, #tpu.memory_space<hbm>>
    tpu.enqueue_indirect_dma source(%dma_start3A_21 : memref<100000x512xf32, #tpu.memory_space<hbm>>) target(%dma_start3A_16 : memref<32x512xf32, #tpu.memory_space<vmem>>) offsets(%dma_start3A_18 : memref<32xi32, #tpu.memory_space<vmem>>) semaphore(%arg10 : memref<!tpu.dma_semaphore, #tpu.memory_space<semaphore_mem>>)
    %dma_start3A_22 = arith.constant 1 : i32
    %dma_start3A_23 = arith.constant 0 : i32
    %dma_start3A_24 = arith.constant 0 : i32
    %dma_start3A_25 = tpu.memref_slice %arg8[%dma_start3A_22, %dma_start3A_23, %dma_start3A_24] : memref<5x32x256xf32, #tpu.memory_space<vmem>> -> memref<1x32x256xf32, #tpu.memory_space<vmem>>
    %dma_start3A_26 = tpu.memref_squeeze %dma_start3A_25 : memref<1x32x256xf32, #tpu.memory_space<vmem>> -> memref<32x256xf32, #tpu.memory_space<vmem>>
    %dma_start3A_27 = arith.constant 32 : i32
    %dma_start3A_28 = tpu.memref_slice %arg7[%dma_start3A_27] : memref<512xi32, #tpu.memory_space<vmem>> -> memref<32xi32, #tpu.memory_space<vmem>>
    %dma_start3A_29 = arith.constant 0 : i32
    %dma_start3A_30 = arith.constant 0 : i32
    %dma_start3A_31 = tpu.memref_slice %arg2[%dma_start3A_29, %dma_start3A_30] : memref<100000x256xf32, #tpu.memory_space<hbm>> -> memref<100000x256xf32, #tpu.memory_space<hbm>>
    tpu.enqueue_indirect_dma source(%dma_start3A_31 : memref<100000x256xf32, #tpu.memory_space<hbm>>) target(%dma_start3A_26 : memref<32x256xf32, #tpu.memory_space<vmem>>) offsets(%dma_start3A_28 : memref<32xi32, #tpu.memory_space<vmem>>) semaphore(%arg11 : memref<!tpu.dma_semaphore, #tpu.memory_space<semaphore_mem>>)
    %dma_start3A_32 = arith.constant 1 : i32
    %dma_start3A_33 = arith.constant 0 : i32
    %dma_start3A_34 = arith.constant 0 : i32
    %dma_start3A_35 = tpu.memref_slice %arg9[%dma_start3A_32, %dma_start3A_33, %dma_start3A_34] : memref<5x32x512xf32, #tpu.memory_space<vmem>> -> memref<1x32x512xf32, #tpu.memory_space<vmem>>
    %dma_start3A_36 = tpu.memref_squeeze %dma_start3A_35 : memref<1x32x512xf32, #tpu.memory_space<vmem>> -> memref<32x512xf32, #tpu.memory_space<vmem>>
    %dma_start3A_37 = arith.constant 32 : i32
    %dma_start3A_38 = tpu.memref_slice %arg7[%dma_start3A_37] : memref<512xi32, #tpu.memory_space<vmem>> -> memref<32xi32, #tpu.memory_space<vmem>>
    %dma_start3A_39 = arith.constant 0 : i32
    %dma_start3A_40 = arith.constant 0 : i32
    %dma_start3A_41 = tpu.memref_slice %arg3[%dma_start3A_39, %dma_start3A_40] : memref<100000x512xf32, #tpu.memory_space<hbm>> -> memref<100000x512xf32, #tpu.memory_space<hbm>>
    tpu.enqueue_indirect_dma source(%dma_start3A_41 : memref<100000x512xf32, #tpu.memory_space<hbm>>) target(%dma_start3A_36 : memref<32x512xf32, #tpu.memory_space<vmem>>) offsets(%dma_start3A_38 : memref<32xi32, #tpu.memory_space<vmem>>) semaphore(%arg11 : memref<!tpu.dma_semaphore, #tpu.memory_space<semaphore_mem>>)
    %dma_start3A_42 = arith.constant 2 : i32
    %dma_start3A_43 = arith.constant 0 : i32
    %dma_start3A_44 = arith.constant 0 : i32
    %dma_start3A_45 = tpu.memref_slice %arg8[%dma_start3A_42, %dma_start3A_43, %dma_start3A_44] : memref<5x32x256xf32, #tpu.memory_space<vmem>> -> memref<1x32x256xf32, #tpu.memory_space<vmem>>
    %dma_start3A_46 = tpu.memref_squeeze %dma_start3A_45 : memref<1x32x256xf32, #tpu.memory_space<vmem>> -> memref<32x256xf32, #tpu.memory_space<vmem>>
    %dma_start3A_47 = arith.constant 64 : i32
    %dma_start3A_48 = tpu.memref_slice %arg7[%dma_start3A_47] : memref<512xi32, #tpu.memory_space<vmem>> -> memref<32xi32, #tpu.memory_space<vmem>>
    %dma_start3A_49 = arith.constant 0 : i32
    %dma_start3A_50 = arith.constant 0 : i32
    %dma_start3A_51 = tpu.memref_slice %arg2[%dma_start3A_49, %dma_start3A_50] : memref<100000x256xf32, #tpu.memory_space<hbm>> -> memref<100000x256xf32, #tpu.memory_space<hbm>>
    tpu.enqueue_indirect_dma source(%dma_start3A_51 : memref<100000x256xf32, #tpu.memory_space<hbm>>) target(%dma_start3A_46 : memref<32x256xf32, #tpu.memory_space<vmem>>) offsets(%dma_start3A_48 : memref<32xi32, #tpu.memory_space<vmem>>) semaphore(%arg12 : memref<!tpu.dma_semaphore, #tpu.memory_space<semaphore_mem>>)
    %dma_start3A_52 = arith.constant 2 : i32
    %dma_start3A_53 = arith.constant 0 : i32
    %dma_start3A_54 = arith.constant 0 : i32
    %dma_start3A_55 = tpu.memref_slice %arg9[%dma_start3A_52, %dma_start3A_53, %dma_start3A_54] : memref<5x32x512xf32, #tpu.memory_space<vmem>> -> memref<1x32x512xf32, #tpu.memory_space<vmem>>
    %dma_start3A_56 = tpu.memref_squeeze %dma_start3A_55 : memref<1x32x512xf32, #tpu.memory_space<vmem>> -> memref<32x512xf32, #tpu.memory_space<vmem>>
    %dma_start3A_57 = arith.constant 64 : i32
    %dma_start3A_58 = tpu.memref_slice %arg7[%dma_start3A_57] : memref<512xi32, #tpu.memory_space<vmem>> -> memref<32xi32, #tpu.memory_space<vmem>>
    %dma_start3A_59 = arith.constant 0 : i32
    %dma_start3A_60 = arith.constant 0 : i32
    %dma_start3A_61 = tpu.memref_slice %arg3[%dma_start3A_59, %dma_start3A_60] : memref<100000x512xf32, #tpu.memory_space<hbm>> -> memref<100000x512xf32, #tpu.memory_space<hbm>>
    tpu.enqueue_indirect_dma source(%dma_start3A_61 : memref<100000x512xf32, #tpu.memory_space<hbm>>) target(%dma_start3A_56 : memref<32x512xf32, #tpu.memory_space<vmem>>) offsets(%dma_start3A_58 : memref<32xi32, #tpu.memory_space<vmem>>) semaphore(%arg12 : memref<!tpu.dma_semaphore, #tpu.memory_space<semaphore_mem>>)
    %dma_start3A_62 = arith.constant 3 : i32
    %dma_start3A_63 = arith.constant 0 : i32
    %dma_start3A_64 = arith.constant 0 : i32
    %dma_start3A_65 = tpu.memref_slice %arg8[%dma_start3A_62, %dma_start3A_63, %dma_start3A_64] : memref<5x32x256xf32, #tpu.memory_space<vmem>> -> memref<1x32x256xf32, #tpu.memory_space<vmem>>
    %dma_start3A_66 = tpu.memref_squeeze %dma_start3A_65 : memref<1x32x256xf32, #tpu.memory_space<vmem>> -> memref<32x256xf32, #tpu.memory_space<vmem>>
    %dma_start3A_67 = arith.constant 96 : i32
    %dma_start3A_68 = tpu.memref_slice %arg7[%dma_start3A_67] : memref<512xi32, #tpu.memory_space<vmem>> -> memref<32xi32, #tpu.memory_space<vmem>>
    %dma_start3A_69 = arith.constant 0 : i32
    %dma_start3A_70 = arith.constant 0 : i32
    %dma_start3A_71 = tpu.memref_slice %arg2[%dma_start3A_69, %dma_start3A_70] : memref<100000x256xf32, #tpu.memory_space<hbm>> -> memref<100000x256xf32, #tpu.memory_space<hbm>>
    tpu.enqueue_indirect_dma source(%dma_start3A_71 : memref<100000x256xf32, #tpu.memory_space<hbm>>) target(%dma_start3A_66 : memref<32x256xf32, #tpu.memory_space<vmem>>) offsets(%dma_start3A_68 : memref<32xi32, #tpu.memory_space<vmem>>) semaphore(%arg13 : memref<!tpu.dma_semaphore, #tpu.memory_space<semaphore_mem>>)
    %dma_start3A_72 = arith.constant 3 : i32
    %dma_start3A_73 = arith.constant 0 : i32
    %dma_start3A_74 = arith.constant 0 : i32
    %dma_start3A_75 = tpu.memref_slice %arg9[%dma_start3A_72, %dma_start3A_73, %dma_start3A_74] : memref<5x32x512xf32, #tpu.memory_space<vmem>> -> memref<1x32x512xf32, #tpu.memory_space<vmem>>
    %dma_start3A_76 = tpu.memref_squeeze %dma_start3A_75 : memref<1x32x512xf32, #tpu.memory_space<vmem>> -> memref<32x512xf32, #tpu.memory_space<vmem>>
    %dma_start3A_77 = arith.constant 96 : i32
    %dma_start3A_78 = tpu.memref_slice %arg7[%dma_start3A_77] : memref<512xi32, #tpu.memory_space<vmem>> -> memref<32xi32, #tpu.memory_space<vmem>>
    %dma_start3A_79 = arith.constant 0 : i32
    %dma_start3A_80 = arith.constant 0 : i32
    %dma_start3A_81 = tpu.memref_slice %arg3[%dma_start3A_79, %dma_start3A_80] : memref<100000x512xf32, #tpu.memory_space<hbm>> -> memref<100000x512xf32, #tpu.memory_space<hbm>>
    tpu.enqueue_indirect_dma source(%dma_start3A_81 : memref<100000x512xf32, #tpu.memory_space<hbm>>) target(%dma_start3A_76 : memref<32x512xf32, #tpu.memory_space<vmem>>) offsets(%dma_start3A_78 : memref<32xi32, #tpu.memory_space<vmem>>) semaphore(%arg13 : memref<!tpu.dma_semaphore, #tpu.memory_space<semaphore_mem>>)
    %dma_start3A_82 = arith.constant 4 : i32
    %dma_start3A_83 = arith.constant 0 : i32
    %dma_start3A_84 = arith.constant 0 : i32
    %dma_start3A_85 = tpu.memref_slice %arg8[%dma_start3A_82, %dma_start3A_83, %dma_start3A_84] : memref<5x32x256xf32, #tpu.memory_space<vmem>> -> memref<1x32x256xf32, #tpu.memory_space<vmem>>
    %dma_start3A_86 = tpu.memref_squeeze %dma_start3A_85 : memref<1x32x256xf32, #tpu.memory_space<vmem>> -> memref<32x256xf32, #tpu.memory_space<vmem>>
    %dma_start3A_87 = arith.constant 128 : i32
    %dma_start3A_88 = tpu.memref_slice %arg7[%dma_start3A_87] : memref<512xi32, #tpu.memory_space<vmem>> -> memref<32xi32, #tpu.memory_space<vmem>>
    %dma_start3A_89 = arith.constant 0 : i32
    %dma_start3A_90 = arith.constant 0 : i32
    %dma_start3A_91 = tpu.memref_slice %arg2[%dma_start3A_89, %dma_start3A_90] : memref<100000x256xf32, #tpu.memory_space<hbm>> -> memref<100000x256xf32, #tpu.memory_space<hbm>>
    tpu.enqueue_indirect_dma source(%dma_start3A_91 : memref<100000x256xf32, #tpu.memory_space<hbm>>) target(%dma_start3A_86 : memref<32x256xf32, #tpu.memory_space<vmem>>) offsets(%dma_start3A_88 : memref<32xi32, #tpu.memory_space<vmem>>) semaphore(%arg14 : memref<!tpu.dma_semaphore, #tpu.memory_space<semaphore_mem>>)
    %dma_start3A_92 = arith.constant 4 : i32
    %dma_start3A_93 = arith.constant 0 : i32
    %dma_start3A_94 = arith.constant 0 : i32
    %dma_start3A_95 = tpu.memref_slice %arg9[%dma_start3A_92, %dma_start3A_93, %dma_start3A_94] : memref<5x32x512xf32, #tpu.memory_space<vmem>> -> memref<1x32x512xf32, #tpu.memory_space<vmem>>
    %dma_start3A_96 = tpu.memref_squeeze %dma_start3A_95 : memref<1x32x512xf32, #tpu.memory_space<vmem>> -> memref<32x512xf32, #tpu.memory_space<vmem>>
    %dma_start3A_97 = arith.constant 128 : i32
    %dma_start3A_98 = tpu.memref_slice %arg7[%dma_start3A_97] : memref<512xi32, #tpu.memory_space<vmem>> -> memref<32xi32, #tpu.memory_space<vmem>>
    %dma_start3A_99 = arith.constant 0 : i32
    %dma_start3A_100 = arith.constant 0 : i32
    %dma_start3A_101 = tpu.memref_slice %arg3[%dma_start3A_99, %dma_start3A_100] : memref<100000x512xf32, #tpu.memory_space<hbm>> -> memref<100000x512xf32, #tpu.memory_space<hbm>>
    tpu.enqueue_indirect_dma source(%dma_start3A_101 : memref<100000x512xf32, #tpu.memory_space<hbm>>) target(%dma_start3A_96 : memref<32x512xf32, #tpu.memory_space<vmem>>) offsets(%dma_start3A_98 : memref<32xi32, #tpu.memory_space<vmem>>) semaphore(%arg14 : memref<!tpu.dma_semaphore, #tpu.memory_space<semaphore_mem>>)
    %dma_wait3A = arith.constant 0 : i32
    %dma_wait3A_102 = arith.constant 0 : i32
    %dma_wait3A_103 = arith.constant 0 : i32
    %dma_wait3A_104 = tpu.memref_slice %arg8[%dma_wait3A, %dma_wait3A_102, %dma_wait3A_103] : memref<5x32x256xf32, #tpu.memory_space<vmem>> -> memref<1x32x256xf32, #tpu.memory_space<vmem>>
    %dma_wait3A_105 = tpu.memref_squeeze %dma_wait3A_104 : memref<1x32x256xf32, #tpu.memory_space<vmem>> -> memref<32x256xf32, #tpu.memory_space<vmem>>
    %dma_wait3A_106 = arith.constant 0 : i32
    %dma_wait3A_107 = tpu.memref_slice %arg7[%dma_wait3A_106] : memref<512xi32, #tpu.memory_space<vmem>> -> memref<32xi32, #tpu.memory_space<vmem>>
    %dma_wait3A_108 = arith.constant 0 : i32
    %dma_wait3A_109 = arith.constant 0 : i32
    %dma_wait3A_110 = tpu.memref_slice %arg2[%dma_wait3A_108, %dma_wait3A_109] : memref<100000x256xf32, #tpu.memory_space<hbm>> -> memref<100000x256xf32, #tpu.memory_space<hbm>>
    tpu.wait_indirect_dma semaphore(%arg10 : memref<!tpu.dma_semaphore, #tpu.memory_space<semaphore_mem>>) src(%dma_wait3A_110 : memref<100000x256xf32, #tpu.memory_space<hbm>>) dst(%dma_wait3A_105 : memref<32x256xf32, #tpu.memory_space<vmem>>)
    %dma_wait3A_111 = arith.constant 0 : i32
    %dma_wait3A_112 = arith.constant 0 : i32
    %dma_wait3A_113 = arith.constant 0 : i32
    %dma_wait3A_114 = tpu.memref_slice %arg9[%dma_wait3A_111, %dma_wait3A_112, %dma_wait3A_113] : memref<5x32x512xf32, #tpu.memory_space<vmem>> -> memref<1x32x512xf32, #tpu.memory_space<vmem>>
    %dma_wait3A_115 = tpu.memref_squeeze %dma_wait3A_114 : memref<1x32x512xf32, #tpu.memory_space<vmem>> -> memref<32x512xf32, #tpu.memory_space<vmem>>
    %dma_wait3A_116 = arith.constant 0 : i32
    %dma_wait3A_117 = tpu.memref_slice %arg7[%dma_wait3A_116] : memref<512xi32, #tpu.memory_space<vmem>> -> memref<32xi32, #tpu.memory_space<vmem>>
    %dma_wait3A_118 = arith.constant 0 : i32
    %dma_wait3A_119 = arith.constant 0 : i32
    %dma_wait3A_120 = tpu.memref_slice %arg3[%dma_wait3A_118, %dma_wait3A_119] : memref<100000x512xf32, #tpu.memory_space<hbm>> -> memref<100000x512xf32, #tpu.memory_space<hbm>>
    tpu.wait_indirect_dma semaphore(%arg10 : memref<!tpu.dma_semaphore, #tpu.memory_space<semaphore_mem>>) src(%dma_wait3A_120 : memref<100000x512xf32, #tpu.memory_space<hbm>>) dst(%dma_wait3A_115 : memref<32x512xf32, #tpu.memory_space<vmem>>)
    %add3A_121 = arith.constant 0 : i32
    %add3A_122 = arith.addi %mul3A_2, %add3A_121 : i32
    %dma_start3A_123 = arith.constant 0 : i32
    %dma_start3A_124 = arith.constant 0 : i32
    %dma_start3A_125 = arith.constant 0 : i32
    %dma_start3A_126 = tpu.memref_slice %arg8[%dma_start3A_123, %dma_start3A_124, %dma_start3A_125] : memref<5x32x256xf32, #tpu.memory_space<vmem>> -> memref<1x32x256xf32, #tpu.memory_space<vmem>>
    %dma_start3A_127 = tpu.memref_squeeze %dma_start3A_126 : memref<1x32x256xf32, #tpu.memory_space<vmem>> -> memref<32x256xf32, #tpu.memory_space<vmem>>
    %dma_start3A_128 = arith.constant 0 : i32
    %dma_start3A_129 = tpu.memref_slice %arg5[%add3A_122, %dma_start3A_128] : memref<16384x256xf32, #tpu.memory_space<hbm>> -> memref<32x256xf32, #tpu.memory_space<hbm>>
    %dma_start3A_130 = arith.constant 0 : i32
    %dma_start3A_131 = tpu.memref_slice %arg5[%add3A_122, %dma_start3A_130] : memref<16384x256xf32, #tpu.memory_space<hbm>> -> memref<32x256xf32, #tpu.memory_space<hbm>>
    %dma_start3A_132 = arith.constant 0 : i32
    %dma_start3A_133 = arith.constant 0 : i32
    %dma_start3A_134 = tpu.memref_slice %arg8[%dma_start3A_123, %dma_start3A_132, %dma_start3A_133] : memref<5x32x256xf32, #tpu.memory_space<vmem>> -> memref<1x32x256xf32, #tpu.memory_space<vmem>>
    %dma_start3A_135 = tpu.memref_squeeze %dma_start3A_134 : memref<1x32x256xf32, #tpu.memory_space<vmem>> -> memref<32x256xf32, #tpu.memory_space<vmem>>
    tpu.enqueue_dma source(%dma_start3A_135 : memref<32x256xf32, #tpu.memory_space<vmem>>) target(%dma_start3A_131 : memref<32x256xf32, #tpu.memory_space<hbm>>) target_semaphore(%arg15 : memref<!tpu.dma_semaphore, #tpu.memory_space<semaphore_mem>>)
    %dma_start3A_136 = arith.constant 0 : i32
    %dma_start3A_137 = arith.constant 0 : i32
    %dma_start3A_138 = arith.constant 0 : i32
    %dma_start3A_139 = tpu.memref_slice %arg9[%dma_start3A_136, %dma_start3A_137, %dma_start3A_138] : memref<5x32x512xf32, #tpu.memory_space<vmem>> -> memref<1x32x512xf32, #tpu.memory_space<vmem>>
    %dma_start3A_140 = tpu.memref_squeeze %dma_start3A_139 : memref<1x32x512xf32, #tpu.memory_space<vmem>> -> memref<32x512xf32, #tpu.memory_space<vmem>>
    %dma_start3A_141 = arith.constant 0 : i32
    %dma_start3A_142 = tpu.memref_slice %arg6[%add3A_122, %dma_start3A_141] : memref<16384x512xf32, #tpu.memory_space<hbm>> -> memref<32x512xf32, #tpu.memory_space<hbm>>
    %dma_start3A_143 = arith.constant 0 : i32
    %dma_start3A_144 = tpu.memref_slice %arg6[%add3A_122, %dma_start3A_143] : memref<16384x512xf32, #tpu.memory_space<hbm>> -> memref<32x512xf32, #tpu.memory_space<hbm>>
    %dma_start3A_145 = arith.constant 0 : i32
    %dma_start3A_146 = arith.constant 0 : i32
    %dma_start3A_147 = tpu.memref_slice %arg9[%dma_start3A_136, %dma_start3A_145, %dma_start3A_146] : memref<5x32x512xf32, #tpu.memory_space<vmem>> -> memref<1x32x512xf32, #tpu.memory_space<vmem>>
    %dma_start3A_148 = tpu.memref_squeeze %dma_start3A_147 : memref<1x32x512xf32, #tpu.memory_space<vmem>> -> memref<32x512xf32, #tpu.memory_space<vmem>>
    tpu.enqueue_dma source(%dma_start3A_148 : memref<32x512xf32, #tpu.memory_space<vmem>>) target(%dma_start3A_144 : memref<32x512xf32, #tpu.memory_space<hbm>>) target_semaphore(%arg15 : memref<!tpu.dma_semaphore, #tpu.memory_space<semaphore_mem>>)
    %dma_wait3A_149 = arith.constant 0 : i32
    %dma_wait3A_150 = arith.constant 0 : i32
    %dma_wait3A_151 = arith.constant 0 : i32
    %dma_wait3A_152 = tpu.memref_slice %arg8[%dma_wait3A_149, %dma_wait3A_150, %dma_wait3A_151] : memref<5x32x256xf32, #tpu.memory_space<vmem>> -> memref<1x32x256xf32, #tpu.memory_space<vmem>>
    %dma_wait3A_153 = tpu.memref_squeeze %dma_wait3A_152 : memref<1x32x256xf32, #tpu.memory_space<vmem>> -> memref<32x256xf32, #tpu.memory_space<vmem>>
    %dma_wait3A_154 = arith.constant 0 : i32
    %dma_wait3A_155 = tpu.memref_slice %arg5[%add3A_122, %dma_wait3A_154] : memref<16384x256xf32, #tpu.memory_space<hbm>> -> memref<32x256xf32, #tpu.memory_space<hbm>>
    %dma_wait3A_156 = arith.constant 0 : i32
    %dma_wait3A_157 = tpu.memref_slice %arg5[%add3A_122, %dma_wait3A_156] : memref<16384x256xf32, #tpu.memory_space<hbm>> -> memref<32x256xf32, #tpu.memory_space<hbm>>
    %dma_wait3A_158 = arith.constant 0 : i32
    %dma_wait3A_159 = arith.constant 0 : i32
    %dma_wait3A_160 = tpu.memref_slice %arg8[%dma_wait3A_149, %dma_wait3A_158, %dma_wait3A_159] : memref<5x32x256xf32, #tpu.memory_space<vmem>> -> memref<1x32x256xf32, #tpu.memory_space<vmem>>
    %dma_wait3A_161 = tpu.memref_squeeze %dma_wait3A_160 : memref<1x32x256xf32, #tpu.memory_space<vmem>> -> memref<32x256xf32, #tpu.memory_space<vmem>>
    tpu.wait_dma2 semaphore(%arg15 : memref<!tpu.dma_semaphore, #tpu.memory_space<semaphore_mem>>) src(%dma_wait3A_161 : memref<32x256xf32, #tpu.memory_space<vmem>>) dst(%dma_wait3A_157 : memref<32x256xf32, #tpu.memory_space<hbm>>)
    %dma_wait3A_162 = arith.constant 0 : i32
    %dma_wait3A_163 = arith.constant 0 : i32
    %dma_wait3A_164 = arith.constant 0 : i32
    %dma_wait3A_165 = tpu.memref_slice %arg9[%dma_wait3A_162, %dma_wait3A_163, %dma_wait3A_164] : memref<5x32x512xf32, #tpu.memory_space<vmem>> -> memref<1x32x512xf32, #tpu.memory_space<vmem>>
    %dma_wait3A_166 = tpu.memref_squeeze %dma_wait3A_165 : memref<1x32x512xf32, #tpu.memory_space<vmem>> -> memref<32x512xf32, #tpu.memory_space<vmem>>
    %dma_wait3A_167 = arith.constant 0 : i32
    %dma_wait3A_168 = tpu.memref_slice %arg6[%add3A_122, %dma_wait3A_167] : memref<16384x512xf32, #tpu.memory_space<hbm>> -> memref<32x512xf32, #tpu.memory_space<hbm>>
    %dma_wait3A_169 = arith.constant 0 : i32
    %dma_wait3A_170 = tpu.memref_slice %arg6[%add3A_122, %dma_wait3A_169] : memref<16384x512xf32, #tpu.memory_space<hbm>> -> memref<32x512xf32, #tpu.memory_space<hbm>>
    %dma_wait3A_171 = arith.constant 0 : i32
    %dma_wait3A_172 = arith.constant 0 : i32
    %dma_wait3A_173 = tpu.memref_slice %arg9[%dma_wait3A_162, %dma_wait3A_171, %dma_wait3A_172] : memref<5x32x512xf32, #tpu.memory_space<vmem>> -> memref<1x32x512xf32, #tpu.memory_space<vmem>>
    %dma_wait3A_174 = tpu.memref_squeeze %dma_wait3A_173 : memref<1x32x512xf32, #tpu.memory_space<vmem>> -> memref<32x512xf32, #tpu.memory_space<vmem>>
    tpu.wait_dma2 semaphore(%arg15 : memref<!tpu.dma_semaphore, #tpu.memory_space<semaphore_mem>>) src(%dma_wait3A_174 : memref<32x512xf32, #tpu.memory_space<vmem>>) dst(%dma_wait3A_170 : memref<32x512xf32, #tpu.memory_space<hbm>>)
    %dma_start3A_175 = arith.constant 0 : i32
    %dma_start3A_176 = arith.constant 0 : i32
    %dma_start3A_177 = arith.constant 0 : i32
    %dma_start3A_178 = tpu.memref_slice %arg8[%dma_start3A_175, %dma_start3A_176, %dma_start3A_177] : memref<5x32x256xf32, #tpu.memory_space<vmem>> -> memref<1x32x256xf32, #tpu.memory_space<vmem>>
    %dma_start3A_179 = tpu.memref_squeeze %dma_start3A_178 : memref<1x32x256xf32, #tpu.memory_space<vmem>> -> memref<32x256xf32, #tpu.memory_space<vmem>>
    %dma_start3A_180 = arith.constant 160 : i32
    %dma_start3A_181 = tpu.memref_slice %arg7[%dma_start3A_180] : memref<512xi32, #tpu.memory_space<vmem>> -> memref<32xi32, #tpu.memory_space<vmem>>
    %dma_start3A_182 = arith.constant 0 : i32
    %dma_start3A_183 = arith.constant 0 : i32
    %dma_start3A_184 = tpu.memref_slice %arg2[%dma_start3A_182, %dma_start3A_183] : memref<100000x256xf32, #tpu.memory_space<hbm>> -> memref<100000x256xf32, #tpu.memory_space<hbm>>
    tpu.enqueue_indirect_dma source(%dma_start3A_184 : memref<100000x256xf32, #tpu.memory_space<hbm>>) target(%dma_start3A_179 : memref<32x256xf32, #tpu.memory_space<vmem>>) offsets(%dma_start3A_181 : memref<32xi32, #tpu.memory_space<vmem>>) semaphore(%arg10 : memref<!tpu.dma_semaphore, #tpu.memory_space<semaphore_mem>>)
    %dma_start3A_185 = arith.constant 0 : i32
    %dma_start3A_186 = arith.constant 0 : i32
    %dma_start3A_187 = arith.constant 0 : i32
    %dma_start3A_188 = tpu.memref_slice %arg9[%dma_start3A_185, %dma_start3A_186, %dma_start3A_187] : memref<5x32x512xf32, #tpu.memory_space<vmem>> -> memref<1x32x512xf32, #tpu.memory_space<vmem>>
    %dma_start3A_189 = tpu.memref_squeeze %dma_start3A_188 : memref<1x32x512xf32, #tpu.memory_space<vmem>> -> memref<32x512xf32, #tpu.memory_space<vmem>>
    %dma_start3A_190 = arith.constant 160 : i32
    %dma_start3A_191 = tpu.memref_slice %arg7[%dma_start3A_190] : memref<512xi32, #tpu.memory_space<vmem>> -> memref<32xi32, #tpu.memory_space<vmem>>
    %dma_start3A_192 = arith.constant 0 : i32
    %dma_start3A_193 = arith.constant 0 : i32
    %dma_start3A_194 = tpu.memref_slice %arg3[%dma_start3A_192, %dma_start3A_193] : memref<100000x512xf32, #tpu.memory_space<hbm>> -> memref<100000x512xf32, #tpu.memory_space<hbm>>
    tpu.enqueue_indirect_dma source(%dma_start3A_194 : memref<100000x512xf32, #tpu.memory_space<hbm>>) target(%dma_start3A_189 : memref<32x512xf32, #tpu.memory_space<vmem>>) offsets(%dma_start3A_191 : memref<32xi32, #tpu.memory_space<vmem>>) semaphore(%arg10 : memref<!tpu.dma_semaphore, #tpu.memory_space<semaphore_mem>>)
    %dma_wait3A_195 = arith.constant 1 : i32
    %dma_wait3A_196 = arith.constant 0 : i32
    %dma_wait3A_197 = arith.constant 0 : i32
    %dma_wait3A_198 = tpu.memref_slice %arg8[%dma_wait3A_195, %dma_wait3A_196, %dma_wait3A_197] : memref<5x32x256xf32, #tpu.memory_space<vmem>> -> memref<1x32x256xf32, #tpu.memory_space<vmem>>
    %dma_wait3A_199 = tpu.memref_squeeze %dma_wait3A_198 : memref<1x32x256xf32, #tpu.memory_space<vmem>> -> memref<32x256xf32, #tpu.memory_space<vmem>>
    %dma_wait3A_200 = arith.constant 32 : i32
    %dma_wait3A_201 = tpu.memref_slice %arg7[%dma_wait3A_200] : memref<512xi32, #tpu.memory_space<vmem>> -> memref<32xi32, #tpu.memory_space<vmem>>
    %dma_wait3A_202 = arith.constant 0 : i32
    %dma_wait3A_203 = arith.constant 0 : i32
    %dma_wait3A_204 = tpu.memref_slice %arg2[%dma_wait3A_202, %dma_wait3A_203] : memref<100000x256xf32, #tpu.memory_space<hbm>> -> memref<100000x256xf32, #tpu.memory_space<hbm>>
    tpu.wait_indirect_dma semaphore(%arg11 : memref<!tpu.dma_semaphore, #tpu.memory_space<semaphore_mem>>) src(%dma_wait3A_204 : memref<100000x256xf32, #tpu.memory_space<hbm>>) dst(%dma_wait3A_199 : memref<32x256xf32, #tpu.memory_space<vmem>>)
    %dma_wait3A_205 = arith.constant 1 : i32
    %dma_wait3A_206 = arith.constant 0 : i32
    %dma_wait3A_207 = arith.constant 0 : i32
    %dma_wait3A_208 = tpu.memref_slice %arg9[%dma_wait3A_205, %dma_wait3A_206, %dma_wait3A_207] : memref<5x32x512xf32, #tpu.memory_space<vmem>> -> memref<1x32x512xf32, #tpu.memory_space<vmem>>
    %dma_wait3A_209 = tpu.memref_squeeze %dma_wait3A_208 : memref<1x32x512xf32, #tpu.memory_space<vmem>> -> memref<32x512xf32, #tpu.memory_space<vmem>>
    %dma_wait3A_210 = arith.constant 32 : i32
    %dma_wait3A_211 = tpu.memref_slice %arg7[%dma_wait3A_210] : memref<512xi32, #tpu.memory_space<vmem>> -> memref<32xi32, #tpu.memory_space<vmem>>
    %dma_wait3A_212 = arith.constant 0 : i32
    %dma_wait3A_213 = arith.constant 0 : i32
    %dma_wait3A_214 = tpu.memref_slice %arg3[%dma_wait3A_212, %dma_wait3A_213] : memref<100000x512xf32, #tpu.memory_space<hbm>> -> memref<100000x512xf32, #tpu.memory_space<hbm>>
    tpu.wait_indirect_dma semaphore(%arg11 : memref<!tpu.dma_semaphore, #tpu.memory_space<semaphore_mem>>) src(%dma_wait3A_214 : memref<100000x512xf32, #tpu.memory_space<hbm>>) dst(%dma_wait3A_209 : memref<32x512xf32, #tpu.memory_space<vmem>>)
    %add3A_215 = arith.constant 32 : i32
    %add3A_216 = arith.addi %mul3A_2, %add3A_215 : i32
    %dma_start3A_217 = arith.constant 1 : i32
    %dma_start3A_218 = arith.constant 0 : i32
    %dma_start3A_219 = arith.constant 0 : i32
    %dma_start3A_220 = tpu.memref_slice %arg8[%dma_start3A_217, %dma_start3A_218, %dma_start3A_219] : memref<5x32x256xf32, #tpu.memory_space<vmem>> -> memref<1x32x256xf32, #tpu.memory_space<vmem>>
    %dma_start3A_221 = tpu.memref_squeeze %dma_start3A_220 : memref<1x32x256xf32, #tpu.memory_space<vmem>> -> memref<32x256xf32, #tpu.memory_space<vmem>>
    %dma_start3A_222 = arith.constant 0 : i32
    %dma_start3A_223 = tpu.memref_slice %arg5[%add3A_216, %dma_start3A_222] : memref<16384x256xf32, #tpu.memory_space<hbm>> -> memref<32x256xf32, #tpu.memory_space<hbm>>
    %dma_start3A_224 = arith.constant 0 : i32
    %dma_start3A_225 = tpu.memref_slice %arg5[%add3A_216, %dma_start3A_224] : memref<16384x256xf32, #tpu.memory_space<hbm>> -> memref<32x256xf32, #tpu.memory_space<hbm>>
    %dma_start3A_226 = arith.constant 0 : i32
    %dma_start3A_227 = arith.constant 0 : i32
    %dma_start3A_228 = tpu.memref_slice %arg8[%dma_start3A_217, %dma_start3A_226, %dma_start3A_227] : memref<5x32x256xf32, #tpu.memory_space<vmem>> -> memref<1x32x256xf32, #tpu.memory_space<vmem>>
    %dma_start3A_229 = tpu.memref_squeeze %dma_start3A_228 : memref<1x32x256xf32, #tpu.memory_space<vmem>> -> memref<32x256xf32, #tpu.memory_space<vmem>>
    tpu.enqueue_dma source(%dma_start3A_229 : memref<32x256xf32, #tpu.memory_space<vmem>>) target(%dma_start3A_225 : memref<32x256xf32, #tpu.memory_space<hbm>>) target_semaphore(%arg16 : memref<!tpu.dma_semaphore, #tpu.memory_space<semaphore_mem>>)
    %dma_start3A_230 = arith.constant 1 : i32
    %dma_start3A_231 = arith.constant 0 : i32
    %dma_start3A_232 = arith.constant 0 : i32
    %dma_start3A_233 = tpu.memref_slice %arg9[%dma_start3A_230, %dma_start3A_231, %dma_start3A_232] : memref<5x32x512xf32, #tpu.memory_space<vmem>> -> memref<1x32x512xf32, #tpu.memory_space<vmem>>
    %dma_start3A_234 = tpu.memref_squeeze %dma_start3A_233 : memref<1x32x512xf32, #tpu.memory_space<vmem>> -> memref<32x512xf32, #tpu.memory_space<vmem>>
    %dma_start3A_235 = arith.constant 0 : i32
    %dma_start3A_236 = tpu.memref_slice %arg6[%add3A_216, %dma_start3A_235] : memref<16384x512xf32, #tpu.memory_space<hbm>> -> memref<32x512xf32, #tpu.memory_space<hbm>>
    %dma_start3A_237 = arith.constant 0 : i32
    %dma_start3A_238 = tpu.memref_slice %arg6[%add3A_216, %dma_start3A_237] : memref<16384x512xf32, #tpu.memory_space<hbm>> -> memref<32x512xf32, #tpu.memory_space<hbm>>
    %dma_start3A_239 = arith.constant 0 : i32
    %dma_start3A_240 = arith.constant 0 : i32
    %dma_start3A_241 = tpu.memref_slice %arg9[%dma_start3A_230, %dma_start3A_239, %dma_start3A_240] : memref<5x32x512xf32, #tpu.memory_space<vmem>> -> memref<1x32x512xf32, #tpu.memory_space<vmem>>
    %dma_start3A_242 = tpu.memref_squeeze %dma_start3A_241 : memref<1x32x512xf32, #tpu.memory_space<vmem>> -> memref<32x512xf32, #tpu.memory_space<vmem>>
    tpu.enqueue_dma source(%dma_start3A_242 : memref<32x512xf32, #tpu.memory_space<vmem>>) target(%dma_start3A_238 : memref<32x512xf32, #tpu.memory_space<hbm>>) target_semaphore(%arg16 : memref<!tpu.dma_semaphore, #tpu.memory_space<semaphore_mem>>)
    %dma_wait3A_243 = arith.constant 1 : i32
    %dma_wait3A_244 = arith.constant 0 : i32
    %dma_wait3A_245 = arith.constant 0 : i32
    %dma_wait3A_246 = tpu.memref_slice %arg8[%dma_wait3A_243, %dma_wait3A_244, %dma_wait3A_245] : memref<5x32x256xf32, #tpu.memory_space<vmem>> -> memref<1x32x256xf32, #tpu.memory_space<vmem>>
    %dma_wait3A_247 = tpu.memref_squeeze %dma_wait3A_246 : memref<1x32x256xf32, #tpu.memory_space<vmem>> -> memref<32x256xf32, #tpu.memory_space<vmem>>
    %dma_wait3A_248 = arith.constant 0 : i32
    %dma_wait3A_249 = tpu.memref_slice %arg5[%add3A_216, %dma_wait3A_248] : memref<16384x256xf32, #tpu.memory_space<hbm>> -> memref<32x256xf32, #tpu.memory_space<hbm>>
    %dma_wait3A_250 = arith.constant 0 : i32
    %dma_wait3A_251 = tpu.memref_slice %arg5[%add3A_216, %dma_wait3A_250] : memref<16384x256xf32, #tpu.memory_space<hbm>> -> memref<32x256xf32, #tpu.memory_space<hbm>>
    %dma_wait3A_252 = arith.constant 0 : i32
    %dma_wait3A_253 = arith.constant 0 : i32
    %dma_wait3A_254 = tpu.memref_slice %arg8[%dma_wait3A_243, %dma_wait3A_252, %dma_wait3A_253] : memref<5x32x256xf32, #tpu.memory_space<vmem>> -> memref<1x32x256xf32, #tpu.memory_space<vmem>>
    %dma_wait3A_255 = tpu.memref_squeeze %dma_wait3A_254 : memref<1x32x256xf32, #tpu.memory_space<vmem>> -> memref<32x256xf32, #tpu.memory_space<vmem>>
    tpu.wait_dma2 semaphore(%arg16 : memref<!tpu.dma_semaphore, #tpu.memory_space<semaphore_mem>>) src(%dma_wait3A_255 : memref<32x256xf32, #tpu.memory_space<vmem>>) dst(%dma_wait3A_251 : memref<32x256xf32, #tpu.memory_space<hbm>>)
    %dma_wait3A_256 = arith.constant 1 : i32
    %dma_wait3A_257 = arith.constant 0 : i32
    %dma_wait3A_258 = arith.constant 0 : i32
    %dma_wait3A_259 = tpu.memref_slice %arg9[%dma_wait3A_256, %dma_wait3A_257, %dma_wait3A_258] : memref<5x32x512xf32, #tpu.memory_space<vmem>> -> memref<1x32x512xf32, #tpu.memory_space<vmem>>
    %dma_wait3A_260 = tpu.memref_squeeze %dma_wait3A_259 : memref<1x32x512xf32, #tpu.memory_space<vmem>> -> memref<32x512xf32, #tpu.memory_space<vmem>>
    %dma_wait3A_261 = arith.constant 0 : i32
    %dma_wait3A_262 = tpu.memref_slice %arg6[%add3A_216, %dma_wait3A_261] : memref<16384x512xf32, #tpu.memory_space<hbm>> -> memref<32x512xf32, #tpu.memory_space<hbm>>
    %dma_wait3A_263 = arith.constant 0 : i32
    %dma_wait3A_264 = tpu.memref_slice %arg6[%add3A_216, %dma_wait3A_263] : memref<16384x512xf32, #tpu.memory_space<hbm>> -> memref<32x512xf32, #tpu.memory_space<hbm>>
    %dma_wait3A_265 = arith.constant 0 : i32
    %dma_wait3A_266 = arith.constant 0 : i32
    %dma_wait3A_267 = tpu.memref_slice %arg9[%dma_wait3A_256, %dma_wait3A_265, %dma_wait3A_266] : memref<5x32x512xf32, #tpu.memory_space<vmem>> -> memref<1x32x512xf32, #tpu.memory_space<vmem>>
    %dma_wait3A_268 = tpu.memref_squeeze %dma_wait3A_267 : memref<1x32x512xf32, #tpu.memory_space<vmem>> -> memref<32x512xf32, #tpu.memory_space<vmem>>
    tpu.wait_dma2 semaphore(%arg16 : memref<!tpu.dma_semaphore, #tpu.memory_space<semaphore_mem>>) src(%dma_wait3A_268 : memref<32x512xf32, #tpu.memory_space<vmem>>) dst(%dma_wait3A_264 : memref<32x512xf32, #tpu.memory_space<hbm>>)
    %dma_start3A_269 = arith.constant 1 : i32
    %dma_start3A_270 = arith.constant 0 : i32
    %dma_start3A_271 = arith.constant 0 : i32
    %dma_start3A_272 = tpu.memref_slice %arg8[%dma_start3A_269, %dma_start3A_270, %dma_start3A_271] : memref<5x32x256xf32, #tpu.memory_space<vmem>> -> memref<1x32x256xf32, #tpu.memory_space<vmem>>
    %dma_start3A_273 = tpu.memref_squeeze %dma_start3A_272 : memref<1x32x256xf32, #tpu.memory_space<vmem>> -> memref<32x256xf32, #tpu.memory_space<vmem>>
    %dma_start3A_274 = arith.constant 192 : i32
    %dma_start3A_275 = tpu.memref_slice %arg7[%dma_start3A_274] : memref<512xi32, #tpu.memory_space<vmem>> -> memref<32xi32, #tpu.memory_space<vmem>>
    %dma_start3A_276 = arith.constant 0 : i32
    %dma_start3A_277 = arith.constant 0 : i32
    %dma_start3A_278 = tpu.memref_slice %arg2[%dma_start3A_276, %dma_start3A_277] : memref<100000x256xf32, #tpu.memory_space<hbm>> -> memref<100000x256xf32, #tpu.memory_space<hbm>>
    tpu.enqueue_indirect_dma source(%dma_start3A_278 : memref<100000x256xf32, #tpu.memory_space<hbm>>) target(%dma_start3A_273 : memref<32x256xf32, #tpu.memory_space<vmem>>) offsets(%dma_start3A_275 : memref<32xi32, #tpu.memory_space<vmem>>) semaphore(%arg11 : memref<!tpu.dma_semaphore, #tpu.memory_space<semaphore_mem>>)
    %dma_start3A_279 = arith.constant 1 : i32
    %dma_start3A_280 = arith.constant 0 : i32
    %dma_start3A_281 = arith.constant 0 : i32
    %dma_start3A_282 = tpu.memref_slice %arg9[%dma_start3A_279, %dma_start3A_280, %dma_start3A_281] : memref<5x32x512xf32, #tpu.memory_space<vmem>> -> memref<1x32x512xf32, #tpu.memory_space<vmem>>
    %dma_start3A_283 = tpu.memref_squeeze %dma_start3A_282 : memref<1x32x512xf32, #tpu.memory_space<vmem>> -> memref<32x512xf32, #tpu.memory_space<vmem>>
    %dma_start3A_284 = arith.constant 192 : i32
    %dma_start3A_285 = tpu.memref_slice %arg7[%dma_start3A_284] : memref<512xi32, #tpu.memory_space<vmem>> -> memref<32xi32, #tpu.memory_space<vmem>>
    %dma_start3A_286 = arith.constant 0 : i32
    %dma_start3A_287 = arith.constant 0 : i32
    %dma_start3A_288 = tpu.memref_slice %arg3[%dma_start3A_286, %dma_start3A_287] : memref<100000x512xf32, #tpu.memory_space<hbm>> -> memref<100000x512xf32, #tpu.memory_space<hbm>>
    tpu.enqueue_indirect_dma source(%dma_start3A_288 : memref<100000x512xf32, #tpu.memory_space<hbm>>) target(%dma_start3A_283 : memref<32x512xf32, #tpu.memory_space<vmem>>) offsets(%dma_start3A_285 : memref<32xi32, #tpu.memory_space<vmem>>) semaphore(%arg11 : memref<!tpu.dma_semaphore, #tpu.memory_space<semaphore_mem>>)
    %dma_wait3A_289 = arith.constant 2 : i32
    %dma_wait3A_290 = arith.constant 0 : i32
    %dma_wait3A_291 = arith.constant 0 : i32
    %dma_wait3A_292 = tpu.memref_slice %arg8[%dma_wait3A_289, %dma_wait3A_290, %dma_wait3A_291] : memref<5x32x256xf32, #tpu.memory_space<vmem>> -> memref<1x32x256xf32, #tpu.memory_space<vmem>>
    %dma_wait3A_293 = tpu.memref_squeeze %dma_wait3A_292 : memref<1x32x256xf32, #tpu.memory_space<vmem>> -> memref<32x256xf32, #tpu.memory_space<vmem>>
    %dma_wait3A_294 = arith.constant 64 : i32
    %dma_wait3A_295 = tpu.memref_slice %arg7[%dma_wait3A_294] : memref<512xi32, #tpu.memory_space<vmem>> -> memref<32xi32, #tpu.memory_space<vmem>>
    %dma_wait3A_296 = arith.constant 0 : i32
    %dma_wait3A_297 = arith.constant 0 : i32
    %dma_wait3A_298 = tpu.memref_slice %arg2[%dma_wait3A_296, %dma_wait3A_297] : memref<100000x256xf32, #tpu.memory_space<hbm>> -> memref<100000x256xf32, #tpu.memory_space<hbm>>
    tpu.wait_indirect_dma semaphore(%arg12 : memref<!tpu.dma_semaphore, #tpu.memory_space<semaphore_mem>>) src(%dma_wait3A_298 : memref<100000x256xf32, #tpu.memory_space<hbm>>) dst(%dma_wait3A_293 : memref<32x256xf32, #tpu.memory_space<vmem>>)
    %dma_wait3A_299 = arith.constant 2 : i32
    %dma_wait3A_300 = arith.constant 0 : i32
    %dma_wait3A_301 = arith.constant 0 : i32
    %dma_wait3A_302 = tpu.memref_slice %arg9[%dma_wait3A_299, %dma_wait3A_300, %dma_wait3A_301] : memref<5x32x512xf32, #tpu.memory_space<vmem>> -> memref<1x32x512xf32, #tpu.memory_space<vmem>>
    %dma_wait3A_303 = tpu.memref_squeeze %dma_wait3A_302 : memref<1x32x512xf32, #tpu.memory_space<vmem>> -> memref<32x512xf32, #tpu.memory_space<vmem>>
    %dma_wait3A_304 = arith.constant 64 : i32
    %dma_wait3A_305 = tpu.memref_slice %arg7[%dma_wait3A_304] : memref<512xi32, #tpu.memory_space<vmem>> -> memref<32xi32, #tpu.memory_space<vmem>>
    %dma_wait3A_306 = arith.constant 0 : i32
    %dma_wait3A_307 = arith.constant 0 : i32
    %dma_wait3A_308 = tpu.memref_slice %arg3[%dma_wait3A_306, %dma_wait3A_307] : memref<100000x512xf32, #tpu.memory_space<hbm>> -> memref<100000x512xf32, #tpu.memory_space<hbm>>
    tpu.wait_indirect_dma semaphore(%arg12 : memref<!tpu.dma_semaphore, #tpu.memory_space<semaphore_mem>>) src(%dma_wait3A_308 : memref<100000x512xf32, #tpu.memory_space<hbm>>) dst(%dma_wait3A_303 : memref<32x512xf32, #tpu.memory_space<vmem>>)
    %add3A_309 = arith.constant 64 : i32
    %add3A_310 = arith.addi %mul3A_2, %add3A_309 : i32
    %dma_start3A_311 = arith.constant 2 : i32
    %dma_start3A_312 = arith.constant 0 : i32
    %dma_start3A_313 = arith.constant 0 : i32
    %dma_start3A_314 = tpu.memref_slice %arg8[%dma_start3A_311, %dma_start3A_312, %dma_start3A_313] : memref<5x32x256xf32, #tpu.memory_space<vmem>> -> memref<1x32x256xf32, #tpu.memory_space<vmem>>
    %dma_start3A_315 = tpu.memref_squeeze %dma_start3A_314 : memref<1x32x256xf32, #tpu.memory_space<vmem>> -> memref<32x256xf32, #tpu.memory_space<vmem>>
    %dma_start3A_316 = arith.constant 0 : i32
    %dma_start3A_317 = tpu.memref_slice %arg5[%add3A_310, %dma_start3A_316] : memref<16384x256xf32, #tpu.memory_space<hbm>> -> memref<32x256xf32, #tpu.memory_space<hbm>>
    %dma_start3A_318 = arith.constant 0 : i32
    %dma_start3A_319 = tpu.memref_slice %arg5[%add3A_310, %dma_start3A_318] : memref<16384x256xf32, #tpu.memory_space<hbm>> -> memref<32x256xf32, #tpu.memory_space<hbm>>
    %dma_start3A_320 = arith.constant 0 : i32
    %dma_start3A_321 = arith.constant 0 : i32
    %dma_start3A_322 = tpu.memref_slice %arg8[%dma_start3A_311, %dma_start3A_320, %dma_start3A_321] : memref<5x32x256xf32, #tpu.memory_space<vmem>> -> memref<1x32x256xf32, #tpu.memory_space<vmem>>
    %dma_start3A_323 = tpu.memref_squeeze %dma_start3A_322 : memref<1x32x256xf32, #tpu.memory_space<vmem>> -> memref<32x256xf32, #tpu.memory_space<vmem>>
    tpu.enqueue_dma source(%dma_start3A_323 : memref<32x256xf32, #tpu.memory_space<vmem>>) target(%dma_start3A_319 : memref<32x256xf32, #tpu.memory_space<hbm>>) target_semaphore(%arg17 : memref<!tpu.dma_semaphore, #tpu.memory_space<semaphore_mem>>)
    %dma_start3A_324 = arith.constant 2 : i32
    %dma_start3A_325 = arith.constant 0 : i32
    %dma_start3A_326 = arith.constant 0 : i32
    %dma_start3A_327 = tpu.memref_slice %arg9[%dma_start3A_324, %dma_start3A_325, %dma_start3A_326] : memref<5x32x512xf32, #tpu.memory_space<vmem>> -> memref<1x32x512xf32, #tpu.memory_space<vmem>>
    %dma_start3A_328 = tpu.memref_squeeze %dma_start3A_327 : memref<1x32x512xf32, #tpu.memory_space<vmem>> -> memref<32x512xf32, #tpu.memory_space<vmem>>
    %dma_start3A_329 = arith.constant 0 : i32
    %dma_start3A_330 = tpu.memref_slice %arg6[%add3A_310, %dma_start3A_329] : memref<16384x512xf32, #tpu.memory_space<hbm>> -> memref<32x512xf32, #tpu.memory_space<hbm>>
    %dma_start3A_331 = arith.constant 0 : i32
    %dma_start3A_332 = tpu.memref_slice %arg6[%add3A_310, %dma_start3A_331] : memref<16384x512xf32, #tpu.memory_space<hbm>> -> memref<32x512xf32, #tpu.memory_space<hbm>>
    %dma_start3A_333 = arith.constant 0 : i32
    %dma_start3A_334 = arith.constant 0 : i32
    %dma_start3A_335 = tpu.memref_slice %arg9[%dma_start3A_324, %dma_start3A_333, %dma_start3A_334] : memref<5x32x512xf32, #tpu.memory_space<vmem>> -> memref<1x32x512xf32, #tpu.memory_space<vmem>>
    %dma_start3A_336 = tpu.memref_squeeze %dma_start3A_335 : memref<1x32x512xf32, #tpu.memory_space<vmem>> -> memref<32x512xf32, #tpu.memory_space<vmem>>
    tpu.enqueue_dma source(%dma_start3A_336 : memref<32x512xf32, #tpu.memory_space<vmem>>) target(%dma_start3A_332 : memref<32x512xf32, #tpu.memory_space<hbm>>) target_semaphore(%arg17 : memref<!tpu.dma_semaphore, #tpu.memory_space<semaphore_mem>>)
    %dma_wait3A_337 = arith.constant 2 : i32
    %dma_wait3A_338 = arith.constant 0 : i32
    %dma_wait3A_339 = arith.constant 0 : i32
    %dma_wait3A_340 = tpu.memref_slice %arg8[%dma_wait3A_337, %dma_wait3A_338, %dma_wait3A_339] : memref<5x32x256xf32, #tpu.memory_space<vmem>> -> memref<1x32x256xf32, #tpu.memory_space<vmem>>
    %dma_wait3A_341 = tpu.memref_squeeze %dma_wait3A_340 : memref<1x32x256xf32, #tpu.memory_space<vmem>> -> memref<32x256xf32, #tpu.memory_space<vmem>>
    %dma_wait3A_342 = arith.constant 0 : i32
    %dma_wait3A_343 = tpu.memref_slice %arg5[%add3A_310, %dma_wait3A_342] : memref<16384x256xf32, #tpu.memory_space<hbm>> -> memref<32x256xf32, #tpu.memory_space<hbm>>
    %dma_wait3A_344 = arith.constant 0 : i32
    %dma_wait3A_345 = tpu.memref_slice %arg5[%add3A_310, %dma_wait3A_344] : memref<16384x256xf32, #tpu.memory_space<hbm>> -> memref<32x256xf32, #tpu.memory_space<hbm>>
    %dma_wait3A_346 = arith.constant 0 : i32
    %dma_wait3A_347 = arith.constant 0 : i32
    %dma_wait3A_348 = tpu.memref_slice %arg8[%dma_wait3A_337, %dma_wait3A_346, %dma_wait3A_347] : memref<5x32x256xf32, #tpu.memory_space<vmem>> -> memref<1x32x256xf32, #tpu.memory_space<vmem>>
    %dma_wait3A_349 = tpu.memref_squeeze %dma_wait3A_348 : memref<1x32x256xf32, #tpu.memory_space<vmem>> -> memref<32x256xf32, #tpu.memory_space<vmem>>
    tpu.wait_dma2 semaphore(%arg17 : memref<!tpu.dma_semaphore, #tpu.memory_space<semaphore_mem>>) src(%dma_wait3A_349 : memref<32x256xf32, #tpu.memory_space<vmem>>) dst(%dma_wait3A_345 : memref<32x256xf32, #tpu.memory_space<hbm>>)
    %dma_wait3A_350 = arith.constant 2 : i32
    %dma_wait3A_351 = arith.constant 0 : i32
    %dma_wait3A_352 = arith.constant 0 : i32
    %dma_wait3A_353 = tpu.memref_slice %arg9[%dma_wait3A_350, %dma_wait3A_351, %dma_wait3A_352] : memref<5x32x512xf32, #tpu.memory_space<vmem>> -> memref<1x32x512xf32, #tpu.memory_space<vmem>>
    %dma_wait3A_354 = tpu.memref_squeeze %dma_wait3A_353 : memref<1x32x512xf32, #tpu.memory_space<vmem>> -> memref<32x512xf32, #tpu.memory_space<vmem>>
    %dma_wait3A_355 = arith.constant 0 : i32
    %dma_wait3A_356 = tpu.memref_slice %arg6[%add3A_310, %dma_wait3A_355] : memref<16384x512xf32, #tpu.memory_space<hbm>> -> memref<32x512xf32, #tpu.memory_space<hbm>>
    %dma_wait3A_357 = arith.constant 0 : i32
    %dma_wait3A_358 = tpu.memref_slice %arg6[%add3A_310, %dma_wait3A_357] : memref<16384x512xf32, #tpu.memory_space<hbm>> -> memref<32x512xf32, #tpu.memory_space<hbm>>
    %dma_wait3A_359 = arith.constant 0 : i32
    %dma_wait3A_360 = arith.constant 0 : i32
    %dma_wait3A_361 = tpu.memref_slice %arg9[%dma_wait3A_350, %dma_wait3A_359, %dma_wait3A_360] : memref<5x32x512xf32, #tpu.memory_space<vmem>> -> memref<1x32x512xf32, #tpu.memory_space<vmem>>
    %dma_wait3A_362 = tpu.memref_squeeze %dma_wait3A_361 : memref<1x32x512xf32, #tpu.memory_space<vmem>> -> memref<32x512xf32, #tpu.memory_space<vmem>>
    tpu.wait_dma2 semaphore(%arg17 : memref<!tpu.dma_semaphore, #tpu.memory_space<semaphore_mem>>) src(%dma_wait3A_362 : memref<32x512xf32, #tpu.memory_space<vmem>>) dst(%dma_wait3A_358 : memref<32x512xf32, #tpu.memory_space<hbm>>)
    %dma_start3A_363 = arith.constant 2 : i32
    %dma_start3A_364 = arith.constant 0 : i32
    %dma_start3A_365 = arith.constant 0 : i32
    %dma_start3A_366 = tpu.memref_slice %arg8[%dma_start3A_363, %dma_start3A_364, %dma_start3A_365] : memref<5x32x256xf32, #tpu.memory_space<vmem>> -> memref<1x32x256xf32, #tpu.memory_space<vmem>>
    %dma_start3A_367 = tpu.memref_squeeze %dma_start3A_366 : memref<1x32x256xf32, #tpu.memory_space<vmem>> -> memref<32x256xf32, #tpu.memory_space<vmem>>
    %dma_start3A_368 = arith.constant 224 : i32
    %dma_start3A_369 = tpu.memref_slice %arg7[%dma_start3A_368] : memref<512xi32, #tpu.memory_space<vmem>> -> memref<32xi32, #tpu.memory_space<vmem>>
    %dma_start3A_370 = arith.constant 0 : i32
    %dma_start3A_371 = arith.constant 0 : i32
    %dma_start3A_372 = tpu.memref_slice %arg2[%dma_start3A_370, %dma_start3A_371] : memref<100000x256xf32, #tpu.memory_space<hbm>> -> memref<100000x256xf32, #tpu.memory_space<hbm>>
    tpu.enqueue_indirect_dma source(%dma_start3A_372 : memref<100000x256xf32, #tpu.memory_space<hbm>>) target(%dma_start3A_367 : memref<32x256xf32, #tpu.memory_space<vmem>>) offsets(%dma_start3A_369 : memref<32xi32, #tpu.memory_space<vmem>>) semaphore(%arg12 : memref<!tpu.dma_semaphore, #tpu.memory_space<semaphore_mem>>)
    %dma_start3A_373 = arith.constant 2 : i32
    %dma_start3A_374 = arith.constant 0 : i32
    %dma_start3A_375 = arith.constant 0 : i32
    %dma_start3A_376 = tpu.memref_slice %arg9[%dma_start3A_373, %dma_start3A_374, %dma_start3A_375] : memref<5x32x512xf32, #tpu.memory_space<vmem>> -> memref<1x32x512xf32, #tpu.memory_space<vmem>>
    %dma_start3A_377 = tpu.memref_squeeze %dma_start3A_376 : memref<1x32x512xf32, #tpu.memory_space<vmem>> -> memref<32x512xf32, #tpu.memory_space<vmem>>
    %dma_start3A_378 = arith.constant 224 : i32
    %dma_start3A_379 = tpu.memref_slice %arg7[%dma_start3A_378] : memref<512xi32, #tpu.memory_space<vmem>> -> memref<32xi32, #tpu.memory_space<vmem>>
    %dma_start3A_380 = arith.constant 0 : i32
    %dma_start3A_381 = arith.constant 0 : i32
    %dma_start3A_382 = tpu.memref_slice %arg3[%dma_start3A_380, %dma_start3A_381] : memref<100000x512xf32, #tpu.memory_space<hbm>> -> memref<100000x512xf32, #tpu.memory_space<hbm>>
    tpu.enqueue_indirect_dma source(%dma_start3A_382 : memref<100000x512xf32, #tpu.memory_space<hbm>>) target(%dma_start3A_377 : memref<32x512xf32, #tpu.memory_space<vmem>>) offsets(%dma_start3A_379 : memref<32xi32, #tpu.memory_space<vmem>>) semaphore(%arg12 : memref<!tpu.dma_semaphore, #tpu.memory_space<semaphore_mem>>)
    %dma_wait3A_383 = arith.constant 3 : i32
    %dma_wait3A_384 = arith.constant 0 : i32
    %dma_wait3A_385 = arith.constant 0 : i32
    %dma_wait3A_386 = tpu.memref_slice %arg8[%dma_wait3A_383, %dma_wait3A_384, %dma_wait3A_385] : memref<5x32x256xf32, #tpu.memory_space<vmem>> -> memref<1x32x256xf32, #tpu.memory_space<vmem>>
    %dma_wait3A_387 = tpu.memref_squeeze %dma_wait3A_386 : memref<1x32x256xf32, #tpu.memory_space<vmem>> -> memref<32x256xf32, #tpu.memory_space<vmem>>
    %dma_wait3A_388 = arith.constant 96 : i32
    %dma_wait3A_389 = tpu.memref_slice %arg7[%dma_wait3A_388] : memref<512xi32, #tpu.memory_space<vmem>> -> memref<32xi32, #tpu.memory_space<vmem>>
    %dma_wait3A_390 = arith.constant 0 : i32
    %dma_wait3A_391 = arith.constant 0 : i32
    %dma_wait3A_392 = tpu.memref_slice %arg2[%dma_wait3A_390, %dma_wait3A_391] : memref<100000x256xf32, #tpu.memory_space<hbm>> -> memref<100000x256xf32, #tpu.memory_space<hbm>>
    tpu.wait_indirect_dma semaphore(%arg13 : memref<!tpu.dma_semaphore, #tpu.memory_space<semaphore_mem>>) src(%dma_wait3A_392 : memref<100000x256xf32, #tpu.memory_space<hbm>>) dst(%dma_wait3A_387 : memref<32x256xf32, #tpu.memory_space<vmem>>)
    %dma_wait3A_393 = arith.constant 3 : i32
    %dma_wait3A_394 = arith.constant 0 : i32
    %dma_wait3A_395 = arith.constant 0 : i32
    %dma_wait3A_396 = tpu.memref_slice %arg9[%dma_wait3A_393, %dma_wait3A_394, %dma_wait3A_395] : memref<5x32x512xf32, #tpu.memory_space<vmem>> -> memref<1x32x512xf32, #tpu.memory_space<vmem>>
    %dma_wait3A_397 = tpu.memref_squeeze %dma_wait3A_396 : memref<1x32x512xf32, #tpu.memory_space<vmem>> -> memref<32x512xf32, #tpu.memory_space<vmem>>
    %dma_wait3A_398 = arith.constant 96 : i32
    %dma_wait3A_399 = tpu.memref_slice %arg7[%dma_wait3A_398] : memref<512xi32, #tpu.memory_space<vmem>> -> memref<32xi32, #tpu.memory_space<vmem>>
    %dma_wait3A_400 = arith.constant 0 : i32
    %dma_wait3A_401 = arith.constant 0 : i32
    %dma_wait3A_402 = tpu.memref_slice %arg3[%dma_wait3A_400, %dma_wait3A_401] : memref<100000x512xf32, #tpu.memory_space<hbm>> -> memref<100000x512xf32, #tpu.memory_space<hbm>>
    tpu.wait_indirect_dma semaphore(%arg13 : memref<!tpu.dma_semaphore, #tpu.memory_space<semaphore_mem>>) src(%dma_wait3A_402 : memref<100000x512xf32, #tpu.memory_space<hbm>>) dst(%dma_wait3A_397 : memref<32x512xf32, #tpu.memory_space<vmem>>)
    %add3A_403 = arith.constant 96 : i32
    %add3A_404 = arith.addi %mul3A_2, %add3A_403 : i32
    %dma_start3A_405 = arith.constant 3 : i32
    %dma_start3A_406 = arith.constant 0 : i32
    %dma_start3A_407 = arith.constant 0 : i32
    %dma_start3A_408 = tpu.memref_slice %arg8[%dma_start3A_405, %dma_start3A_406, %dma_start3A_407] : memref<5x32x256xf32, #tpu.memory_space<vmem>> -> memref<1x32x256xf32, #tpu.memory_space<vmem>>
    %dma_start3A_409 = tpu.memref_squeeze %dma_start3A_408 : memref<1x32x256xf32, #tpu.memory_space<vmem>> -> memref<32x256xf32, #tpu.memory_space<vmem>>
    %dma_start3A_410 = arith.constant 0 : i32
    %dma_start3A_411 = tpu.memref_slice %arg5[%add3A_404, %dma_start3A_410] : memref<16384x256xf32, #tpu.memory_space<hbm>> -> memref<32x256xf32, #tpu.memory_space<hbm>>
    %dma_start3A_412 = arith.constant 0 : i32
    %dma_start3A_413 = tpu.memref_slice %arg5[%add3A_404, %dma_start3A_412] : memref<16384x256xf32, #tpu.memory_space<hbm>> -> memref<32x256xf32, #tpu.memory_space<hbm>>
    %dma_start3A_414 = arith.constant 0 : i32
    %dma_start3A_415 = arith.constant 0 : i32
    %dma_start3A_416 = tpu.memref_slice %arg8[%dma_start3A_405, %dma_start3A_414, %dma_start3A_415] : memref<5x32x256xf32, #tpu.memory_space<vmem>> -> memref<1x32x256xf32, #tpu.memory_space<vmem>>
    %dma_start3A_417 = tpu.memref_squeeze %dma_start3A_416 : memref<1x32x256xf32, #tpu.memory_space<vmem>> -> memref<32x256xf32, #tpu.memory_space<vmem>>
    tpu.enqueue_dma source(%dma_start3A_417 : memref<32x256xf32, #tpu.memory_space<vmem>>) target(%dma_start3A_413 : memref<32x256xf32, #tpu.memory_space<hbm>>) target_semaphore(%arg18 : memref<!tpu.dma_semaphore, #tpu.memory_space<semaphore_mem>>)
    %dma_start3A_418 = arith.constant 3 : i32
    %dma_start3A_419 = arith.constant 0 : i32
    %dma_start3A_420 = arith.constant 0 : i32
    %dma_start3A_421 = tpu.memref_slice %arg9[%dma_start3A_418, %dma_start3A_419, %dma_start3A_420] : memref<5x32x512xf32, #tpu.memory_space<vmem>> -> memref<1x32x512xf32, #tpu.memory_space<vmem>>
    %dma_start3A_422 = tpu.memref_squeeze %dma_start3A_421 : memref<1x32x512xf32, #tpu.memory_space<vmem>> -> memref<32x512xf32, #tpu.memory_space<vmem>>
    %dma_start3A_423 = arith.constant 0 : i32
    %dma_start3A_424 = tpu.memref_slice %arg6[%add3A_404, %dma_start3A_423] : memref<16384x512xf32, #tpu.memory_space<hbm>> -> memref<32x512xf32, #tpu.memory_space<hbm>>
    %dma_start3A_425 = arith.constant 0 : i32
    %dma_start3A_426 = tpu.memref_slice %arg6[%add3A_404, %dma_start3A_425] : memref<16384x512xf32, #tpu.memory_space<hbm>> -> memref<32x512xf32, #tpu.memory_space<hbm>>
    %dma_start3A_427 = arith.constant 0 : i32
    %dma_start3A_428 = arith.constant 0 : i32
    %dma_start3A_429 = tpu.memref_slice %arg9[%dma_start3A_418, %dma_start3A_427, %dma_start3A_428] : memref<5x32x512xf32, #tpu.memory_space<vmem>> -> memref<1x32x512xf32, #tpu.memory_space<vmem>>
    %dma_start3A_430 = tpu.memref_squeeze %dma_start3A_429 : memref<1x32x512xf32, #tpu.memory_space<vmem>> -> memref<32x512xf32, #tpu.memory_space<vmem>>
    tpu.enqueue_dma source(%dma_start3A_430 : memref<32x512xf32, #tpu.memory_space<vmem>>) target(%dma_start3A_426 : memref<32x512xf32, #tpu.memory_space<hbm>>) target_semaphore(%arg18 : memref<!tpu.dma_semaphore, #tpu.memory_space<semaphore_mem>>)
    %dma_wait3A_431 = arith.constant 3 : i32
    %dma_wait3A_432 = arith.constant 0 : i32
    %dma_wait3A_433 = arith.constant 0 : i32
    %dma_wait3A_434 = tpu.memref_slice %arg8[%dma_wait3A_431, %dma_wait3A_432, %dma_wait3A_433] : memref<5x32x256xf32, #tpu.memory_space<vmem>> -> memref<1x32x256xf32, #tpu.memory_space<vmem>>
    %dma_wait3A_435 = tpu.memref_squeeze %dma_wait3A_434 : memref<1x32x256xf32, #tpu.memory_space<vmem>> -> memref<32x256xf32, #tpu.memory_space<vmem>>
    %dma_wait3A_436 = arith.constant 0 : i32
    %dma_wait3A_437 = tpu.memref_slice %arg5[%add3A_404, %dma_wait3A_436] : memref<16384x256xf32, #tpu.memory_space<hbm>> -> memref<32x256xf32, #tpu.memory_space<hbm>>
    %dma_wait3A_438 = arith.constant 0 : i32
    %dma_wait3A_439 = tpu.memref_slice %arg5[%add3A_404, %dma_wait3A_438] : memref<16384x256xf32, #tpu.memory_space<hbm>> -> memref<32x256xf32, #tpu.memory_space<hbm>>
    %dma_wait3A_440 = arith.constant 0 : i32
    %dma_wait3A_441 = arith.constant 0 : i32
    %dma_wait3A_442 = tpu.memref_slice %arg8[%dma_wait3A_431, %dma_wait3A_440, %dma_wait3A_441] : memref<5x32x256xf32, #tpu.memory_space<vmem>> -> memref<1x32x256xf32, #tpu.memory_space<vmem>>
    %dma_wait3A_443 = tpu.memref_squeeze %dma_wait3A_442 : memref<1x32x256xf32, #tpu.memory_space<vmem>> -> memref<32x256xf32, #tpu.memory_space<vmem>>
    tpu.wait_dma2 semaphore(%arg18 : memref<!tpu.dma_semaphore, #tpu.memory_space<semaphore_mem>>) src(%dma_wait3A_443 : memref<32x256xf32, #tpu.memory_space<vmem>>) dst(%dma_wait3A_439 : memref<32x256xf32, #tpu.memory_space<hbm>>)
    %dma_wait3A_444 = arith.constant 3 : i32
    %dma_wait3A_445 = arith.constant 0 : i32
    %dma_wait3A_446 = arith.constant 0 : i32
    %dma_wait3A_447 = tpu.memref_slice %arg9[%dma_wait3A_444, %dma_wait3A_445, %dma_wait3A_446] : memref<5x32x512xf32, #tpu.memory_space<vmem>> -> memref<1x32x512xf32, #tpu.memory_space<vmem>>
    %dma_wait3A_448 = tpu.memref_squeeze %dma_wait3A_447 : memref<1x32x512xf32, #tpu.memory_space<vmem>> -> memref<32x512xf32, #tpu.memory_space<vmem>>
    %dma_wait3A_449 = arith.constant 0 : i32
    %dma_wait3A_450 = tpu.memref_slice %arg6[%add3A_404, %dma_wait3A_449] : memref<16384x512xf32, #tpu.memory_space<hbm>> -> memref<32x512xf32, #tpu.memory_space<hbm>>
    %dma_wait3A_451 = arith.constant 0 : i32
    %dma_wait3A_452 = tpu.memref_slice %arg6[%add3A_404, %dma_wait3A_451] : memref<16384x512xf32, #tpu.memory_space<hbm>> -> memref<32x512xf32, #tpu.memory_space<hbm>>
    %dma_wait3A_453 = arith.constant 0 : i32
    %dma_wait3A_454 = arith.constant 0 : i32
    %dma_wait3A_455 = tpu.memref_slice %arg9[%dma_wait3A_444, %dma_wait3A_453, %dma_wait3A_454] : memref<5x32x512xf32, #tpu.memory_space<vmem>> -> memref<1x32x512xf32, #tpu.memory_space<vmem>>
    %dma_wait3A_456 = tpu.memref_squeeze %dma_wait3A_455 : memref<1x32x512xf32, #tpu.memory_space<vmem>> -> memref<32x512xf32, #tpu.memory_space<vmem>>
    tpu.wait_dma2 semaphore(%arg18 : memref<!tpu.dma_semaphore, #tpu.memory_space<semaphore_mem>>) src(%dma_wait3A_456 : memref<32x512xf32, #tpu.memory_space<vmem>>) dst(%dma_wait3A_452 : memref<32x512xf32, #tpu.memory_space<hbm>>)
    %dma_start3A_457 = arith.constant 3 : i32
    %dma_start3A_458 = arith.constant 0 : i32
    %dma_start3A_459 = arith.constant 0 : i32
    %dma_start3A_460 = tpu.memref_slice %arg8[%dma_start3A_457, %dma_start3A_458, %dma_start3A_459] : memref<5x32x256xf32, #tpu.memory_space<vmem>> -> memref<1x32x256xf32, #tpu.memory_space<vmem>>
    %dma_start3A_461 = tpu.memref_squeeze %dma_start3A_460 : memref<1x32x256xf32, #tpu.memory_space<vmem>> -> memref<32x256xf32, #tpu.memory_space<vmem>>
    %dma_start3A_462 = arith.constant 256 : i32
    %dma_start3A_463 = tpu.memref_slice %arg7[%dma_start3A_462] : memref<512xi32, #tpu.memory_space<vmem>> -> memref<32xi32, #tpu.memory_space<vmem>>
    %dma_start3A_464 = arith.constant 0 : i32
    %dma_start3A_465 = arith.constant 0 : i32
    %dma_start3A_466 = tpu.memref_slice %arg2[%dma_start3A_464, %dma_start3A_465] : memref<100000x256xf32, #tpu.memory_space<hbm>> -> memref<100000x256xf32, #tpu.memory_space<hbm>>
    tpu.enqueue_indirect_dma source(%dma_start3A_466 : memref<100000x256xf32, #tpu.memory_space<hbm>>) target(%dma_start3A_461 : memref<32x256xf32, #tpu.memory_space<vmem>>) offsets(%dma_start3A_463 : memref<32xi32, #tpu.memory_space<vmem>>) semaphore(%arg13 : memref<!tpu.dma_semaphore, #tpu.memory_space<semaphore_mem>>)
    %dma_start3A_467 = arith.constant 3 : i32
    %dma_start3A_468 = arith.constant 0 : i32
    %dma_start3A_469 = arith.constant 0 : i32
    %dma_start3A_470 = tpu.memref_slice %arg9[%dma_start3A_467, %dma_start3A_468, %dma_start3A_469] : memref<5x32x512xf32, #tpu.memory_space<vmem>> -> memref<1x32x512xf32, #tpu.memory_space<vmem>>
    %dma_start3A_471 = tpu.memref_squeeze %dma_start3A_470 : memref<1x32x512xf32, #tpu.memory_space<vmem>> -> memref<32x512xf32, #tpu.memory_space<vmem>>
    %dma_start3A_472 = arith.constant 256 : i32
    %dma_start3A_473 = tpu.memref_slice %arg7[%dma_start3A_472] : memref<512xi32, #tpu.memory_space<vmem>> -> memref<32xi32, #tpu.memory_space<vmem>>
    %dma_start3A_474 = arith.constant 0 : i32
    %dma_start3A_475 = arith.constant 0 : i32
    %dma_start3A_476 = tpu.memref_slice %arg3[%dma_start3A_474, %dma_start3A_475] : memref<100000x512xf32, #tpu.memory_space<hbm>> -> memref<100000x512xf32, #tpu.memory_space<hbm>>
    tpu.enqueue_indirect_dma source(%dma_start3A_476 : memref<100000x512xf32, #tpu.memory_space<hbm>>) target(%dma_start3A_471 : memref<32x512xf32, #tpu.memory_space<vmem>>) offsets(%dma_start3A_473 : memref<32xi32, #tpu.memory_space<vmem>>) semaphore(%arg13 : memref<!tpu.dma_semaphore, #tpu.memory_space<semaphore_mem>>)
    %dma_wait3A_477 = arith.constant 4 : i32
    %dma_wait3A_478 = arith.constant 0 : i32
    %dma_wait3A_479 = arith.constant 0 : i32
    %dma_wait3A_480 = tpu.memref_slice %arg8[%dma_wait3A_477, %dma_wait3A_478, %dma_wait3A_479] : memref<5x32x256xf32, #tpu.memory_space<vmem>> -> memref<1x32x256xf32, #tpu.memory_space<vmem>>
    %dma_wait3A_481 = tpu.memref_squeeze %dma_wait3A_480 : memref<1x32x256xf32, #tpu.memory_space<vmem>> -> memref<32x256xf32, #tpu.memory_space<vmem>>
    %dma_wait3A_482 = arith.constant 128 : i32
    %dma_wait3A_483 = tpu.memref_slice %arg7[%dma_wait3A_482] : memref<512xi32, #tpu.memory_space<vmem>> -> memref<32xi32, #tpu.memory_space<vmem>>
    %dma_wait3A_484 = arith.constant 0 : i32
    %dma_wait3A_485 = arith.constant 0 : i32
    %dma_wait3A_486 = tpu.memref_slice %arg2[%dma_wait3A_484, %dma_wait3A_485] : memref<100000x256xf32, #tpu.memory_space<hbm>> -> memref<100000x256xf32, #tpu.memory_space<hbm>>
    tpu.wait_indirect_dma semaphore(%arg14 : memref<!tpu.dma_semaphore, #tpu.memory_space<semaphore_mem>>) src(%dma_wait3A_486 : memref<100000x256xf32, #tpu.memory_space<hbm>>) dst(%dma_wait3A_481 : memref<32x256xf32, #tpu.memory_space<vmem>>)
    %dma_wait3A_487 = arith.constant 4 : i32
    %dma_wait3A_488 = arith.constant 0 : i32
    %dma_wait3A_489 = arith.constant 0 : i32
    %dma_wait3A_490 = tpu.memref_slice %arg9[%dma_wait3A_487, %dma_wait3A_488, %dma_wait3A_489] : memref<5x32x512xf32, #tpu.memory_space<vmem>> -> memref<1x32x512xf32, #tpu.memory_space<vmem>>
    %dma_wait3A_491 = tpu.memref_squeeze %dma_wait3A_490 : memref<1x32x512xf32, #tpu.memory_space<vmem>> -> memref<32x512xf32, #tpu.memory_space<vmem>>
    %dma_wait3A_492 = arith.constant 128 : i32
    %dma_wait3A_493 = tpu.memref_slice %arg7[%dma_wait3A_492] : memref<512xi32, #tpu.memory_space<vmem>> -> memref<32xi32, #tpu.memory_space<vmem>>
    %dma_wait3A_494 = arith.constant 0 : i32
    %dma_wait3A_495 = arith.constant 0 : i32
    %dma_wait3A_496 = tpu.memref_slice %arg3[%dma_wait3A_494, %dma_wait3A_495] : memref<100000x512xf32, #tpu.memory_space<hbm>> -> memref<100000x512xf32, #tpu.memory_space<hbm>>
    tpu.wait_indirect_dma semaphore(%arg14 : memref<!tpu.dma_semaphore, #tpu.memory_space<semaphore_mem>>) src(%dma_wait3A_496 : memref<100000x512xf32, #tpu.memory_space<hbm>>) dst(%dma_wait3A_491 : memref<32x512xf32, #tpu.memory_space<vmem>>)
    %add3A_497 = arith.constant 128 : i32
    %add3A_498 = arith.addi %mul3A_2, %add3A_497 : i32
    %dma_start3A_499 = arith.constant 4 : i32
    %dma_start3A_500 = arith.constant 0 : i32
    %dma_start3A_501 = arith.constant 0 : i32
    %dma_start3A_502 = tpu.memref_slice %arg8[%dma_start3A_499, %dma_start3A_500, %dma_start3A_501] : memref<5x32x256xf32, #tpu.memory_space<vmem>> -> memref<1x32x256xf32, #tpu.memory_space<vmem>>
    %dma_start3A_503 = tpu.memref_squeeze %dma_start3A_502 : memref<1x32x256xf32, #tpu.memory_space<vmem>> -> memref<32x256xf32, #tpu.memory_space<vmem>>
    %dma_start3A_504 = arith.constant 0 : i32
    %dma_start3A_505 = tpu.memref_slice %arg5[%add3A_498, %dma_start3A_504] : memref<16384x256xf32, #tpu.memory_space<hbm>> -> memref<32x256xf32, #tpu.memory_space<hbm>>
    %dma_start3A_506 = arith.constant 0 : i32
    %dma_start3A_507 = tpu.memref_slice %arg5[%add3A_498, %dma_start3A_506] : memref<16384x256xf32, #tpu.memory_space<hbm>> -> memref<32x256xf32, #tpu.memory_space<hbm>>
    %dma_start3A_508 = arith.constant 0 : i32
    %dma_start3A_509 = arith.constant 0 : i32
    %dma_start3A_510 = tpu.memref_slice %arg8[%dma_start3A_499, %dma_start3A_508, %dma_start3A_509] : memref<5x32x256xf32, #tpu.memory_space<vmem>> -> memref<1x32x256xf32, #tpu.memory_space<vmem>>
    %dma_start3A_511 = tpu.memref_squeeze %dma_start3A_510 : memref<1x32x256xf32, #tpu.memory_space<vmem>> -> memref<32x256xf32, #tpu.memory_space<vmem>>
    tpu.enqueue_dma source(%dma_start3A_511 : memref<32x256xf32, #tpu.memory_space<vmem>>) target(%dma_start3A_507 : memref<32x256xf32, #tpu.memory_space<hbm>>) target_semaphore(%arg19 : memref<!tpu.dma_semaphore, #tpu.memory_space<semaphore_mem>>)
    %dma_start3A_512 = arith.constant 4 : i32
    %dma_start3A_513 = arith.constant 0 : i32
    %dma_start3A_514 = arith.constant 0 : i32
    %dma_start3A_515 = tpu.memref_slice %arg9[%dma_start3A_512, %dma_start3A_513, %dma_start3A_514] : memref<5x32x512xf32, #tpu.memory_space<vmem>> -> memref<1x32x512xf32, #tpu.memory_space<vmem>>
    %dma_start3A_516 = tpu.memref_squeeze %dma_start3A_515 : memref<1x32x512xf32, #tpu.memory_space<vmem>> -> memref<32x512xf32, #tpu.memory_space<vmem>>
    %dma_start3A_517 = arith.constant 0 : i32
    %dma_start3A_518 = tpu.memref_slice %arg6[%add3A_498, %dma_start3A_517] : memref<16384x512xf32, #tpu.memory_space<hbm>> -> memref<32x512xf32, #tpu.memory_space<hbm>>
    %dma_start3A_519 = arith.constant 0 : i32
    %dma_start3A_520 = tpu.memref_slice %arg6[%add3A_498, %dma_start3A_519] : memref<16384x512xf32, #tpu.memory_space<hbm>> -> memref<32x512xf32, #tpu.memory_space<hbm>>
    %dma_start3A_521 = arith.constant 0 : i32
    %dma_start3A_522 = arith.constant 0 : i32
    %dma_start3A_523 = tpu.memref_slice %arg9[%dma_start3A_512, %dma_start3A_521, %dma_start3A_522] : memref<5x32x512xf32, #tpu.memory_space<vmem>> -> memref<1x32x512xf32, #tpu.memory_space<vmem>>
    %dma_start3A_524 = tpu.memref_squeeze %dma_start3A_523 : memref<1x32x512xf32, #tpu.memory_space<vmem>> -> memref<32x512xf32, #tpu.memory_space<vmem>>
    tpu.enqueue_dma source(%dma_start3A_524 : memref<32x512xf32, #tpu.memory_space<vmem>>) target(%dma_start3A_520 : memref<32x512xf32, #tpu.memory_space<hbm>>) target_semaphore(%arg19 : memref<!tpu.dma_semaphore, #tpu.memory_space<semaphore_mem>>)
    %dma_wait3A_525 = arith.constant 4 : i32
    %dma_wait3A_526 = arith.constant 0 : i32
    %dma_wait3A_527 = arith.constant 0 : i32
    %dma_wait3A_528 = tpu.memref_slice %arg8[%dma_wait3A_525, %dma_wait3A_526, %dma_wait3A_527] : memref<5x32x256xf32, #tpu.memory_space<vmem>> -> memref<1x32x256xf32, #tpu.memory_space<vmem>>
    %dma_wait3A_529 = tpu.memref_squeeze %dma_wait3A_528 : memref<1x32x256xf32, #tpu.memory_space<vmem>> -> memref<32x256xf32, #tpu.memory_space<vmem>>
    %dma_wait3A_530 = arith.constant 0 : i32
    %dma_wait3A_531 = tpu.memref_slice %arg5[%add3A_498, %dma_wait3A_530] : memref<16384x256xf32, #tpu.memory_space<hbm>> -> memref<32x256xf32, #tpu.memory_space<hbm>>
    %dma_wait3A_532 = arith.constant 0 : i32
    %dma_wait3A_533 = tpu.memref_slice %arg5[%add3A_498, %dma_wait3A_532] : memref<16384x256xf32, #tpu.memory_space<hbm>> -> memref<32x256xf32, #tpu.memory_space<hbm>>
    %dma_wait3A_534 = arith.constant 0 : i32
    %dma_wait3A_535 = arith.constant 0 : i32
    %dma_wait3A_536 = tpu.memref_slice %arg8[%dma_wait3A_525, %dma_wait3A_534, %dma_wait3A_535] : memref<5x32x256xf32, #tpu.memory_space<vmem>> -> memref<1x32x256xf32, #tpu.memory_space<vmem>>
    %dma_wait3A_537 = tpu.memref_squeeze %dma_wait3A_536 : memref<1x32x256xf32, #tpu.memory_space<vmem>> -> memref<32x256xf32, #tpu.memory_space<vmem>>
    tpu.wait_dma2 semaphore(%arg19 : memref<!tpu.dma_semaphore, #tpu.memory_space<semaphore_mem>>) src(%dma_wait3A_537 : memref<32x256xf32, #tpu.memory_space<vmem>>) dst(%dma_wait3A_533 : memref<32x256xf32, #tpu.memory_space<hbm>>)
    %dma_wait3A_538 = arith.constant 4 : i32
    %dma_wait3A_539 = arith.constant 0 : i32
    %dma_wait3A_540 = arith.constant 0 : i32
    %dma_wait3A_541 = tpu.memref_slice %arg9[%dma_wait3A_538, %dma_wait3A_539, %dma_wait3A_540] : memref<5x32x512xf32, #tpu.memory_space<vmem>> -> memref<1x32x512xf32, #tpu.memory_space<vmem>>
    %dma_wait3A_542 = tpu.memref_squeeze %dma_wait3A_541 : memref<1x32x512xf32, #tpu.memory_space<vmem>> -> memref<32x512xf32, #tpu.memory_space<vmem>>
    %dma_wait3A_543 = arith.constant 0 : i32
    %dma_wait3A_544 = tpu.memref_slice %arg6[%add3A_498, %dma_wait3A_543] : memref<16384x512xf32, #tpu.memory_space<hbm>> -> memref<32x512xf32, #tpu.memory_space<hbm>>
    %dma_wait3A_545 = arith.constant 0 : i32
    %dma_wait3A_546 = tpu.memref_slice %arg6[%add3A_498, %dma_wait3A_545] : memref<16384x512xf32, #tpu.memory_space<hbm>> -> memref<32x512xf32, #tpu.memory_space<hbm>>
    %dma_wait3A_547 = arith.constant 0 : i32
    %dma_wait3A_548 = arith.constant 0 : i32
    %dma_wait3A_549 = tpu.memref_slice %arg9[%dma_wait3A_538, %dma_wait3A_547, %dma_wait3A_548] : memref<5x32x512xf32, #tpu.memory_space<vmem>> -> memref<1x32x512xf32, #tpu.memory_space<vmem>>
    %dma_wait3A_550 = tpu.memref_squeeze %dma_wait3A_549 : memref<1x32x512xf32, #tpu.memory_space<vmem>> -> memref<32x512xf32, #tpu.memory_space<vmem>>
    tpu.wait_dma2 semaphore(%arg19 : memref<!tpu.dma_semaphore, #tpu.memory_space<semaphore_mem>>) src(%dma_wait3A_550 : memref<32x512xf32, #tpu.memory_space<vmem>>) dst(%dma_wait3A_546 : memref<32x512xf32, #tpu.memory_space<hbm>>)
    %dma_start3A_551 = arith.constant 4 : i32
    %dma_start3A_552 = arith.constant 0 : i32
    %dma_start3A_553 = arith.constant 0 : i32
    %dma_start3A_554 = tpu.memref_slice %arg8[%dma_start3A_551, %dma_start3A_552, %dma_start3A_553] : memref<5x32x256xf32, #tpu.memory_space<vmem>> -> memref<1x32x256xf32, #tpu.memory_space<vmem>>
    %dma_start3A_555 = tpu.memref_squeeze %dma_start3A_554 : memref<1x32x256xf32, #tpu.memory_space<vmem>> -> memref<32x256xf32, #tpu.memory_space<vmem>>
    %dma_start3A_556 = arith.constant 288 : i32
    %dma_start3A_557 = tpu.memref_slice %arg7[%dma_start3A_556] : memref<512xi32, #tpu.memory_space<vmem>> -> memref<32xi32, #tpu.memory_space<vmem>>
    %dma_start3A_558 = arith.constant 0 : i32
    %dma_start3A_559 = arith.constant 0 : i32
    %dma_start3A_560 = tpu.memref_slice %arg2[%dma_start3A_558, %dma_start3A_559] : memref<100000x256xf32, #tpu.memory_space<hbm>> -> memref<100000x256xf32, #tpu.memory_space<hbm>>
    tpu.enqueue_indirect_dma source(%dma_start3A_560 : memref<100000x256xf32, #tpu.memory_space<hbm>>) target(%dma_start3A_555 : memref<32x256xf32, #tpu.memory_space<vmem>>) offsets(%dma_start3A_557 : memref<32xi32, #tpu.memory_space<vmem>>) semaphore(%arg14 : memref<!tpu.dma_semaphore, #tpu.memory_space<semaphore_mem>>)
    %dma_start3A_561 = arith.constant 4 : i32
    %dma_start3A_562 = arith.constant 0 : i32
    %dma_start3A_563 = arith.constant 0 : i32
    %dma_start3A_564 = tpu.memref_slice %arg9[%dma_start3A_561, %dma_start3A_562, %dma_start3A_563] : memref<5x32x512xf32, #tpu.memory_space<vmem>> -> memref<1x32x512xf32, #tpu.memory_space<vmem>>
    %dma_start3A_565 = tpu.memref_squeeze %dma_start3A_564 : memref<1x32x512xf32, #tpu.memory_space<vmem>> -> memref<32x512xf32, #tpu.memory_space<vmem>>
    %dma_start3A_566 = arith.constant 288 : i32
    %dma_start3A_567 = tpu.memref_slice %arg7[%dma_start3A_566] : memref<512xi32, #tpu.memory_space<vmem>> -> memref<32xi32, #tpu.memory_space<vmem>>
    %dma_start3A_568 = arith.constant 0 : i32
    %dma_start3A_569 = arith.constant 0 : i32
    %dma_start3A_570 = tpu.memref_slice %arg3[%dma_start3A_568, %dma_start3A_569] : memref<100000x512xf32, #tpu.memory_space<hbm>> -> memref<100000x512xf32, #tpu.memory_space<hbm>>
    tpu.enqueue_indirect_dma source(%dma_start3A_570 : memref<100000x512xf32, #tpu.memory_space<hbm>>) target(%dma_start3A_565 : memref<32x512xf32, #tpu.memory_space<vmem>>) offsets(%dma_start3A_567 : memref<32xi32, #tpu.memory_space<vmem>>) semaphore(%arg14 : memref<!tpu.dma_semaphore, #tpu.memory_space<semaphore_mem>>)
    %dma_wait3A_571 = arith.constant 0 : i32
    %dma_wait3A_572 = arith.constant 0 : i32
    %dma_wait3A_573 = arith.constant 0 : i32
    %dma_wait3A_574 = tpu.memref_slice %arg8[%dma_wait3A_571, %dma_wait3A_572, %dma_wait3A_573] : memref<5x32x256xf32, #tpu.memory_space<vmem>> -> memref<1x32x256xf32, #tpu.memory_space<vmem>>
    %dma_wait3A_575 = tpu.memref_squeeze %dma_wait3A_574 : memref<1x32x256xf32, #tpu.memory_space<vmem>> -> memref<32x256xf32, #tpu.memory_space<vmem>>
    %dma_wait3A_576 = arith.constant 160 : i32
    %dma_wait3A_577 = tpu.memref_slice %arg7[%dma_wait3A_576] : memref<512xi32, #tpu.memory_space<vmem>> -> memref<32xi32, #tpu.memory_space<vmem>>
    %dma_wait3A_578 = arith.constant 0 : i32
    %dma_wait3A_579 = arith.constant 0 : i32
    %dma_wait3A_580 = tpu.memref_slice %arg2[%dma_wait3A_578, %dma_wait3A_579] : memref<100000x256xf32, #tpu.memory_space<hbm>> -> memref<100000x256xf32, #tpu.memory_space<hbm>>
    tpu.wait_indirect_dma semaphore(%arg10 : memref<!tpu.dma_semaphore, #tpu.memory_space<semaphore_mem>>) src(%dma_wait3A_580 : memref<100000x256xf32, #tpu.memory_space<hbm>>) dst(%dma_wait3A_575 : memref<32x256xf32, #tpu.memory_space<vmem>>)
    %dma_wait3A_581 = arith.constant 0 : i32
    %dma_wait3A_582 = arith.constant 0 : i32
    %dma_wait3A_583 = arith.constant 0 : i32
    %dma_wait3A_584 = tpu.memref_slice %arg9[%dma_wait3A_581, %dma_wait3A_582, %dma_wait3A_583] : memref<5x32x512xf32, #tpu.memory_space<vmem>> -> memref<1x32x512xf32, #tpu.memory_space<vmem>>
    %dma_wait3A_585 = tpu.memref_squeeze %dma_wait3A_584 : memref<1x32x512xf32, #tpu.memory_space<vmem>> -> memref<32x512xf32, #tpu.memory_space<vmem>>
    %dma_wait3A_586 = arith.constant 160 : i32
    %dma_wait3A_587 = tpu.memref_slice %arg7[%dma_wait3A_586] : memref<512xi32, #tpu.memory_space<vmem>> -> memref<32xi32, #tpu.memory_space<vmem>>
    %dma_wait3A_588 = arith.constant 0 : i32
    %dma_wait3A_589 = arith.constant 0 : i32
    %dma_wait3A_590 = tpu.memref_slice %arg3[%dma_wait3A_588, %dma_wait3A_589] : memref<100000x512xf32, #tpu.memory_space<hbm>> -> memref<100000x512xf32, #tpu.memory_space<hbm>>
    tpu.wait_indirect_dma semaphore(%arg10 : memref<!tpu.dma_semaphore, #tpu.memory_space<semaphore_mem>>) src(%dma_wait3A_590 : memref<100000x512xf32, #tpu.memory_space<hbm>>) dst(%dma_wait3A_585 : memref<32x512xf32, #tpu.memory_space<vmem>>)
    %add3A_591 = arith.constant 160 : i32
    %add3A_592 = arith.addi %mul3A_2, %add3A_591 : i32
    %dma_start3A_593 = arith.constant 0 : i32
    %dma_start3A_594 = arith.constant 0 : i32
    %dma_start3A_595 = arith.constant 0 : i32
    %dma_start3A_596 = tpu.memref_slice %arg8[%dma_start3A_593, %dma_start3A_594, %dma_start3A_595] : memref<5x32x256xf32, #tpu.memory_space<vmem>> -> memref<1x32x256xf32, #tpu.memory_space<vmem>>
    %dma_start3A_597 = tpu.memref_squeeze %dma_start3A_596 : memref<1x32x256xf32, #tpu.memory_space<vmem>> -> memref<32x256xf32, #tpu.memory_space<vmem>>
    %dma_start3A_598 = arith.constant 0 : i32
    %dma_start3A_599 = tpu.memref_slice %arg5[%add3A_592, %dma_start3A_598] : memref<16384x256xf32, #tpu.memory_space<hbm>> -> memref<32x256xf32, #tpu.memory_space<hbm>>
    %dma_start3A_600 = arith.constant 0 : i32
    %dma_start3A_601 = tpu.memref_slice %arg5[%add3A_592, %dma_start3A_600] : memref<16384x256xf32, #tpu.memory_space<hbm>> -> memref<32x256xf32, #tpu.memory_space<hbm>>
    %dma_start3A_602 = arith.constant 0 : i32
    %dma_start3A_603 = arith.constant 0 : i32
    %dma_start3A_604 = tpu.memref_slice %arg8[%dma_start3A_593, %dma_start3A_602, %dma_start3A_603] : memref<5x32x256xf32, #tpu.memory_space<vmem>> -> memref<1x32x256xf32, #tpu.memory_space<vmem>>
    %dma_start3A_605 = tpu.memref_squeeze %dma_start3A_604 : memref<1x32x256xf32, #tpu.memory_space<vmem>> -> memref<32x256xf32, #tpu.memory_space<vmem>>
    tpu.enqueue_dma source(%dma_start3A_605 : memref<32x256xf32, #tpu.memory_space<vmem>>) target(%dma_start3A_601 : memref<32x256xf32, #tpu.memory_space<hbm>>) target_semaphore(%arg15 : memref<!tpu.dma_semaphore, #tpu.memory_space<semaphore_mem>>)
    %dma_start3A_606 = arith.constant 0 : i32
    %dma_start3A_607 = arith.constant 0 : i32
    %dma_start3A_608 = arith.constant 0 : i32
    %dma_start3A_609 = tpu.memref_slice %arg9[%dma_start3A_606, %dma_start3A_607, %dma_start3A_608] : memref<5x32x512xf32, #tpu.memory_space<vmem>> -> memref<1x32x512xf32, #tpu.memory_space<vmem>>
    %dma_start3A_610 = tpu.memref_squeeze %dma_start3A_609 : memref<1x32x512xf32, #tpu.memory_space<vmem>> -> memref<32x512xf32, #tpu.memory_space<vmem>>
    %dma_start3A_611 = arith.constant 0 : i32
    %dma_start3A_612 = tpu.memref_slice %arg6[%add3A_592, %dma_start3A_611] : memref<16384x512xf32, #tpu.memory_space<hbm>> -> memref<32x512xf32, #tpu.memory_space<hbm>>
    %dma_start3A_613 = arith.constant 0 : i32
    %dma_start3A_614 = tpu.memref_slice %arg6[%add3A_592, %dma_start3A_613] : memref<16384x512xf32, #tpu.memory_space<hbm>> -> memref<32x512xf32, #tpu.memory_space<hbm>>
    %dma_start3A_615 = arith.constant 0 : i32
    %dma_start3A_616 = arith.constant 0 : i32
    %dma_start3A_617 = tpu.memref_slice %arg9[%dma_start3A_606, %dma_start3A_615, %dma_start3A_616] : memref<5x32x512xf32, #tpu.memory_space<vmem>> -> memref<1x32x512xf32, #tpu.memory_space<vmem>>
    %dma_start3A_618 = tpu.memref_squeeze %dma_start3A_617 : memref<1x32x512xf32, #tpu.memory_space<vmem>> -> memref<32x512xf32, #tpu.memory_space<vmem>>
    tpu.enqueue_dma source(%dma_start3A_618 : memref<32x512xf32, #tpu.memory_space<vmem>>) target(%dma_start3A_614 : memref<32x512xf32, #tpu.memory_space<hbm>>) target_semaphore(%arg15 : memref<!tpu.dma_semaphore, #tpu.memory_space<semaphore_mem>>)
    %dma_wait3A_619 = arith.constant 0 : i32
    %dma_wait3A_620 = arith.constant 0 : i32
    %dma_wait3A_621 = arith.constant 0 : i32
    %dma_wait3A_622 = tpu.memref_slice %arg8[%dma_wait3A_619, %dma_wait3A_620, %dma_wait3A_621] : memref<5x32x256xf32, #tpu.memory_space<vmem>> -> memref<1x32x256xf32, #tpu.memory_space<vmem>>
    %dma_wait3A_623 = tpu.memref_squeeze %dma_wait3A_622 : memref<1x32x256xf32, #tpu.memory_space<vmem>> -> memref<32x256xf32, #tpu.memory_space<vmem>>
    %dma_wait3A_624 = arith.constant 0 : i32
    %dma_wait3A_625 = tpu.memref_slice %arg5[%add3A_592, %dma_wait3A_624] : memref<16384x256xf32, #tpu.memory_space<hbm>> -> memref<32x256xf32, #tpu.memory_space<hbm>>
    %dma_wait3A_626 = arith.constant 0 : i32
    %dma_wait3A_627 = tpu.memref_slice %arg5[%add3A_592, %dma_wait3A_626] : memref<16384x256xf32, #tpu.memory_space<hbm>> -> memref<32x256xf32, #tpu.memory_space<hbm>>
    %dma_wait3A_628 = arith.constant 0 : i32
    %dma_wait3A_629 = arith.constant 0 : i32
    %dma_wait3A_630 = tpu.memref_slice %arg8[%dma_wait3A_619, %dma_wait3A_628, %dma_wait3A_629] : memref<5x32x256xf32, #tpu.memory_space<vmem>> -> memref<1x32x256xf32, #tpu.memory_space<vmem>>
    %dma_wait3A_631 = tpu.memref_squeeze %dma_wait3A_630 : memref<1x32x256xf32, #tpu.memory_space<vmem>> -> memref<32x256xf32, #tpu.memory_space<vmem>>
    tpu.wait_dma2 semaphore(%arg15 : memref<!tpu.dma_semaphore, #tpu.memory_space<semaphore_mem>>) src(%dma_wait3A_631 : memref<32x256xf32, #tpu.memory_space<vmem>>) dst(%dma_wait3A_627 : memref<32x256xf32, #tpu.memory_space<hbm>>)
    %dma_wait3A_632 = arith.constant 0 : i32
    %dma_wait3A_633 = arith.constant 0 : i32
    %dma_wait3A_634 = arith.constant 0 : i32
    %dma_wait3A_635 = tpu.memref_slice %arg9[%dma_wait3A_632, %dma_wait3A_633, %dma_wait3A_634] : memref<5x32x512xf32, #tpu.memory_space<vmem>> -> memref<1x32x512xf32, #tpu.memory_space<vmem>>
    %dma_wait3A_636 = tpu.memref_squeeze %dma_wait3A_635 : memref<1x32x512xf32, #tpu.memory_space<vmem>> -> memref<32x512xf32, #tpu.memory_space<vmem>>
    %dma_wait3A_637 = arith.constant 0 : i32
    %dma_wait3A_638 = tpu.memref_slice %arg6[%add3A_592, %dma_wait3A_637] : memref<16384x512xf32, #tpu.memory_space<hbm>> -> memref<32x512xf32, #tpu.memory_space<hbm>>
    %dma_wait3A_639 = arith.constant 0 : i32
    %dma_wait3A_640 = tpu.memref_slice %arg6[%add3A_592, %dma_wait3A_639] : memref<16384x512xf32, #tpu.memory_space<hbm>> -> memref<32x512xf32, #tpu.memory_space<hbm>>
    %dma_wait3A_641 = arith.constant 0 : i32
    %dma_wait3A_642 = arith.constant 0 : i32
    %dma_wait3A_643 = tpu.memref_slice %arg9[%dma_wait3A_632, %dma_wait3A_641, %dma_wait3A_642] : memref<5x32x512xf32, #tpu.memory_space<vmem>> -> memref<1x32x512xf32, #tpu.memory_space<vmem>>
    %dma_wait3A_644 = tpu.memref_squeeze %dma_wait3A_643 : memref<1x32x512xf32, #tpu.memory_space<vmem>> -> memref<32x512xf32, #tpu.memory_space<vmem>>
    tpu.wait_dma2 semaphore(%arg15 : memref<!tpu.dma_semaphore, #tpu.memory_space<semaphore_mem>>) src(%dma_wait3A_644 : memref<32x512xf32, #tpu.memory_space<vmem>>) dst(%dma_wait3A_640 : memref<32x512xf32, #tpu.memory_space<hbm>>)
    %dma_start3A_645 = arith.constant 0 : i32
    %dma_start3A_646 = arith.constant 0 : i32
    %dma_start3A_647 = arith.constant 0 : i32
    %dma_start3A_648 = tpu.memref_slice %arg8[%dma_start3A_645, %dma_start3A_646, %dma_start3A_647] : memref<5x32x256xf32, #tpu.memory_space<vmem>> -> memref<1x32x256xf32, #tpu.memory_space<vmem>>
    %dma_start3A_649 = tpu.memref_squeeze %dma_start3A_648 : memref<1x32x256xf32, #tpu.memory_space<vmem>> -> memref<32x256xf32, #tpu.memory_space<vmem>>
    %dma_start3A_650 = arith.constant 320 : i32
    %dma_start3A_651 = tpu.memref_slice %arg7[%dma_start3A_650] : memref<512xi32, #tpu.memory_space<vmem>> -> memref<32xi32, #tpu.memory_space<vmem>>
    %dma_start3A_652 = arith.constant 0 : i32
    %dma_start3A_653 = arith.constant 0 : i32
    %dma_start3A_654 = tpu.memref_slice %arg2[%dma_start3A_652, %dma_start3A_653] : memref<100000x256xf32, #tpu.memory_space<hbm>> -> memref<100000x256xf32, #tpu.memory_space<hbm>>
    tpu.enqueue_indirect_dma source(%dma_start3A_654 : memref<100000x256xf32, #tpu.memory_space<hbm>>) target(%dma_start3A_649 : memref<32x256xf32, #tpu.memory_space<vmem>>) offsets(%dma_start3A_651 : memref<32xi32, #tpu.memory_space<vmem>>) semaphore(%arg10 : memref<!tpu.dma_semaphore, #tpu.memory_space<semaphore_mem>>)
    %dma_start3A_655 = arith.constant 0 : i32
    %dma_start3A_656 = arith.constant 0 : i32
    %dma_start3A_657 = arith.constant 0 : i32
    %dma_start3A_658 = tpu.memref_slice %arg9[%dma_start3A_655, %dma_start3A_656, %dma_start3A_657] : memref<5x32x512xf32, #tpu.memory_space<vmem>> -> memref<1x32x512xf32, #tpu.memory_space<vmem>>
    %dma_start3A_659 = tpu.memref_squeeze %dma_start3A_658 : memref<1x32x512xf32, #tpu.memory_space<vmem>> -> memref<32x512xf32, #tpu.memory_space<vmem>>
    %dma_start3A_660 = arith.constant 320 : i32
    %dma_start3A_661 = tpu.memref_slice %arg7[%dma_start3A_660] : memref<512xi32, #tpu.memory_space<vmem>> -> memref<32xi32, #tpu.memory_space<vmem>>
    %dma_start3A_662 = arith.constant 0 : i32
    %dma_start3A_663 = arith.constant 0 : i32
    %dma_start3A_664 = tpu.memref_slice %arg3[%dma_start3A_662, %dma_start3A_663] : memref<100000x512xf32, #tpu.memory_space<hbm>> -> memref<100000x512xf32, #tpu.memory_space<hbm>>
    tpu.enqueue_indirect_dma source(%dma_start3A_664 : memref<100000x512xf32, #tpu.memory_space<hbm>>) target(%dma_start3A_659 : memref<32x512xf32, #tpu.memory_space<vmem>>) offsets(%dma_start3A_661 : memref<32xi32, #tpu.memory_space<vmem>>) semaphore(%arg10 : memref<!tpu.dma_semaphore, #tpu.memory_space<semaphore_mem>>)
    %dma_wait3A_665 = arith.constant 1 : i32
    %dma_wait3A_666 = arith.constant 0 : i32
    %dma_wait3A_667 = arith.constant 0 : i32
    %dma_wait3A_668 = tpu.memref_slice %arg8[%dma_wait3A_665, %dma_wait3A_666, %dma_wait3A_667] : memref<5x32x256xf32, #tpu.memory_space<vmem>> -> memref<1x32x256xf32, #tpu.memory_space<vmem>>
    %dma_wait3A_669 = tpu.memref_squeeze %dma_wait3A_668 : memref<1x32x256xf32, #tpu.memory_space<vmem>> -> memref<32x256xf32, #tpu.memory_space<vmem>>
    %dma_wait3A_670 = arith.constant 192 : i32
    %dma_wait3A_671 = tpu.memref_slice %arg7[%dma_wait3A_670] : memref<512xi32, #tpu.memory_space<vmem>> -> memref<32xi32, #tpu.memory_space<vmem>>
    %dma_wait3A_672 = arith.constant 0 : i32
    %dma_wait3A_673 = arith.constant 0 : i32
    %dma_wait3A_674 = tpu.memref_slice %arg2[%dma_wait3A_672, %dma_wait3A_673] : memref<100000x256xf32, #tpu.memory_space<hbm>> -> memref<100000x256xf32, #tpu.memory_space<hbm>>
    tpu.wait_indirect_dma semaphore(%arg11 : memref<!tpu.dma_semaphore, #tpu.memory_space<semaphore_mem>>) src(%dma_wait3A_674 : memref<100000x256xf32, #tpu.memory_space<hbm>>) dst(%dma_wait3A_669 : memref<32x256xf32, #tpu.memory_space<vmem>>)
    %dma_wait3A_675 = arith.constant 1 : i32
    %dma_wait3A_676 = arith.constant 0 : i32
    %dma_wait3A_677 = arith.constant 0 : i32
    %dma_wait3A_678 = tpu.memref_slice %arg9[%dma_wait3A_675, %dma_wait3A_676, %dma_wait3A_677] : memref<5x32x512xf32, #tpu.memory_space<vmem>> -> memref<1x32x512xf32, #tpu.memory_space<vmem>>
    %dma_wait3A_679 = tpu.memref_squeeze %dma_wait3A_678 : memref<1x32x512xf32, #tpu.memory_space<vmem>> -> memref<32x512xf32, #tpu.memory_space<vmem>>
    %dma_wait3A_680 = arith.constant 192 : i32
    %dma_wait3A_681 = tpu.memref_slice %arg7[%dma_wait3A_680] : memref<512xi32, #tpu.memory_space<vmem>> -> memref<32xi32, #tpu.memory_space<vmem>>
    %dma_wait3A_682 = arith.constant 0 : i32
    %dma_wait3A_683 = arith.constant 0 : i32
    %dma_wait3A_684 = tpu.memref_slice %arg3[%dma_wait3A_682, %dma_wait3A_683] : memref<100000x512xf32, #tpu.memory_space<hbm>> -> memref<100000x512xf32, #tpu.memory_space<hbm>>
    tpu.wait_indirect_dma semaphore(%arg11 : memref<!tpu.dma_semaphore, #tpu.memory_space<semaphore_mem>>) src(%dma_wait3A_684 : memref<100000x512xf32, #tpu.memory_space<hbm>>) dst(%dma_wait3A_679 : memref<32x512xf32, #tpu.memory_space<vmem>>)
    %add3A_685 = arith.constant 192 : i32
    %add3A_686 = arith.addi %mul3A_2, %add3A_685 : i32
    %dma_start3A_687 = arith.constant 1 : i32
    %dma_start3A_688 = arith.constant 0 : i32
    %dma_start3A_689 = arith.constant 0 : i32
    %dma_start3A_690 = tpu.memref_slice %arg8[%dma_start3A_687, %dma_start3A_688, %dma_start3A_689] : memref<5x32x256xf32, #tpu.memory_space<vmem>> -> memref<1x32x256xf32, #tpu.memory_space<vmem>>
    %dma_start3A_691 = tpu.memref_squeeze %dma_start3A_690 : memref<1x32x256xf32, #tpu.memory_space<vmem>> -> memref<32x256xf32, #tpu.memory_space<vmem>>
    %dma_start3A_692 = arith.constant 0 : i32
    %dma_start3A_693 = tpu.memref_slice %arg5[%add3A_686, %dma_start3A_692] : memref<16384x256xf32, #tpu.memory_space<hbm>> -> memref<32x256xf32, #tpu.memory_space<hbm>>
    %dma_start3A_694 = arith.constant 0 : i32
    %dma_start3A_695 = tpu.memref_slice %arg5[%add3A_686, %dma_start3A_694] : memref<16384x256xf32, #tpu.memory_space<hbm>> -> memref<32x256xf32, #tpu.memory_space<hbm>>
    %dma_start3A_696 = arith.constant 0 : i32
    %dma_start3A_697 = arith.constant 0 : i32
    %dma_start3A_698 = tpu.memref_slice %arg8[%dma_start3A_687, %dma_start3A_696, %dma_start3A_697] : memref<5x32x256xf32, #tpu.memory_space<vmem>> -> memref<1x32x256xf32, #tpu.memory_space<vmem>>
    %dma_start3A_699 = tpu.memref_squeeze %dma_start3A_698 : memref<1x32x256xf32, #tpu.memory_space<vmem>> -> memref<32x256xf32, #tpu.memory_space<vmem>>
    tpu.enqueue_dma source(%dma_start3A_699 : memref<32x256xf32, #tpu.memory_space<vmem>>) target(%dma_start3A_695 : memref<32x256xf32, #tpu.memory_space<hbm>>) target_semaphore(%arg16 : memref<!tpu.dma_semaphore, #tpu.memory_space<semaphore_mem>>)
    %dma_start3A_700 = arith.constant 1 : i32
    %dma_start3A_701 = arith.constant 0 : i32
    %dma_start3A_702 = arith.constant 0 : i32
    %dma_start3A_703 = tpu.memref_slice %arg9[%dma_start3A_700, %dma_start3A_701, %dma_start3A_702] : memref<5x32x512xf32, #tpu.memory_space<vmem>> -> memref<1x32x512xf32, #tpu.memory_space<vmem>>
    %dma_start3A_704 = tpu.memref_squeeze %dma_start3A_703 : memref<1x32x512xf32, #tpu.memory_space<vmem>> -> memref<32x512xf32, #tpu.memory_space<vmem>>
    %dma_start3A_705 = arith.constant 0 : i32
    %dma_start3A_706 = tpu.memref_slice %arg6[%add3A_686, %dma_start3A_705] : memref<16384x512xf32, #tpu.memory_space<hbm>> -> memref<32x512xf32, #tpu.memory_space<hbm>>
    %dma_start3A_707 = arith.constant 0 : i32
    %dma_start3A_708 = tpu.memref_slice %arg6[%add3A_686, %dma_start3A_707] : memref<16384x512xf32, #tpu.memory_space<hbm>> -> memref<32x512xf32, #tpu.memory_space<hbm>>
    %dma_start3A_709 = arith.constant 0 : i32
    %dma_start3A_710 = arith.constant 0 : i32
    %dma_start3A_711 = tpu.memref_slice %arg9[%dma_start3A_700, %dma_start3A_709, %dma_start3A_710] : memref<5x32x512xf32, #tpu.memory_space<vmem>> -> memref<1x32x512xf32, #tpu.memory_space<vmem>>
    %dma_start3A_712 = tpu.memref_squeeze %dma_start3A_711 : memref<1x32x512xf32, #tpu.memory_space<vmem>> -> memref<32x512xf32, #tpu.memory_space<vmem>>
    tpu.enqueue_dma source(%dma_start3A_712 : memref<32x512xf32, #tpu.memory_space<vmem>>) target(%dma_start3A_708 : memref<32x512xf32, #tpu.memory_space<hbm>>) target_semaphore(%arg16 : memref<!tpu.dma_semaphore, #tpu.memory_space<semaphore_mem>>)
    %dma_wait3A_713 = arith.constant 1 : i32
    %dma_wait3A_714 = arith.constant 0 : i32
    %dma_wait3A_715 = arith.constant 0 : i32
    %dma_wait3A_716 = tpu.memref_slice %arg8[%dma_wait3A_713, %dma_wait3A_714, %dma_wait3A_715] : memref<5x32x256xf32, #tpu.memory_space<vmem>> -> memref<1x32x256xf32, #tpu.memory_space<vmem>>
    %dma_wait3A_717 = tpu.memref_squeeze %dma_wait3A_716 : memref<1x32x256xf32, #tpu.memory_space<vmem>> -> memref<32x256xf32, #tpu.memory_space<vmem>>
    %dma_wait3A_718 = arith.constant 0 : i32
    %dma_wait3A_719 = tpu.memref_slice %arg5[%add3A_686, %dma_wait3A_718] : memref<16384x256xf32, #tpu.memory_space<hbm>> -> memref<32x256xf32, #tpu.memory_space<hbm>>
    %dma_wait3A_720 = arith.constant 0 : i32
    %dma_wait3A_721 = tpu.memref_slice %arg5[%add3A_686, %dma_wait3A_720] : memref<16384x256xf32, #tpu.memory_space<hbm>> -> memref<32x256xf32, #tpu.memory_space<hbm>>
    %dma_wait3A_722 = arith.constant 0 : i32
    %dma_wait3A_723 = arith.constant 0 : i32
    %dma_wait3A_724 = tpu.memref_slice %arg8[%dma_wait3A_713, %dma_wait3A_722, %dma_wait3A_723] : memref<5x32x256xf32, #tpu.memory_space<vmem>> -> memref<1x32x256xf32, #tpu.memory_space<vmem>>
    %dma_wait3A_725 = tpu.memref_squeeze %dma_wait3A_724 : memref<1x32x256xf32, #tpu.memory_space<vmem>> -> memref<32x256xf32, #tpu.memory_space<vmem>>
    tpu.wait_dma2 semaphore(%arg16 : memref<!tpu.dma_semaphore, #tpu.memory_space<semaphore_mem>>) src(%dma_wait3A_725 : memref<32x256xf32, #tpu.memory_space<vmem>>) dst(%dma_wait3A_721 : memref<32x256xf32, #tpu.memory_space<hbm>>)
    %dma_wait3A_726 = arith.constant 1 : i32
    %dma_wait3A_727 = arith.constant 0 : i32
    %dma_wait3A_728 = arith.constant 0 : i32
    %dma_wait3A_729 = tpu.memref_slice %arg9[%dma_wait3A_726, %dma_wait3A_727, %dma_wait3A_728] : memref<5x32x512xf32, #tpu.memory_space<vmem>> -> memref<1x32x512xf32, #tpu.memory_space<vmem>>
    %dma_wait3A_730 = tpu.memref_squeeze %dma_wait3A_729 : memref<1x32x512xf32, #tpu.memory_space<vmem>> -> memref<32x512xf32, #tpu.memory_space<vmem>>
    %dma_wait3A_731 = arith.constant 0 : i32
    %dma_wait3A_732 = tpu.memref_slice %arg6[%add3A_686, %dma_wait3A_731] : memref<16384x512xf32, #tpu.memory_space<hbm>> -> memref<32x512xf32, #tpu.memory_space<hbm>>
    %dma_wait3A_733 = arith.constant 0 : i32
    %dma_wait3A_734 = tpu.memref_slice %arg6[%add3A_686, %dma_wait3A_733] : memref<16384x512xf32, #tpu.memory_space<hbm>> -> memref<32x512xf32, #tpu.memory_space<hbm>>
    %dma_wait3A_735 = arith.constant 0 : i32
    %dma_wait3A_736 = arith.constant 0 : i32
    %dma_wait3A_737 = tpu.memref_slice %arg9[%dma_wait3A_726, %dma_wait3A_735, %dma_wait3A_736] : memref<5x32x512xf32, #tpu.memory_space<vmem>> -> memref<1x32x512xf32, #tpu.memory_space<vmem>>
    %dma_wait3A_738 = tpu.memref_squeeze %dma_wait3A_737 : memref<1x32x512xf32, #tpu.memory_space<vmem>> -> memref<32x512xf32, #tpu.memory_space<vmem>>
    tpu.wait_dma2 semaphore(%arg16 : memref<!tpu.dma_semaphore, #tpu.memory_space<semaphore_mem>>) src(%dma_wait3A_738 : memref<32x512xf32, #tpu.memory_space<vmem>>) dst(%dma_wait3A_734 : memref<32x512xf32, #tpu.memory_space<hbm>>)
    %dma_start3A_739 = arith.constant 1 : i32
    %dma_start3A_740 = arith.constant 0 : i32
    %dma_start3A_741 = arith.constant 0 : i32
    %dma_start3A_742 = tpu.memref_slice %arg8[%dma_start3A_739, %dma_start3A_740, %dma_start3A_741] : memref<5x32x256xf32, #tpu.memory_space<vmem>> -> memref<1x32x256xf32, #tpu.memory_space<vmem>>
    %dma_start3A_743 = tpu.memref_squeeze %dma_start3A_742 : memref<1x32x256xf32, #tpu.memory_space<vmem>> -> memref<32x256xf32, #tpu.memory_space<vmem>>
    %dma_start3A_744 = arith.constant 352 : i32
    %dma_start3A_745 = tpu.memref_slice %arg7[%dma_start3A_744] : memref<512xi32, #tpu.memory_space<vmem>> -> memref<32xi32, #tpu.memory_space<vmem>>
    %dma_start3A_746 = arith.constant 0 : i32
    %dma_start3A_747 = arith.constant 0 : i32
    %dma_start3A_748 = tpu.memref_slice %arg2[%dma_start3A_746, %dma_start3A_747] : memref<100000x256xf32, #tpu.memory_space<hbm>> -> memref<100000x256xf32, #tpu.memory_space<hbm>>
    tpu.enqueue_indirect_dma source(%dma_start3A_748 : memref<100000x256xf32, #tpu.memory_space<hbm>>) target(%dma_start3A_743 : memref<32x256xf32, #tpu.memory_space<vmem>>) offsets(%dma_start3A_745 : memref<32xi32, #tpu.memory_space<vmem>>) semaphore(%arg11 : memref<!tpu.dma_semaphore, #tpu.memory_space<semaphore_mem>>)
    %dma_start3A_749 = arith.constant 1 : i32
    %dma_start3A_750 = arith.constant 0 : i32
    %dma_start3A_751 = arith.constant 0 : i32
    %dma_start3A_752 = tpu.memref_slice %arg9[%dma_start3A_749, %dma_start3A_750, %dma_start3A_751] : memref<5x32x512xf32, #tpu.memory_space<vmem>> -> memref<1x32x512xf32, #tpu.memory_space<vmem>>
    %dma_start3A_753 = tpu.memref_squeeze %dma_start3A_752 : memref<1x32x512xf32, #tpu.memory_space<vmem>> -> memref<32x512xf32, #tpu.memory_space<vmem>>
    %dma_start3A_754 = arith.constant 352 : i32
    %dma_start3A_755 = tpu.memref_slice %arg7[%dma_start3A_754] : memref<512xi32, #tpu.memory_space<vmem>> -> memref<32xi32, #tpu.memory_space<vmem>>
    %dma_start3A_756 = arith.constant 0 : i32
    %dma_start3A_757 = arith.constant 0 : i32
    %dma_start3A_758 = tpu.memref_slice %arg3[%dma_start3A_756, %dma_start3A_757] : memref<100000x512xf32, #tpu.memory_space<hbm>> -> memref<100000x512xf32, #tpu.memory_space<hbm>>
    tpu.enqueue_indirect_dma source(%dma_start3A_758 : memref<100000x512xf32, #tpu.memory_space<hbm>>) target(%dma_start3A_753 : memref<32x512xf32, #tpu.memory_space<vmem>>) offsets(%dma_start3A_755 : memref<32xi32, #tpu.memory_space<vmem>>) semaphore(%arg11 : memref<!tpu.dma_semaphore, #tpu.memory_space<semaphore_mem>>)
    %dma_wait3A_759 = arith.constant 2 : i32
    %dma_wait3A_760 = arith.constant 0 : i32
    %dma_wait3A_761 = arith.constant 0 : i32
    %dma_wait3A_762 = tpu.memref_slice %arg8[%dma_wait3A_759, %dma_wait3A_760, %dma_wait3A_761] : memref<5x32x256xf32, #tpu.memory_space<vmem>> -> memref<1x32x256xf32, #tpu.memory_space<vmem>>
    %dma_wait3A_763 = tpu.memref_squeeze %dma_wait3A_762 : memref<1x32x256xf32, #tpu.memory_space<vmem>> -> memref<32x256xf32, #tpu.memory_space<vmem>>
    %dma_wait3A_764 = arith.constant 224 : i32
    %dma_wait3A_765 = tpu.memref_slice %arg7[%dma_wait3A_764] : memref<512xi32, #tpu.memory_space<vmem>> -> memref<32xi32, #tpu.memory_space<vmem>>
    %dma_wait3A_766 = arith.constant 0 : i32
    %dma_wait3A_767 = arith.constant 0 : i32
    %dma_wait3A_768 = tpu.memref_slice %arg2[%dma_wait3A_766, %dma_wait3A_767] : memref<100000x256xf32, #tpu.memory_space<hbm>> -> memref<100000x256xf32, #tpu.memory_space<hbm>>
    tpu.wait_indirect_dma semaphore(%arg12 : memref<!tpu.dma_semaphore, #tpu.memory_space<semaphore_mem>>) src(%dma_wait3A_768 : memref<100000x256xf32, #tpu.memory_space<hbm>>) dst(%dma_wait3A_763 : memref<32x256xf32, #tpu.memory_space<vmem>>)
    %dma_wait3A_769 = arith.constant 2 : i32
    %dma_wait3A_770 = arith.constant 0 : i32
    %dma_wait3A_771 = arith.constant 0 : i32
    %dma_wait3A_772 = tpu.memref_slice %arg9[%dma_wait3A_769, %dma_wait3A_770, %dma_wait3A_771] : memref<5x32x512xf32, #tpu.memory_space<vmem>> -> memref<1x32x512xf32, #tpu.memory_space<vmem>>
    %dma_wait3A_773 = tpu.memref_squeeze %dma_wait3A_772 : memref<1x32x512xf32, #tpu.memory_space<vmem>> -> memref<32x512xf32, #tpu.memory_space<vmem>>
    %dma_wait3A_774 = arith.constant 224 : i32
    %dma_wait3A_775 = tpu.memref_slice %arg7[%dma_wait3A_774] : memref<512xi32, #tpu.memory_space<vmem>> -> memref<32xi32, #tpu.memory_space<vmem>>
    %dma_wait3A_776 = arith.constant 0 : i32
    %dma_wait3A_777 = arith.constant 0 : i32
    %dma_wait3A_778 = tpu.memref_slice %arg3[%dma_wait3A_776, %dma_wait3A_777] : memref<100000x512xf32, #tpu.memory_space<hbm>> -> memref<100000x512xf32, #tpu.memory_space<hbm>>
    tpu.wait_indirect_dma semaphore(%arg12 : memref<!tpu.dma_semaphore, #tpu.memory_space<semaphore_mem>>) src(%dma_wait3A_778 : memref<100000x512xf32, #tpu.memory_space<hbm>>) dst(%dma_wait3A_773 : memref<32x512xf32, #tpu.memory_space<vmem>>)
    %add3A_779 = arith.constant 224 : i32
    %add3A_780 = arith.addi %mul3A_2, %add3A_779 : i32
    %dma_start3A_781 = arith.constant 2 : i32
    %dma_start3A_782 = arith.constant 0 : i32
    %dma_start3A_783 = arith.constant 0 : i32
    %dma_start3A_784 = tpu.memref_slice %arg8[%dma_start3A_781, %dma_start3A_782, %dma_start3A_783] : memref<5x32x256xf32, #tpu.memory_space<vmem>> -> memref<1x32x256xf32, #tpu.memory_space<vmem>>
    %dma_start3A_785 = tpu.memref_squeeze %dma_start3A_784 : memref<1x32x256xf32, #tpu.memory_space<vmem>> -> memref<32x256xf32, #tpu.memory_space<vmem>>
    %dma_start3A_786 = arith.constant 0 : i32
    %dma_start3A_787 = tpu.memref_slice %arg5[%add3A_780, %dma_start3A_786] : memref<16384x256xf32, #tpu.memory_space<hbm>> -> memref<32x256xf32, #tpu.memory_space<hbm>>
    %dma_start3A_788 = arith.constant 0 : i32
    %dma_start3A_789 = tpu.memref_slice %arg5[%add3A_780, %dma_start3A_788] : memref<16384x256xf32, #tpu.memory_space<hbm>> -> memref<32x256xf32, #tpu.memory_space<hbm>>
    %dma_start3A_790 = arith.constant 0 : i32
    %dma_start3A_791 = arith.constant 0 : i32
    %dma_start3A_792 = tpu.memref_slice %arg8[%dma_start3A_781, %dma_start3A_790, %dma_start3A_791] : memref<5x32x256xf32, #tpu.memory_space<vmem>> -> memref<1x32x256xf32, #tpu.memory_space<vmem>>
    %dma_start3A_793 = tpu.memref_squeeze %dma_start3A_792 : memref<1x32x256xf32, #tpu.memory_space<vmem>> -> memref<32x256xf32, #tpu.memory_space<vmem>>
    tpu.enqueue_dma source(%dma_start3A_793 : memref<32x256xf32, #tpu.memory_space<vmem>>) target(%dma_start3A_789 : memref<32x256xf32, #tpu.memory_space<hbm>>) target_semaphore(%arg17 : memref<!tpu.dma_semaphore, #tpu.memory_space<semaphore_mem>>)
    %dma_start3A_794 = arith.constant 2 : i32
    %dma_start3A_795 = arith.constant 0 : i32
    %dma_start3A_796 = arith.constant 0 : i32
    %dma_start3A_797 = tpu.memref_slice %arg9[%dma_start3A_794, %dma_start3A_795, %dma_start3A_796] : memref<5x32x512xf32, #tpu.memory_space<vmem>> -> memref<1x32x512xf32, #tpu.memory_space<vmem>>
    %dma_start3A_798 = tpu.memref_squeeze %dma_start3A_797 : memref<1x32x512xf32, #tpu.memory_space<vmem>> -> memref<32x512xf32, #tpu.memory_space<vmem>>
    %dma_start3A_799 = arith.constant 0 : i32
    %dma_start3A_800 = tpu.memref_slice %arg6[%add3A_780, %dma_start3A_799] : memref<16384x512xf32, #tpu.memory_space<hbm>> -> memref<32x512xf32, #tpu.memory_space<hbm>>
    %dma_start3A_801 = arith.constant 0 : i32
    %dma_start3A_802 = tpu.memref_slice %arg6[%add3A_780, %dma_start3A_801] : memref<16384x512xf32, #tpu.memory_space<hbm>> -> memref<32x512xf32, #tpu.memory_space<hbm>>
    %dma_start3A_803 = arith.constant 0 : i32
    %dma_start3A_804 = arith.constant 0 : i32
    %dma_start3A_805 = tpu.memref_slice %arg9[%dma_start3A_794, %dma_start3A_803, %dma_start3A_804] : memref<5x32x512xf32, #tpu.memory_space<vmem>> -> memref<1x32x512xf32, #tpu.memory_space<vmem>>
    %dma_start3A_806 = tpu.memref_squeeze %dma_start3A_805 : memref<1x32x512xf32, #tpu.memory_space<vmem>> -> memref<32x512xf32, #tpu.memory_space<vmem>>
    tpu.enqueue_dma source(%dma_start3A_806 : memref<32x512xf32, #tpu.memory_space<vmem>>) target(%dma_start3A_802 : memref<32x512xf32, #tpu.memory_space<hbm>>) target_semaphore(%arg17 : memref<!tpu.dma_semaphore, #tpu.memory_space<semaphore_mem>>)
    %dma_wait3A_807 = arith.constant 2 : i32
    %dma_wait3A_808 = arith.constant 0 : i32
    %dma_wait3A_809 = arith.constant 0 : i32
    %dma_wait3A_810 = tpu.memref_slice %arg8[%dma_wait3A_807, %dma_wait3A_808, %dma_wait3A_809] : memref<5x32x256xf32, #tpu.memory_space<vmem>> -> memref<1x32x256xf32, #tpu.memory_space<vmem>>
    %dma_wait3A_811 = tpu.memref_squeeze %dma_wait3A_810 : memref<1x32x256xf32, #tpu.memory_space<vmem>> -> memref<32x256xf32, #tpu.memory_space<vmem>>
    %dma_wait3A_812 = arith.constant 0 : i32
    %dma_wait3A_813 = tpu.memref_slice %arg5[%add3A_780, %dma_wait3A_812] : memref<16384x256xf32, #tpu.memory_space<hbm>> -> memref<32x256xf32, #tpu.memory_space<hbm>>
    %dma_wait3A_814 = arith.constant 0 : i32
    %dma_wait3A_815 = tpu.memref_slice %arg5[%add3A_780, %dma_wait3A_814] : memref<16384x256xf32, #tpu.memory_space<hbm>> -> memref<32x256xf32, #tpu.memory_space<hbm>>
    %dma_wait3A_816 = arith.constant 0 : i32
    %dma_wait3A_817 = arith.constant 0 : i32
    %dma_wait3A_818 = tpu.memref_slice %arg8[%dma_wait3A_807, %dma_wait3A_816, %dma_wait3A_817] : memref<5x32x256xf32, #tpu.memory_space<vmem>> -> memref<1x32x256xf32, #tpu.memory_space<vmem>>
    %dma_wait3A_819 = tpu.memref_squeeze %dma_wait3A_818 : memref<1x32x256xf32, #tpu.memory_space<vmem>> -> memref<32x256xf32, #tpu.memory_space<vmem>>
    tpu.wait_dma2 semaphore(%arg17 : memref<!tpu.dma_semaphore, #tpu.memory_space<semaphore_mem>>) src(%dma_wait3A_819 : memref<32x256xf32, #tpu.memory_space<vmem>>) dst(%dma_wait3A_815 : memref<32x256xf32, #tpu.memory_space<hbm>>)
    %dma_wait3A_820 = arith.constant 2 : i32
    %dma_wait3A_821 = arith.constant 0 : i32
    %dma_wait3A_822 = arith.constant 0 : i32
    %dma_wait3A_823 = tpu.memref_slice %arg9[%dma_wait3A_820, %dma_wait3A_821, %dma_wait3A_822] : memref<5x32x512xf32, #tpu.memory_space<vmem>> -> memref<1x32x512xf32, #tpu.memory_space<vmem>>
    %dma_wait3A_824 = tpu.memref_squeeze %dma_wait3A_823 : memref<1x32x512xf32, #tpu.memory_space<vmem>> -> memref<32x512xf32, #tpu.memory_space<vmem>>
    %dma_wait3A_825 = arith.constant 0 : i32
    %dma_wait3A_826 = tpu.memref_slice %arg6[%add3A_780, %dma_wait3A_825] : memref<16384x512xf32, #tpu.memory_space<hbm>> -> memref<32x512xf32, #tpu.memory_space<hbm>>
    %dma_wait3A_827 = arith.constant 0 : i32
    %dma_wait3A_828 = tpu.memref_slice %arg6[%add3A_780, %dma_wait3A_827] : memref<16384x512xf32, #tpu.memory_space<hbm>> -> memref<32x512xf32, #tpu.memory_space<hbm>>
    %dma_wait3A_829 = arith.constant 0 : i32
    %dma_wait3A_830 = arith.constant 0 : i32
    %dma_wait3A_831 = tpu.memref_slice %arg9[%dma_wait3A_820, %dma_wait3A_829, %dma_wait3A_830] : memref<5x32x512xf32, #tpu.memory_space<vmem>> -> memref<1x32x512xf32, #tpu.memory_space<vmem>>
    %dma_wait3A_832 = tpu.memref_squeeze %dma_wait3A_831 : memref<1x32x512xf32, #tpu.memory_space<vmem>> -> memref<32x512xf32, #tpu.memory_space<vmem>>
    tpu.wait_dma2 semaphore(%arg17 : memref<!tpu.dma_semaphore, #tpu.memory_space<semaphore_mem>>) src(%dma_wait3A_832 : memref<32x512xf32, #tpu.memory_space<vmem>>) dst(%dma_wait3A_828 : memref<32x512xf32, #tpu.memory_space<hbm>>)
    %dma_start3A_833 = arith.constant 2 : i32
    %dma_start3A_834 = arith.constant 0 : i32
    %dma_start3A_835 = arith.constant 0 : i32
    %dma_start3A_836 = tpu.memref_slice %arg8[%dma_start3A_833, %dma_start3A_834, %dma_start3A_835] : memref<5x32x256xf32, #tpu.memory_space<vmem>> -> memref<1x32x256xf32, #tpu.memory_space<vmem>>
    %dma_start3A_837 = tpu.memref_squeeze %dma_start3A_836 : memref<1x32x256xf32, #tpu.memory_space<vmem>> -> memref<32x256xf32, #tpu.memory_space<vmem>>
    %dma_start3A_838 = arith.constant 384 : i32
    %dma_start3A_839 = tpu.memref_slice %arg7[%dma_start3A_838] : memref<512xi32, #tpu.memory_space<vmem>> -> memref<32xi32, #tpu.memory_space<vmem>>
    %dma_start3A_840 = arith.constant 0 : i32
    %dma_start3A_841 = arith.constant 0 : i32
    %dma_start3A_842 = tpu.memref_slice %arg2[%dma_start3A_840, %dma_start3A_841] : memref<100000x256xf32, #tpu.memory_space<hbm>> -> memref<100000x256xf32, #tpu.memory_space<hbm>>
    tpu.enqueue_indirect_dma source(%dma_start3A_842 : memref<100000x256xf32, #tpu.memory_space<hbm>>) target(%dma_start3A_837 : memref<32x256xf32, #tpu.memory_space<vmem>>) offsets(%dma_start3A_839 : memref<32xi32, #tpu.memory_space<vmem>>) semaphore(%arg12 : memref<!tpu.dma_semaphore, #tpu.memory_space<semaphore_mem>>)
    %dma_start3A_843 = arith.constant 2 : i32
    %dma_start3A_844 = arith.constant 0 : i32
    %dma_start3A_845 = arith.constant 0 : i32
    %dma_start3A_846 = tpu.memref_slice %arg9[%dma_start3A_843, %dma_start3A_844, %dma_start3A_845] : memref<5x32x512xf32, #tpu.memory_space<vmem>> -> memref<1x32x512xf32, #tpu.memory_space<vmem>>
    %dma_start3A_847 = tpu.memref_squeeze %dma_start3A_846 : memref<1x32x512xf32, #tpu.memory_space<vmem>> -> memref<32x512xf32, #tpu.memory_space<vmem>>
    %dma_start3A_848 = arith.constant 384 : i32
    %dma_start3A_849 = tpu.memref_slice %arg7[%dma_start3A_848] : memref<512xi32, #tpu.memory_space<vmem>> -> memref<32xi32, #tpu.memory_space<vmem>>
    %dma_start3A_850 = arith.constant 0 : i32
    %dma_start3A_851 = arith.constant 0 : i32
    %dma_start3A_852 = tpu.memref_slice %arg3[%dma_start3A_850, %dma_start3A_851] : memref<100000x512xf32, #tpu.memory_space<hbm>> -> memref<100000x512xf32, #tpu.memory_space<hbm>>
    tpu.enqueue_indirect_dma source(%dma_start3A_852 : memref<100000x512xf32, #tpu.memory_space<hbm>>) target(%dma_start3A_847 : memref<32x512xf32, #tpu.memory_space<vmem>>) offsets(%dma_start3A_849 : memref<32xi32, #tpu.memory_space<vmem>>) semaphore(%arg12 : memref<!tpu.dma_semaphore, #tpu.memory_space<semaphore_mem>>)
    %dma_wait3A_853 = arith.constant 3 : i32
    %dma_wait3A_854 = arith.constant 0 : i32
    %dma_wait3A_855 = arith.constant 0 : i32
    %dma_wait3A_856 = tpu.memref_slice %arg8[%dma_wait3A_853, %dma_wait3A_854, %dma_wait3A_855] : memref<5x32x256xf32, #tpu.memory_space<vmem>> -> memref<1x32x256xf32, #tpu.memory_space<vmem>>
    %dma_wait3A_857 = tpu.memref_squeeze %dma_wait3A_856 : memref<1x32x256xf32, #tpu.memory_space<vmem>> -> memref<32x256xf32, #tpu.memory_space<vmem>>
    %dma_wait3A_858 = arith.constant 256 : i32
    %dma_wait3A_859 = tpu.memref_slice %arg7[%dma_wait3A_858] : memref<512xi32, #tpu.memory_space<vmem>> -> memref<32xi32, #tpu.memory_space<vmem>>
    %dma_wait3A_860 = arith.constant 0 : i32
    %dma_wait3A_861 = arith.constant 0 : i32
    %dma_wait3A_862 = tpu.memref_slice %arg2[%dma_wait3A_860, %dma_wait3A_861] : memref<100000x256xf32, #tpu.memory_space<hbm>> -> memref<100000x256xf32, #tpu.memory_space<hbm>>
    tpu.wait_indirect_dma semaphore(%arg13 : memref<!tpu.dma_semaphore, #tpu.memory_space<semaphore_mem>>) src(%dma_wait3A_862 : memref<100000x256xf32, #tpu.memory_space<hbm>>) dst(%dma_wait3A_857 : memref<32x256xf32, #tpu.memory_space<vmem>>)
    %dma_wait3A_863 = arith.constant 3 : i32
    %dma_wait3A_864 = arith.constant 0 : i32
    %dma_wait3A_865 = arith.constant 0 : i32
    %dma_wait3A_866 = tpu.memref_slice %arg9[%dma_wait3A_863, %dma_wait3A_864, %dma_wait3A_865] : memref<5x32x512xf32, #tpu.memory_space<vmem>> -> memref<1x32x512xf32, #tpu.memory_space<vmem>>
    %dma_wait3A_867 = tpu.memref_squeeze %dma_wait3A_866 : memref<1x32x512xf32, #tpu.memory_space<vmem>> -> memref<32x512xf32, #tpu.memory_space<vmem>>
    %dma_wait3A_868 = arith.constant 256 : i32
    %dma_wait3A_869 = tpu.memref_slice %arg7[%dma_wait3A_868] : memref<512xi32, #tpu.memory_space<vmem>> -> memref<32xi32, #tpu.memory_space<vmem>>
    %dma_wait3A_870 = arith.constant 0 : i32
    %dma_wait3A_871 = arith.constant 0 : i32
    %dma_wait3A_872 = tpu.memref_slice %arg3[%dma_wait3A_870, %dma_wait3A_871] : memref<100000x512xf32, #tpu.memory_space<hbm>> -> memref<100000x512xf32, #tpu.memory_space<hbm>>
    tpu.wait_indirect_dma semaphore(%arg13 : memref<!tpu.dma_semaphore, #tpu.memory_space<semaphore_mem>>) src(%dma_wait3A_872 : memref<100000x512xf32, #tpu.memory_space<hbm>>) dst(%dma_wait3A_867 : memref<32x512xf32, #tpu.memory_space<vmem>>)
    %add3A_873 = arith.constant 256 : i32
    %add3A_874 = arith.addi %mul3A_2, %add3A_873 : i32
    %dma_start3A_875 = arith.constant 3 : i32
    %dma_start3A_876 = arith.constant 0 : i32
    %dma_start3A_877 = arith.constant 0 : i32
    %dma_start3A_878 = tpu.memref_slice %arg8[%dma_start3A_875, %dma_start3A_876, %dma_start3A_877] : memref<5x32x256xf32, #tpu.memory_space<vmem>> -> memref<1x32x256xf32, #tpu.memory_space<vmem>>
    %dma_start3A_879 = tpu.memref_squeeze %dma_start3A_878 : memref<1x32x256xf32, #tpu.memory_space<vmem>> -> memref<32x256xf32, #tpu.memory_space<vmem>>
    %dma_start3A_880 = arith.constant 0 : i32
    %dma_start3A_881 = tpu.memref_slice %arg5[%add3A_874, %dma_start3A_880] : memref<16384x256xf32, #tpu.memory_space<hbm>> -> memref<32x256xf32, #tpu.memory_space<hbm>>
    %dma_start3A_882 = arith.constant 0 : i32
    %dma_start3A_883 = tpu.memref_slice %arg5[%add3A_874, %dma_start3A_882] : memref<16384x256xf32, #tpu.memory_space<hbm>> -> memref<32x256xf32, #tpu.memory_space<hbm>>
    %dma_start3A_884 = arith.constant 0 : i32
    %dma_start3A_885 = arith.constant 0 : i32
    %dma_start3A_886 = tpu.memref_slice %arg8[%dma_start3A_875, %dma_start3A_884, %dma_start3A_885] : memref<5x32x256xf32, #tpu.memory_space<vmem>> -> memref<1x32x256xf32, #tpu.memory_space<vmem>>
    %dma_start3A_887 = tpu.memref_squeeze %dma_start3A_886 : memref<1x32x256xf32, #tpu.memory_space<vmem>> -> memref<32x256xf32, #tpu.memory_space<vmem>>
    tpu.enqueue_dma source(%dma_start3A_887 : memref<32x256xf32, #tpu.memory_space<vmem>>) target(%dma_start3A_883 : memref<32x256xf32, #tpu.memory_space<hbm>>) target_semaphore(%arg18 : memref<!tpu.dma_semaphore, #tpu.memory_space<semaphore_mem>>)
    %dma_start3A_888 = arith.constant 3 : i32
    %dma_start3A_889 = arith.constant 0 : i32
    %dma_start3A_890 = arith.constant 0 : i32
    %dma_start3A_891 = tpu.memref_slice %arg9[%dma_start3A_888, %dma_start3A_889, %dma_start3A_890] : memref<5x32x512xf32, #tpu.memory_space<vmem>> -> memref<1x32x512xf32, #tpu.memory_space<vmem>>
    %dma_start3A_892 = tpu.memref_squeeze %dma_start3A_891 : memref<1x32x512xf32, #tpu.memory_space<vmem>> -> memref<32x512xf32, #tpu.memory_space<vmem>>
    %dma_start3A_893 = arith.constant 0 : i32
    %dma_start3A_894 = tpu.memref_slice %arg6[%add3A_874, %dma_start3A_893] : memref<16384x512xf32, #tpu.memory_space<hbm>> -> memref<32x512xf32, #tpu.memory_space<hbm>>
    %dma_start3A_895 = arith.constant 0 : i32
    %dma_start3A_896 = tpu.memref_slice %arg6[%add3A_874, %dma_start3A_895] : memref<16384x512xf32, #tpu.memory_space<hbm>> -> memref<32x512xf32, #tpu.memory_space<hbm>>
    %dma_start3A_897 = arith.constant 0 : i32
    %dma_start3A_898 = arith.constant 0 : i32
    %dma_start3A_899 = tpu.memref_slice %arg9[%dma_start3A_888, %dma_start3A_897, %dma_start3A_898] : memref<5x32x512xf32, #tpu.memory_space<vmem>> -> memref<1x32x512xf32, #tpu.memory_space<vmem>>
    %dma_start3A_900 = tpu.memref_squeeze %dma_start3A_899 : memref<1x32x512xf32, #tpu.memory_space<vmem>> -> memref<32x512xf32, #tpu.memory_space<vmem>>
    tpu.enqueue_dma source(%dma_start3A_900 : memref<32x512xf32, #tpu.memory_space<vmem>>) target(%dma_start3A_896 : memref<32x512xf32, #tpu.memory_space<hbm>>) target_semaphore(%arg18 : memref<!tpu.dma_semaphore, #tpu.memory_space<semaphore_mem>>)
    %dma_wait3A_901 = arith.constant 3 : i32
    %dma_wait3A_902 = arith.constant 0 : i32
    %dma_wait3A_903 = arith.constant 0 : i32
    %dma_wait3A_904 = tpu.memref_slice %arg8[%dma_wait3A_901, %dma_wait3A_902, %dma_wait3A_903] : memref<5x32x256xf32, #tpu.memory_space<vmem>> -> memref<1x32x256xf32, #tpu.memory_space<vmem>>
    %dma_wait3A_905 = tpu.memref_squeeze %dma_wait3A_904 : memref<1x32x256xf32, #tpu.memory_space<vmem>> -> memref<32x256xf32, #tpu.memory_space<vmem>>
    %dma_wait3A_906 = arith.constant 0 : i32
    %dma_wait3A_907 = tpu.memref_slice %arg5[%add3A_874, %dma_wait3A_906] : memref<16384x256xf32, #tpu.memory_space<hbm>> -> memref<32x256xf32, #tpu.memory_space<hbm>>
    %dma_wait3A_908 = arith.constant 0 : i32
    %dma_wait3A_909 = tpu.memref_slice %arg5[%add3A_874, %dma_wait3A_908] : memref<16384x256xf32, #tpu.memory_space<hbm>> -> memref<32x256xf32, #tpu.memory_space<hbm>>
    %dma_wait3A_910 = arith.constant 0 : i32
    %dma_wait3A_911 = arith.constant 0 : i32
    %dma_wait3A_912 = tpu.memref_slice %arg8[%dma_wait3A_901, %dma_wait3A_910, %dma_wait3A_911] : memref<5x32x256xf32, #tpu.memory_space<vmem>> -> memref<1x32x256xf32, #tpu.memory_space<vmem>>
    %dma_wait3A_913 = tpu.memref_squeeze %dma_wait3A_912 : memref<1x32x256xf32, #tpu.memory_space<vmem>> -> memref<32x256xf32, #tpu.memory_space<vmem>>
    tpu.wait_dma2 semaphore(%arg18 : memref<!tpu.dma_semaphore, #tpu.memory_space<semaphore_mem>>) src(%dma_wait3A_913 : memref<32x256xf32, #tpu.memory_space<vmem>>) dst(%dma_wait3A_909 : memref<32x256xf32, #tpu.memory_space<hbm>>)
    %dma_wait3A_914 = arith.constant 3 : i32
    %dma_wait3A_915 = arith.constant 0 : i32
    %dma_wait3A_916 = arith.constant 0 : i32
    %dma_wait3A_917 = tpu.memref_slice %arg9[%dma_wait3A_914, %dma_wait3A_915, %dma_wait3A_916] : memref<5x32x512xf32, #tpu.memory_space<vmem>> -> memref<1x32x512xf32, #tpu.memory_space<vmem>>
    %dma_wait3A_918 = tpu.memref_squeeze %dma_wait3A_917 : memref<1x32x512xf32, #tpu.memory_space<vmem>> -> memref<32x512xf32, #tpu.memory_space<vmem>>
    %dma_wait3A_919 = arith.constant 0 : i32
    %dma_wait3A_920 = tpu.memref_slice %arg6[%add3A_874, %dma_wait3A_919] : memref<16384x512xf32, #tpu.memory_space<hbm>> -> memref<32x512xf32, #tpu.memory_space<hbm>>
    %dma_wait3A_921 = arith.constant 0 : i32
    %dma_wait3A_922 = tpu.memref_slice %arg6[%add3A_874, %dma_wait3A_921] : memref<16384x512xf32, #tpu.memory_space<hbm>> -> memref<32x512xf32, #tpu.memory_space<hbm>>
    %dma_wait3A_923 = arith.constant 0 : i32
    %dma_wait3A_924 = arith.constant 0 : i32
    %dma_wait3A_925 = tpu.memref_slice %arg9[%dma_wait3A_914, %dma_wait3A_923, %dma_wait3A_924] : memref<5x32x512xf32, #tpu.memory_space<vmem>> -> memref<1x32x512xf32, #tpu.memory_space<vmem>>
    %dma_wait3A_926 = tpu.memref_squeeze %dma_wait3A_925 : memref<1x32x512xf32, #tpu.memory_space<vmem>> -> memref<32x512xf32, #tpu.memory_space<vmem>>
    tpu.wait_dma2 semaphore(%arg18 : memref<!tpu.dma_semaphore, #tpu.memory_space<semaphore_mem>>) src(%dma_wait3A_926 : memref<32x512xf32, #tpu.memory_space<vmem>>) dst(%dma_wait3A_922 : memref<32x512xf32, #tpu.memory_space<hbm>>)
    %dma_start3A_927 = arith.constant 3 : i32
    %dma_start3A_928 = arith.constant 0 : i32
    %dma_start3A_929 = arith.constant 0 : i32
    %dma_start3A_930 = tpu.memref_slice %arg8[%dma_start3A_927, %dma_start3A_928, %dma_start3A_929] : memref<5x32x256xf32, #tpu.memory_space<vmem>> -> memref<1x32x256xf32, #tpu.memory_space<vmem>>
    %dma_start3A_931 = tpu.memref_squeeze %dma_start3A_930 : memref<1x32x256xf32, #tpu.memory_space<vmem>> -> memref<32x256xf32, #tpu.memory_space<vmem>>
    %dma_start3A_932 = arith.constant 416 : i32
    %dma_start3A_933 = tpu.memref_slice %arg7[%dma_start3A_932] : memref<512xi32, #tpu.memory_space<vmem>> -> memref<32xi32, #tpu.memory_space<vmem>>
    %dma_start3A_934 = arith.constant 0 : i32
    %dma_start3A_935 = arith.constant 0 : i32
    %dma_start3A_936 = tpu.memref_slice %arg2[%dma_start3A_934, %dma_start3A_935] : memref<100000x256xf32, #tpu.memory_space<hbm>> -> memref<100000x256xf32, #tpu.memory_space<hbm>>
    tpu.enqueue_indirect_dma source(%dma_start3A_936 : memref<100000x256xf32, #tpu.memory_space<hbm>>) target(%dma_start3A_931 : memref<32x256xf32, #tpu.memory_space<vmem>>) offsets(%dma_start3A_933 : memref<32xi32, #tpu.memory_space<vmem>>) semaphore(%arg13 : memref<!tpu.dma_semaphore, #tpu.memory_space<semaphore_mem>>)
    %dma_start3A_937 = arith.constant 3 : i32
    %dma_start3A_938 = arith.constant 0 : i32
    %dma_start3A_939 = arith.constant 0 : i32
    %dma_start3A_940 = tpu.memref_slice %arg9[%dma_start3A_937, %dma_start3A_938, %dma_start3A_939] : memref<5x32x512xf32, #tpu.memory_space<vmem>> -> memref<1x32x512xf32, #tpu.memory_space<vmem>>
    %dma_start3A_941 = tpu.memref_squeeze %dma_start3A_940 : memref<1x32x512xf32, #tpu.memory_space<vmem>> -> memref<32x512xf32, #tpu.memory_space<vmem>>
    %dma_start3A_942 = arith.constant 416 : i32
    %dma_start3A_943 = tpu.memref_slice %arg7[%dma_start3A_942] : memref<512xi32, #tpu.memory_space<vmem>> -> memref<32xi32, #tpu.memory_space<vmem>>
    %dma_start3A_944 = arith.constant 0 : i32
    %dma_start3A_945 = arith.constant 0 : i32
    %dma_start3A_946 = tpu.memref_slice %arg3[%dma_start3A_944, %dma_start3A_945] : memref<100000x512xf32, #tpu.memory_space<hbm>> -> memref<100000x512xf32, #tpu.memory_space<hbm>>
    tpu.enqueue_indirect_dma source(%dma_start3A_946 : memref<100000x512xf32, #tpu.memory_space<hbm>>) target(%dma_start3A_941 : memref<32x512xf32, #tpu.memory_space<vmem>>) offsets(%dma_start3A_943 : memref<32xi32, #tpu.memory_space<vmem>>) semaphore(%arg13 : memref<!tpu.dma_semaphore, #tpu.memory_space<semaphore_mem>>)
    %dma_wait3A_947 = arith.constant 4 : i32
    %dma_wait3A_948 = arith.constant 0 : i32
    %dma_wait3A_949 = arith.constant 0 : i32
    %dma_wait3A_950 = tpu.memref_slice %arg8[%dma_wait3A_947, %dma_wait3A_948, %dma_wait3A_949] : memref<5x32x256xf32, #tpu.memory_space<vmem>> -> memref<1x32x256xf32, #tpu.memory_space<vmem>>
    %dma_wait3A_951 = tpu.memref_squeeze %dma_wait3A_950 : memref<1x32x256xf32, #tpu.memory_space<vmem>> -> memref<32x256xf32, #tpu.memory_space<vmem>>
    %dma_wait3A_952 = arith.constant 288 : i32
    %dma_wait3A_953 = tpu.memref_slice %arg7[%dma_wait3A_952] : memref<512xi32, #tpu.memory_space<vmem>> -> memref<32xi32, #tpu.memory_space<vmem>>
    %dma_wait3A_954 = arith.constant 0 : i32
    %dma_wait3A_955 = arith.constant 0 : i32
    %dma_wait3A_956 = tpu.memref_slice %arg2[%dma_wait3A_954, %dma_wait3A_955] : memref<100000x256xf32, #tpu.memory_space<hbm>> -> memref<100000x256xf32, #tpu.memory_space<hbm>>
    tpu.wait_indirect_dma semaphore(%arg14 : memref<!tpu.dma_semaphore, #tpu.memory_space<semaphore_mem>>) src(%dma_wait3A_956 : memref<100000x256xf32, #tpu.memory_space<hbm>>) dst(%dma_wait3A_951 : memref<32x256xf32, #tpu.memory_space<vmem>>)
    %dma_wait3A_957 = arith.constant 4 : i32
    %dma_wait3A_958 = arith.constant 0 : i32
    %dma_wait3A_959 = arith.constant 0 : i32
    %dma_wait3A_960 = tpu.memref_slice %arg9[%dma_wait3A_957, %dma_wait3A_958, %dma_wait3A_959] : memref<5x32x512xf32, #tpu.memory_space<vmem>> -> memref<1x32x512xf32, #tpu.memory_space<vmem>>
    %dma_wait3A_961 = tpu.memref_squeeze %dma_wait3A_960 : memref<1x32x512xf32, #tpu.memory_space<vmem>> -> memref<32x512xf32, #tpu.memory_space<vmem>>
    %dma_wait3A_962 = arith.constant 288 : i32
    %dma_wait3A_963 = tpu.memref_slice %arg7[%dma_wait3A_962] : memref<512xi32, #tpu.memory_space<vmem>> -> memref<32xi32, #tpu.memory_space<vmem>>
    %dma_wait3A_964 = arith.constant 0 : i32
    %dma_wait3A_965 = arith.constant 0 : i32
    %dma_wait3A_966 = tpu.memref_slice %arg3[%dma_wait3A_964, %dma_wait3A_965] : memref<100000x512xf32, #tpu.memory_space<hbm>> -> memref<100000x512xf32, #tpu.memory_space<hbm>>
    tpu.wait_indirect_dma semaphore(%arg14 : memref<!tpu.dma_semaphore, #tpu.memory_space<semaphore_mem>>) src(%dma_wait3A_966 : memref<100000x512xf32, #tpu.memory_space<hbm>>) dst(%dma_wait3A_961 : memref<32x512xf32, #tpu.memory_space<vmem>>)
    %add3A_967 = arith.constant 288 : i32
    %add3A_968 = arith.addi %mul3A_2, %add3A_967 : i32
    %dma_start3A_969 = arith.constant 4 : i32
    %dma_start3A_970 = arith.constant 0 : i32
    %dma_start3A_971 = arith.constant 0 : i32
    %dma_start3A_972 = tpu.memref_slice %arg8[%dma_start3A_969, %dma_start3A_970, %dma_start3A_971] : memref<5x32x256xf32, #tpu.memory_space<vmem>> -> memref<1x32x256xf32, #tpu.memory_space<vmem>>
    %dma_start3A_973 = tpu.memref_squeeze %dma_start3A_972 : memref<1x32x256xf32, #tpu.memory_space<vmem>> -> memref<32x256xf32, #tpu.memory_space<vmem>>
    %dma_start3A_974 = arith.constant 0 : i32
    %dma_start3A_975 = tpu.memref_slice %arg5[%add3A_968, %dma_start3A_974] : memref<16384x256xf32, #tpu.memory_space<hbm>> -> memref<32x256xf32, #tpu.memory_space<hbm>>
    %dma_start3A_976 = arith.constant 0 : i32
    %dma_start3A_977 = tpu.memref_slice %arg5[%add3A_968, %dma_start3A_976] : memref<16384x256xf32, #tpu.memory_space<hbm>> -> memref<32x256xf32, #tpu.memory_space<hbm>>
    %dma_start3A_978 = arith.constant 0 : i32
    %dma_start3A_979 = arith.constant 0 : i32
    %dma_start3A_980 = tpu.memref_slice %arg8[%dma_start3A_969, %dma_start3A_978, %dma_start3A_979] : memref<5x32x256xf32, #tpu.memory_space<vmem>> -> memref<1x32x256xf32, #tpu.memory_space<vmem>>
    %dma_start3A_981 = tpu.memref_squeeze %dma_start3A_980 : memref<1x32x256xf32, #tpu.memory_space<vmem>> -> memref<32x256xf32, #tpu.memory_space<vmem>>
    tpu.enqueue_dma source(%dma_start3A_981 : memref<32x256xf32, #tpu.memory_space<vmem>>) target(%dma_start3A_977 : memref<32x256xf32, #tpu.memory_space<hbm>>) target_semaphore(%arg19 : memref<!tpu.dma_semaphore, #tpu.memory_space<semaphore_mem>>)
    %dma_start3A_982 = arith.constant 4 : i32
    %dma_start3A_983 = arith.constant 0 : i32
    %dma_start3A_984 = arith.constant 0 : i32
    %dma_start3A_985 = tpu.memref_slice %arg9[%dma_start3A_982, %dma_start3A_983, %dma_start3A_984] : memref<5x32x512xf32, #tpu.memory_space<vmem>> -> memref<1x32x512xf32, #tpu.memory_space<vmem>>
    %dma_start3A_986 = tpu.memref_squeeze %dma_start3A_985 : memref<1x32x512xf32, #tpu.memory_space<vmem>> -> memref<32x512xf32, #tpu.memory_space<vmem>>
    %dma_start3A_987 = arith.constant 0 : i32
    %dma_start3A_988 = tpu.memref_slice %arg6[%add3A_968, %dma_start3A_987] : memref<16384x512xf32, #tpu.memory_space<hbm>> -> memref<32x512xf32, #tpu.memory_space<hbm>>
    %dma_start3A_989 = arith.constant 0 : i32
    %dma_start3A_990 = tpu.memref_slice %arg6[%add3A_968, %dma_start3A_989] : memref<16384x512xf32, #tpu.memory_space<hbm>> -> memref<32x512xf32, #tpu.memory_space<hbm>>
    %dma_start3A_991 = arith.constant 0 : i32
    %dma_start3A_992 = arith.constant 0 : i32
    %dma_start3A_993 = tpu.memref_slice %arg9[%dma_start3A_982, %dma_start3A_991, %dma_start3A_992] : memref<5x32x512xf32, #tpu.memory_space<vmem>> -> memref<1x32x512xf32, #tpu.memory_space<vmem>>
    %dma_start3A_994 = tpu.memref_squeeze %dma_start3A_993 : memref<1x32x512xf32, #tpu.memory_space<vmem>> -> memref<32x512xf32, #tpu.memory_space<vmem>>
    tpu.enqueue_dma source(%dma_start3A_994 : memref<32x512xf32, #tpu.memory_space<vmem>>) target(%dma_start3A_990 : memref<32x512xf32, #tpu.memory_space<hbm>>) target_semaphore(%arg19 : memref<!tpu.dma_semaphore, #tpu.memory_space<semaphore_mem>>)
    %dma_wait3A_995 = arith.constant 4 : i32
    %dma_wait3A_996 = arith.constant 0 : i32
    %dma_wait3A_997 = arith.constant 0 : i32
    %dma_wait3A_998 = tpu.memref_slice %arg8[%dma_wait3A_995, %dma_wait3A_996, %dma_wait3A_997] : memref<5x32x256xf32, #tpu.memory_space<vmem>> -> memref<1x32x256xf32, #tpu.memory_space<vmem>>
    %dma_wait3A_999 = tpu.memref_squeeze %dma_wait3A_998 : memref<1x32x256xf32, #tpu.memory_space<vmem>> -> memref<32x256xf32, #tpu.memory_space<vmem>>
    %dma_wait3A_1000 = arith.constant 0 : i32
    %dma_wait3A_1001 = tpu.memref_slice %arg5[%add3A_968, %dma_wait3A_1000] : memref<16384x256xf32, #tpu.memory_space<hbm>> -> memref<32x256xf32, #tpu.memory_space<hbm>>
    %dma_wait3A_1002 = arith.constant 0 : i32
    %dma_wait3A_1003 = tpu.memref_slice %arg5[%add3A_968, %dma_wait3A_1002] : memref<16384x256xf32, #tpu.memory_space<hbm>> -> memref<32x256xf32, #tpu.memory_space<hbm>>
    %dma_wait3A_1004 = arith.constant 0 : i32
    %dma_wait3A_1005 = arith.constant 0 : i32
    %dma_wait3A_1006 = tpu.memref_slice %arg8[%dma_wait3A_995, %dma_wait3A_1004, %dma_wait3A_1005] : memref<5x32x256xf32, #tpu.memory_space<vmem>> -> memref<1x32x256xf32, #tpu.memory_space<vmem>>
    %dma_wait3A_1007 = tpu.memref_squeeze %dma_wait3A_1006 : memref<1x32x256xf32, #tpu.memory_space<vmem>> -> memref<32x256xf32, #tpu.memory_space<vmem>>
    tpu.wait_dma2 semaphore(%arg19 : memref<!tpu.dma_semaphore, #tpu.memory_space<semaphore_mem>>) src(%dma_wait3A_1007 : memref<32x256xf32, #tpu.memory_space<vmem>>) dst(%dma_wait3A_1003 : memref<32x256xf32, #tpu.memory_space<hbm>>)
    %dma_wait3A_1008 = arith.constant 4 : i32
    %dma_wait3A_1009 = arith.constant 0 : i32
    %dma_wait3A_1010 = arith.constant 0 : i32
    %dma_wait3A_1011 = tpu.memref_slice %arg9[%dma_wait3A_1008, %dma_wait3A_1009, %dma_wait3A_1010] : memref<5x32x512xf32, #tpu.memory_space<vmem>> -> memref<1x32x512xf32, #tpu.memory_space<vmem>>
    %dma_wait3A_1012 = tpu.memref_squeeze %dma_wait3A_1011 : memref<1x32x512xf32, #tpu.memory_space<vmem>> -> memref<32x512xf32, #tpu.memory_space<vmem>>
    %dma_wait3A_1013 = arith.constant 0 : i32
    %dma_wait3A_1014 = tpu.memref_slice %arg6[%add3A_968, %dma_wait3A_1013] : memref<16384x512xf32, #tpu.memory_space<hbm>> -> memref<32x512xf32, #tpu.memory_space<hbm>>
    %dma_wait3A_1015 = arith.constant 0 : i32
    %dma_wait3A_1016 = tpu.memref_slice %arg6[%add3A_968, %dma_wait3A_1015] : memref<16384x512xf32, #tpu.memory_space<hbm>> -> memref<32x512xf32, #tpu.memory_space<hbm>>
    %dma_wait3A_1017 = arith.constant 0 : i32
    %dma_wait3A_1018 = arith.constant 0 : i32
    %dma_wait3A_1019 = tpu.memref_slice %arg9[%dma_wait3A_1008, %dma_wait3A_1017, %dma_wait3A_1018] : memref<5x32x512xf32, #tpu.memory_space<vmem>> -> memref<1x32x512xf32, #tpu.memory_space<vmem>>
    %dma_wait3A_1020 = tpu.memref_squeeze %dma_wait3A_1019 : memref<1x32x512xf32, #tpu.memory_space<vmem>> -> memref<32x512xf32, #tpu.memory_space<vmem>>
    tpu.wait_dma2 semaphore(%arg19 : memref<!tpu.dma_semaphore, #tpu.memory_space<semaphore_mem>>) src(%dma_wait3A_1020 : memref<32x512xf32, #tpu.memory_space<vmem>>) dst(%dma_wait3A_1016 : memref<32x512xf32, #tpu.memory_space<hbm>>)
    %dma_start3A_1021 = arith.constant 4 : i32
    %dma_start3A_1022 = arith.constant 0 : i32
    %dma_start3A_1023 = arith.constant 0 : i32
    %dma_start3A_1024 = tpu.memref_slice %arg8[%dma_start3A_1021, %dma_start3A_1022, %dma_start3A_1023] : memref<5x32x256xf32, #tpu.memory_space<vmem>> -> memref<1x32x256xf32, #tpu.memory_space<vmem>>
    %dma_start3A_1025 = tpu.memref_squeeze %dma_start3A_1024 : memref<1x32x256xf32, #tpu.memory_space<vmem>> -> memref<32x256xf32, #tpu.memory_space<vmem>>
    %dma_start3A_1026 = arith.constant 448 : i32
    %dma_start3A_1027 = tpu.memref_slice %arg7[%dma_start3A_1026] : memref<512xi32, #tpu.memory_space<vmem>> -> memref<32xi32, #tpu.memory_space<vmem>>
    %dma_start3A_1028 = arith.constant 0 : i32
    %dma_start3A_1029 = arith.constant 0 : i32
    %dma_start3A_1030 = tpu.memref_slice %arg2[%dma_start3A_1028, %dma_start3A_1029] : memref<100000x256xf32, #tpu.memory_space<hbm>> -> memref<100000x256xf32, #tpu.memory_space<hbm>>
    tpu.enqueue_indirect_dma source(%dma_start3A_1030 : memref<100000x256xf32, #tpu.memory_space<hbm>>) target(%dma_start3A_1025 : memref<32x256xf32, #tpu.memory_space<vmem>>) offsets(%dma_start3A_1027 : memref<32xi32, #tpu.memory_space<vmem>>) semaphore(%arg14 : memref<!tpu.dma_semaphore, #tpu.memory_space<semaphore_mem>>)
    %dma_start3A_1031 = arith.constant 4 : i32
    %dma_start3A_1032 = arith.constant 0 : i32
    %dma_start3A_1033 = arith.constant 0 : i32
    %dma_start3A_1034 = tpu.memref_slice %arg9[%dma_start3A_1031, %dma_start3A_1032, %dma_start3A_1033] : memref<5x32x512xf32, #tpu.memory_space<vmem>> -> memref<1x32x512xf32, #tpu.memory_space<vmem>>
    %dma_start3A_1035 = tpu.memref_squeeze %dma_start3A_1034 : memref<1x32x512xf32, #tpu.memory_space<vmem>> -> memref<32x512xf32, #tpu.memory_space<vmem>>
    %dma_start3A_1036 = arith.constant 448 : i32
    %dma_start3A_1037 = tpu.memref_slice %arg7[%dma_start3A_1036] : memref<512xi32, #tpu.memory_space<vmem>> -> memref<32xi32, #tpu.memory_space<vmem>>
    %dma_start3A_1038 = arith.constant 0 : i32
    %dma_start3A_1039 = arith.constant 0 : i32
    %dma_start3A_1040 = tpu.memref_slice %arg3[%dma_start3A_1038, %dma_start3A_1039] : memref<100000x512xf32, #tpu.memory_space<hbm>> -> memref<100000x512xf32, #tpu.memory_space<hbm>>
    tpu.enqueue_indirect_dma source(%dma_start3A_1040 : memref<100000x512xf32, #tpu.memory_space<hbm>>) target(%dma_start3A_1035 : memref<32x512xf32, #tpu.memory_space<vmem>>) offsets(%dma_start3A_1037 : memref<32xi32, #tpu.memory_space<vmem>>) semaphore(%arg14 : memref<!tpu.dma_semaphore, #tpu.memory_space<semaphore_mem>>)
    %dma_wait3A_1041 = arith.constant 0 : i32
    %dma_wait3A_1042 = arith.constant 0 : i32
    %dma_wait3A_1043 = arith.constant 0 : i32
    %dma_wait3A_1044 = tpu.memref_slice %arg8[%dma_wait3A_1041, %dma_wait3A_1042, %dma_wait3A_1043] : memref<5x32x256xf32, #tpu.memory_space<vmem>> -> memref<1x32x256xf32, #tpu.memory_space<vmem>>
    %dma_wait3A_1045 = tpu.memref_squeeze %dma_wait3A_1044 : memref<1x32x256xf32, #tpu.memory_space<vmem>> -> memref<32x256xf32, #tpu.memory_space<vmem>>
    %dma_wait3A_1046 = arith.constant 320 : i32
    %dma_wait3A_1047 = tpu.memref_slice %arg7[%dma_wait3A_1046] : memref<512xi32, #tpu.memory_space<vmem>> -> memref<32xi32, #tpu.memory_space<vmem>>
    %dma_wait3A_1048 = arith.constant 0 : i32
    %dma_wait3A_1049 = arith.constant 0 : i32
    %dma_wait3A_1050 = tpu.memref_slice %arg2[%dma_wait3A_1048, %dma_wait3A_1049] : memref<100000x256xf32, #tpu.memory_space<hbm>> -> memref<100000x256xf32, #tpu.memory_space<hbm>>
    tpu.wait_indirect_dma semaphore(%arg10 : memref<!tpu.dma_semaphore, #tpu.memory_space<semaphore_mem>>) src(%dma_wait3A_1050 : memref<100000x256xf32, #tpu.memory_space<hbm>>) dst(%dma_wait3A_1045 : memref<32x256xf32, #tpu.memory_space<vmem>>)
    %dma_wait3A_1051 = arith.constant 0 : i32
    %dma_wait3A_1052 = arith.constant 0 : i32
    %dma_wait3A_1053 = arith.constant 0 : i32
    %dma_wait3A_1054 = tpu.memref_slice %arg9[%dma_wait3A_1051, %dma_wait3A_1052, %dma_wait3A_1053] : memref<5x32x512xf32, #tpu.memory_space<vmem>> -> memref<1x32x512xf32, #tpu.memory_space<vmem>>
    %dma_wait3A_1055 = tpu.memref_squeeze %dma_wait3A_1054 : memref<1x32x512xf32, #tpu.memory_space<vmem>> -> memref<32x512xf32, #tpu.memory_space<vmem>>
    %dma_wait3A_1056 = arith.constant 320 : i32
    %dma_wait3A_1057 = tpu.memref_slice %arg7[%dma_wait3A_1056] : memref<512xi32, #tpu.memory_space<vmem>> -> memref<32xi32, #tpu.memory_space<vmem>>
    %dma_wait3A_1058 = arith.constant 0 : i32
    %dma_wait3A_1059 = arith.constant 0 : i32
    %dma_wait3A_1060 = tpu.memref_slice %arg3[%dma_wait3A_1058, %dma_wait3A_1059] : memref<100000x512xf32, #tpu.memory_space<hbm>> -> memref<100000x512xf32, #tpu.memory_space<hbm>>
    tpu.wait_indirect_dma semaphore(%arg10 : memref<!tpu.dma_semaphore, #tpu.memory_space<semaphore_mem>>) src(%dma_wait3A_1060 : memref<100000x512xf32, #tpu.memory_space<hbm>>) dst(%dma_wait3A_1055 : memref<32x512xf32, #tpu.memory_space<vmem>>)
    %add3A_1061 = arith.constant 320 : i32
    %add3A_1062 = arith.addi %mul3A_2, %add3A_1061 : i32
    %dma_start3A_1063 = arith.constant 0 : i32
    %dma_start3A_1064 = arith.constant 0 : i32
    %dma_start3A_1065 = arith.constant 0 : i32
    %dma_start3A_1066 = tpu.memref_slice %arg8[%dma_start3A_1063, %dma_start3A_1064, %dma_start3A_1065] : memref<5x32x256xf32, #tpu.memory_space<vmem>> -> memref<1x32x256xf32, #tpu.memory_space<vmem>>
    %dma_start3A_1067 = tpu.memref_squeeze %dma_start3A_1066 : memref<1x32x256xf32, #tpu.memory_space<vmem>> -> memref<32x256xf32, #tpu.memory_space<vmem>>
    %dma_start3A_1068 = arith.constant 0 : i32
    %dma_start3A_1069 = tpu.memref_slice %arg5[%add3A_1062, %dma_start3A_1068] : memref<16384x256xf32, #tpu.memory_space<hbm>> -> memref<32x256xf32, #tpu.memory_space<hbm>>
    %dma_start3A_1070 = arith.constant 0 : i32
    %dma_start3A_1071 = tpu.memref_slice %arg5[%add3A_1062, %dma_start3A_1070] : memref<16384x256xf32, #tpu.memory_space<hbm>> -> memref<32x256xf32, #tpu.memory_space<hbm>>
    %dma_start3A_1072 = arith.constant 0 : i32
    %dma_start3A_1073 = arith.constant 0 : i32
    %dma_start3A_1074 = tpu.memref_slice %arg8[%dma_start3A_1063, %dma_start3A_1072, %dma_start3A_1073] : memref<5x32x256xf32, #tpu.memory_space<vmem>> -> memref<1x32x256xf32, #tpu.memory_space<vmem>>
    %dma_start3A_1075 = tpu.memref_squeeze %dma_start3A_1074 : memref<1x32x256xf32, #tpu.memory_space<vmem>> -> memref<32x256xf32, #tpu.memory_space<vmem>>
    tpu.enqueue_dma source(%dma_start3A_1075 : memref<32x256xf32, #tpu.memory_space<vmem>>) target(%dma_start3A_1071 : memref<32x256xf32, #tpu.memory_space<hbm>>) target_semaphore(%arg15 : memref<!tpu.dma_semaphore, #tpu.memory_space<semaphore_mem>>)
    %dma_start3A_1076 = arith.constant 0 : i32
    %dma_start3A_1077 = arith.constant 0 : i32
    %dma_start3A_1078 = arith.constant 0 : i32
    %dma_start3A_1079 = tpu.memref_slice %arg9[%dma_start3A_1076, %dma_start3A_1077, %dma_start3A_1078] : memref<5x32x512xf32, #tpu.memory_space<vmem>> -> memref<1x32x512xf32, #tpu.memory_space<vmem>>
    %dma_start3A_1080 = tpu.memref_squeeze %dma_start3A_1079 : memref<1x32x512xf32, #tpu.memory_space<vmem>> -> memref<32x512xf32, #tpu.memory_space<vmem>>
    %dma_start3A_1081 = arith.constant 0 : i32
    %dma_start3A_1082 = tpu.memref_slice %arg6[%add3A_1062, %dma_start3A_1081] : memref<16384x512xf32, #tpu.memory_space<hbm>> -> memref<32x512xf32, #tpu.memory_space<hbm>>
    %dma_start3A_1083 = arith.constant 0 : i32
    %dma_start3A_1084 = tpu.memref_slice %arg6[%add3A_1062, %dma_start3A_1083] : memref<16384x512xf32, #tpu.memory_space<hbm>> -> memref<32x512xf32, #tpu.memory_space<hbm>>
    %dma_start3A_1085 = arith.constant 0 : i32
    %dma_start3A_1086 = arith.constant 0 : i32
    %dma_start3A_1087 = tpu.memref_slice %arg9[%dma_start3A_1076, %dma_start3A_1085, %dma_start3A_1086] : memref<5x32x512xf32, #tpu.memory_space<vmem>> -> memref<1x32x512xf32, #tpu.memory_space<vmem>>
    %dma_start3A_1088 = tpu.memref_squeeze %dma_start3A_1087 : memref<1x32x512xf32, #tpu.memory_space<vmem>> -> memref<32x512xf32, #tpu.memory_space<vmem>>
    tpu.enqueue_dma source(%dma_start3A_1088 : memref<32x512xf32, #tpu.memory_space<vmem>>) target(%dma_start3A_1084 : memref<32x512xf32, #tpu.memory_space<hbm>>) target_semaphore(%arg15 : memref<!tpu.dma_semaphore, #tpu.memory_space<semaphore_mem>>)
    %dma_wait3A_1089 = arith.constant 0 : i32
    %dma_wait3A_1090 = arith.constant 0 : i32
    %dma_wait3A_1091 = arith.constant 0 : i32
    %dma_wait3A_1092 = tpu.memref_slice %arg8[%dma_wait3A_1089, %dma_wait3A_1090, %dma_wait3A_1091] : memref<5x32x256xf32, #tpu.memory_space<vmem>> -> memref<1x32x256xf32, #tpu.memory_space<vmem>>
    %dma_wait3A_1093 = tpu.memref_squeeze %dma_wait3A_1092 : memref<1x32x256xf32, #tpu.memory_space<vmem>> -> memref<32x256xf32, #tpu.memory_space<vmem>>
    %dma_wait3A_1094 = arith.constant 0 : i32
    %dma_wait3A_1095 = tpu.memref_slice %arg5[%add3A_1062, %dma_wait3A_1094] : memref<16384x256xf32, #tpu.memory_space<hbm>> -> memref<32x256xf32, #tpu.memory_space<hbm>>
    %dma_wait3A_1096 = arith.constant 0 : i32
    %dma_wait3A_1097 = tpu.memref_slice %arg5[%add3A_1062, %dma_wait3A_1096] : memref<16384x256xf32, #tpu.memory_space<hbm>> -> memref<32x256xf32, #tpu.memory_space<hbm>>
    %dma_wait3A_1098 = arith.constant 0 : i32
    %dma_wait3A_1099 = arith.constant 0 : i32
    %dma_wait3A_1100 = tpu.memref_slice %arg8[%dma_wait3A_1089, %dma_wait3A_1098, %dma_wait3A_1099] : memref<5x32x256xf32, #tpu.memory_space<vmem>> -> memref<1x32x256xf32, #tpu.memory_space<vmem>>
    %dma_wait3A_1101 = tpu.memref_squeeze %dma_wait3A_1100 : memref<1x32x256xf32, #tpu.memory_space<vmem>> -> memref<32x256xf32, #tpu.memory_space<vmem>>
    tpu.wait_dma2 semaphore(%arg15 : memref<!tpu.dma_semaphore, #tpu.memory_space<semaphore_mem>>) src(%dma_wait3A_1101 : memref<32x256xf32, #tpu.memory_space<vmem>>) dst(%dma_wait3A_1097 : memref<32x256xf32, #tpu.memory_space<hbm>>)
    %dma_wait3A_1102 = arith.constant 0 : i32
    %dma_wait3A_1103 = arith.constant 0 : i32
    %dma_wait3A_1104 = arith.constant 0 : i32
    %dma_wait3A_1105 = tpu.memref_slice %arg9[%dma_wait3A_1102, %dma_wait3A_1103, %dma_wait3A_1104] : memref<5x32x512xf32, #tpu.memory_space<vmem>> -> memref<1x32x512xf32, #tpu.memory_space<vmem>>
    %dma_wait3A_1106 = tpu.memref_squeeze %dma_wait3A_1105 : memref<1x32x512xf32, #tpu.memory_space<vmem>> -> memref<32x512xf32, #tpu.memory_space<vmem>>
    %dma_wait3A_1107 = arith.constant 0 : i32
    %dma_wait3A_1108 = tpu.memref_slice %arg6[%add3A_1062, %dma_wait3A_1107] : memref<16384x512xf32, #tpu.memory_space<hbm>> -> memref<32x512xf32, #tpu.memory_space<hbm>>
    %dma_wait3A_1109 = arith.constant 0 : i32
    %dma_wait3A_1110 = tpu.memref_slice %arg6[%add3A_1062, %dma_wait3A_1109] : memref<16384x512xf32, #tpu.memory_space<hbm>> -> memref<32x512xf32, #tpu.memory_space<hbm>>
    %dma_wait3A_1111 = arith.constant 0 : i32
    %dma_wait3A_1112 = arith.constant 0 : i32
    %dma_wait3A_1113 = tpu.memref_slice %arg9[%dma_wait3A_1102, %dma_wait3A_1111, %dma_wait3A_1112] : memref<5x32x512xf32, #tpu.memory_space<vmem>> -> memref<1x32x512xf32, #tpu.memory_space<vmem>>
    %dma_wait3A_1114 = tpu.memref_squeeze %dma_wait3A_1113 : memref<1x32x512xf32, #tpu.memory_space<vmem>> -> memref<32x512xf32, #tpu.memory_space<vmem>>
    tpu.wait_dma2 semaphore(%arg15 : memref<!tpu.dma_semaphore, #tpu.memory_space<semaphore_mem>>) src(%dma_wait3A_1114 : memref<32x512xf32, #tpu.memory_space<vmem>>) dst(%dma_wait3A_1110 : memref<32x512xf32, #tpu.memory_space<hbm>>)
    %dma_start3A_1115 = arith.constant 0 : i32
    %dma_start3A_1116 = arith.constant 0 : i32
    %dma_start3A_1117 = arith.constant 0 : i32
    %dma_start3A_1118 = tpu.memref_slice %arg8[%dma_start3A_1115, %dma_start3A_1116, %dma_start3A_1117] : memref<5x32x256xf32, #tpu.memory_space<vmem>> -> memref<1x32x256xf32, #tpu.memory_space<vmem>>
    %dma_start3A_1119 = tpu.memref_squeeze %dma_start3A_1118 : memref<1x32x256xf32, #tpu.memory_space<vmem>> -> memref<32x256xf32, #tpu.memory_space<vmem>>
    %dma_start3A_1120 = arith.constant 480 : i32
    %dma_start3A_1121 = tpu.memref_slice %arg7[%dma_start3A_1120] : memref<512xi32, #tpu.memory_space<vmem>> -> memref<32xi32, #tpu.memory_space<vmem>>
    %dma_start3A_1122 = arith.constant 0 : i32
    %dma_start3A_1123 = arith.constant 0 : i32
    %dma_start3A_1124 = tpu.memref_slice %arg2[%dma_start3A_1122, %dma_start3A_1123] : memref<100000x256xf32, #tpu.memory_space<hbm>> -> memref<100000x256xf32, #tpu.memory_space<hbm>>
    tpu.enqueue_indirect_dma source(%dma_start3A_1124 : memref<100000x256xf32, #tpu.memory_space<hbm>>) target(%dma_start3A_1119 : memref<32x256xf32, #tpu.memory_space<vmem>>) offsets(%dma_start3A_1121 : memref<32xi32, #tpu.memory_space<vmem>>) semaphore(%arg10 : memref<!tpu.dma_semaphore, #tpu.memory_space<semaphore_mem>>)
    %dma_start3A_1125 = arith.constant 0 : i32
    %dma_start3A_1126 = arith.constant 0 : i32
    %dma_start3A_1127 = arith.constant 0 : i32
    %dma_start3A_1128 = tpu.memref_slice %arg9[%dma_start3A_1125, %dma_start3A_1126, %dma_start3A_1127] : memref<5x32x512xf32, #tpu.memory_space<vmem>> -> memref<1x32x512xf32, #tpu.memory_space<vmem>>
    %dma_start3A_1129 = tpu.memref_squeeze %dma_start3A_1128 : memref<1x32x512xf32, #tpu.memory_space<vmem>> -> memref<32x512xf32, #tpu.memory_space<vmem>>
    %dma_start3A_1130 = arith.constant 480 : i32
    %dma_start3A_1131 = tpu.memref_slice %arg7[%dma_start3A_1130] : memref<512xi32, #tpu.memory_space<vmem>> -> memref<32xi32, #tpu.memory_space<vmem>>
    %dma_start3A_1132 = arith.constant 0 : i32
    %dma_start3A_1133 = arith.constant 0 : i32
    %dma_start3A_1134 = tpu.memref_slice %arg3[%dma_start3A_1132, %dma_start3A_1133] : memref<100000x512xf32, #tpu.memory_space<hbm>> -> memref<100000x512xf32, #tpu.memory_space<hbm>>
    tpu.enqueue_indirect_dma source(%dma_start3A_1134 : memref<100000x512xf32, #tpu.memory_space<hbm>>) target(%dma_start3A_1129 : memref<32x512xf32, #tpu.memory_space<vmem>>) offsets(%dma_start3A_1131 : memref<32xi32, #tpu.memory_space<vmem>>) semaphore(%arg10 : memref<!tpu.dma_semaphore, #tpu.memory_space<semaphore_mem>>)
    %dma_wait3A_1135 = arith.constant 1 : i32
    %dma_wait3A_1136 = arith.constant 0 : i32
    %dma_wait3A_1137 = arith.constant 0 : i32
    %dma_wait3A_1138 = tpu.memref_slice %arg8[%dma_wait3A_1135, %dma_wait3A_1136, %dma_wait3A_1137] : memref<5x32x256xf32, #tpu.memory_space<vmem>> -> memref<1x32x256xf32, #tpu.memory_space<vmem>>
    %dma_wait3A_1139 = tpu.memref_squeeze %dma_wait3A_1138 : memref<1x32x256xf32, #tpu.memory_space<vmem>> -> memref<32x256xf32, #tpu.memory_space<vmem>>
    %dma_wait3A_1140 = arith.constant 352 : i32
    %dma_wait3A_1141 = tpu.memref_slice %arg7[%dma_wait3A_1140] : memref<512xi32, #tpu.memory_space<vmem>> -> memref<32xi32, #tpu.memory_space<vmem>>
    %dma_wait3A_1142 = arith.constant 0 : i32
    %dma_wait3A_1143 = arith.constant 0 : i32
    %dma_wait3A_1144 = tpu.memref_slice %arg2[%dma_wait3A_1142, %dma_wait3A_1143] : memref<100000x256xf32, #tpu.memory_space<hbm>> -> memref<100000x256xf32, #tpu.memory_space<hbm>>
    tpu.wait_indirect_dma semaphore(%arg11 : memref<!tpu.dma_semaphore, #tpu.memory_space<semaphore_mem>>) src(%dma_wait3A_1144 : memref<100000x256xf32, #tpu.memory_space<hbm>>) dst(%dma_wait3A_1139 : memref<32x256xf32, #tpu.memory_space<vmem>>)
    %dma_wait3A_1145 = arith.constant 1 : i32
    %dma_wait3A_1146 = arith.constant 0 : i32
    %dma_wait3A_1147 = arith.constant 0 : i32
    %dma_wait3A_1148 = tpu.memref_slice %arg9[%dma_wait3A_1145, %dma_wait3A_1146, %dma_wait3A_1147] : memref<5x32x512xf32, #tpu.memory_space<vmem>> -> memref<1x32x512xf32, #tpu.memory_space<vmem>>
    %dma_wait3A_1149 = tpu.memref_squeeze %dma_wait3A_1148 : memref<1x32x512xf32, #tpu.memory_space<vmem>> -> memref<32x512xf32, #tpu.memory_space<vmem>>
    %dma_wait3A_1150 = arith.constant 352 : i32
    %dma_wait3A_1151 = tpu.memref_slice %arg7[%dma_wait3A_1150] : memref<512xi32, #tpu.memory_space<vmem>> -> memref<32xi32, #tpu.memory_space<vmem>>
    %dma_wait3A_1152 = arith.constant 0 : i32
    %dma_wait3A_1153 = arith.constant 0 : i32
    %dma_wait3A_1154 = tpu.memref_slice %arg3[%dma_wait3A_1152, %dma_wait3A_1153] : memref<100000x512xf32, #tpu.memory_space<hbm>> -> memref<100000x512xf32, #tpu.memory_space<hbm>>
    tpu.wait_indirect_dma semaphore(%arg11 : memref<!tpu.dma_semaphore, #tpu.memory_space<semaphore_mem>>) src(%dma_wait3A_1154 : memref<100000x512xf32, #tpu.memory_space<hbm>>) dst(%dma_wait3A_1149 : memref<32x512xf32, #tpu.memory_space<vmem>>)
    %add3A_1155 = arith.constant 352 : i32
    %add3A_1156 = arith.addi %mul3A_2, %add3A_1155 : i32
    %dma_start3A_1157 = arith.constant 1 : i32
    %dma_start3A_1158 = arith.constant 0 : i32
    %dma_start3A_1159 = arith.constant 0 : i32
    %dma_start3A_1160 = tpu.memref_slice %arg8[%dma_start3A_1157, %dma_start3A_1158, %dma_start3A_1159] : memref<5x32x256xf32, #tpu.memory_space<vmem>> -> memref<1x32x256xf32, #tpu.memory_space<vmem>>
    %dma_start3A_1161 = tpu.memref_squeeze %dma_start3A_1160 : memref<1x32x256xf32, #tpu.memory_space<vmem>> -> memref<32x256xf32, #tpu.memory_space<vmem>>
    %dma_start3A_1162 = arith.constant 0 : i32
    %dma_start3A_1163 = tpu.memref_slice %arg5[%add3A_1156, %dma_start3A_1162] : memref<16384x256xf32, #tpu.memory_space<hbm>> -> memref<32x256xf32, #tpu.memory_space<hbm>>
    %dma_start3A_1164 = arith.constant 0 : i32
    %dma_start3A_1165 = tpu.memref_slice %arg5[%add3A_1156, %dma_start3A_1164] : memref<16384x256xf32, #tpu.memory_space<hbm>> -> memref<32x256xf32, #tpu.memory_space<hbm>>
    %dma_start3A_1166 = arith.constant 0 : i32
    %dma_start3A_1167 = arith.constant 0 : i32
    %dma_start3A_1168 = tpu.memref_slice %arg8[%dma_start3A_1157, %dma_start3A_1166, %dma_start3A_1167] : memref<5x32x256xf32, #tpu.memory_space<vmem>> -> memref<1x32x256xf32, #tpu.memory_space<vmem>>
    %dma_start3A_1169 = tpu.memref_squeeze %dma_start3A_1168 : memref<1x32x256xf32, #tpu.memory_space<vmem>> -> memref<32x256xf32, #tpu.memory_space<vmem>>
    tpu.enqueue_dma source(%dma_start3A_1169 : memref<32x256xf32, #tpu.memory_space<vmem>>) target(%dma_start3A_1165 : memref<32x256xf32, #tpu.memory_space<hbm>>) target_semaphore(%arg16 : memref<!tpu.dma_semaphore, #tpu.memory_space<semaphore_mem>>)
    %dma_start3A_1170 = arith.constant 1 : i32
    %dma_start3A_1171 = arith.constant 0 : i32
    %dma_start3A_1172 = arith.constant 0 : i32
    %dma_start3A_1173 = tpu.memref_slice %arg9[%dma_start3A_1170, %dma_start3A_1171, %dma_start3A_1172] : memref<5x32x512xf32, #tpu.memory_space<vmem>> -> memref<1x32x512xf32, #tpu.memory_space<vmem>>
    %dma_start3A_1174 = tpu.memref_squeeze %dma_start3A_1173 : memref<1x32x512xf32, #tpu.memory_space<vmem>> -> memref<32x512xf32, #tpu.memory_space<vmem>>
    %dma_start3A_1175 = arith.constant 0 : i32
    %dma_start3A_1176 = tpu.memref_slice %arg6[%add3A_1156, %dma_start3A_1175] : memref<16384x512xf32, #tpu.memory_space<hbm>> -> memref<32x512xf32, #tpu.memory_space<hbm>>
    %dma_start3A_1177 = arith.constant 0 : i32
    %dma_start3A_1178 = tpu.memref_slice %arg6[%add3A_1156, %dma_start3A_1177] : memref<16384x512xf32, #tpu.memory_space<hbm>> -> memref<32x512xf32, #tpu.memory_space<hbm>>
    %dma_start3A_1179 = arith.constant 0 : i32
    %dma_start3A_1180 = arith.constant 0 : i32
    %dma_start3A_1181 = tpu.memref_slice %arg9[%dma_start3A_1170, %dma_start3A_1179, %dma_start3A_1180] : memref<5x32x512xf32, #tpu.memory_space<vmem>> -> memref<1x32x512xf32, #tpu.memory_space<vmem>>
    %dma_start3A_1182 = tpu.memref_squeeze %dma_start3A_1181 : memref<1x32x512xf32, #tpu.memory_space<vmem>> -> memref<32x512xf32, #tpu.memory_space<vmem>>
    tpu.enqueue_dma source(%dma_start3A_1182 : memref<32x512xf32, #tpu.memory_space<vmem>>) target(%dma_start3A_1178 : memref<32x512xf32, #tpu.memory_space<hbm>>) target_semaphore(%arg16 : memref<!tpu.dma_semaphore, #tpu.memory_space<semaphore_mem>>)
    %dma_wait3A_1183 = arith.constant 2 : i32
    %dma_wait3A_1184 = arith.constant 0 : i32
    %dma_wait3A_1185 = arith.constant 0 : i32
    %dma_wait3A_1186 = tpu.memref_slice %arg8[%dma_wait3A_1183, %dma_wait3A_1184, %dma_wait3A_1185] : memref<5x32x256xf32, #tpu.memory_space<vmem>> -> memref<1x32x256xf32, #tpu.memory_space<vmem>>
    %dma_wait3A_1187 = tpu.memref_squeeze %dma_wait3A_1186 : memref<1x32x256xf32, #tpu.memory_space<vmem>> -> memref<32x256xf32, #tpu.memory_space<vmem>>
    %dma_wait3A_1188 = arith.constant 384 : i32
    %dma_wait3A_1189 = tpu.memref_slice %arg7[%dma_wait3A_1188] : memref<512xi32, #tpu.memory_space<vmem>> -> memref<32xi32, #tpu.memory_space<vmem>>
    %dma_wait3A_1190 = arith.constant 0 : i32
    %dma_wait3A_1191 = arith.constant 0 : i32
    %dma_wait3A_1192 = tpu.memref_slice %arg2[%dma_wait3A_1190, %dma_wait3A_1191] : memref<100000x256xf32, #tpu.memory_space<hbm>> -> memref<100000x256xf32, #tpu.memory_space<hbm>>
    tpu.wait_indirect_dma semaphore(%arg12 : memref<!tpu.dma_semaphore, #tpu.memory_space<semaphore_mem>>) src(%dma_wait3A_1192 : memref<100000x256xf32, #tpu.memory_space<hbm>>) dst(%dma_wait3A_1187 : memref<32x256xf32, #tpu.memory_space<vmem>>)
    %dma_wait3A_1193 = arith.constant 2 : i32
    %dma_wait3A_1194 = arith.constant 0 : i32
    %dma_wait3A_1195 = arith.constant 0 : i32
    %dma_wait3A_1196 = tpu.memref_slice %arg9[%dma_wait3A_1193, %dma_wait3A_1194, %dma_wait3A_1195] : memref<5x32x512xf32, #tpu.memory_space<vmem>> -> memref<1x32x512xf32, #tpu.memory_space<vmem>>
    %dma_wait3A_1197 = tpu.memref_squeeze %dma_wait3A_1196 : memref<1x32x512xf32, #tpu.memory_space<vmem>> -> memref<32x512xf32, #tpu.memory_space<vmem>>
    %dma_wait3A_1198 = arith.constant 384 : i32
    %dma_wait3A_1199 = tpu.memref_slice %arg7[%dma_wait3A_1198] : memref<512xi32, #tpu.memory_space<vmem>> -> memref<32xi32, #tpu.memory_space<vmem>>
    %dma_wait3A_1200 = arith.constant 0 : i32
    %dma_wait3A_1201 = arith.constant 0 : i32
    %dma_wait3A_1202 = tpu.memref_slice %arg3[%dma_wait3A_1200, %dma_wait3A_1201] : memref<100000x512xf32, #tpu.memory_space<hbm>> -> memref<100000x512xf32, #tpu.memory_space<hbm>>
    tpu.wait_indirect_dma semaphore(%arg12 : memref<!tpu.dma_semaphore, #tpu.memory_space<semaphore_mem>>) src(%dma_wait3A_1202 : memref<100000x512xf32, #tpu.memory_space<hbm>>) dst(%dma_wait3A_1197 : memref<32x512xf32, #tpu.memory_space<vmem>>)
    %add3A_1203 = arith.constant 384 : i32
    %add3A_1204 = arith.addi %mul3A_2, %add3A_1203 : i32
    %dma_start3A_1205 = arith.constant 2 : i32
    %dma_start3A_1206 = arith.constant 0 : i32
    %dma_start3A_1207 = arith.constant 0 : i32
    %dma_start3A_1208 = tpu.memref_slice %arg8[%dma_start3A_1205, %dma_start3A_1206, %dma_start3A_1207] : memref<5x32x256xf32, #tpu.memory_space<vmem>> -> memref<1x32x256xf32, #tpu.memory_space<vmem>>
    %dma_start3A_1209 = tpu.memref_squeeze %dma_start3A_1208 : memref<1x32x256xf32, #tpu.memory_space<vmem>> -> memref<32x256xf32, #tpu.memory_space<vmem>>
    %dma_start3A_1210 = arith.constant 0 : i32
    %dma_start3A_1211 = tpu.memref_slice %arg5[%add3A_1204, %dma_start3A_1210] : memref<16384x256xf32, #tpu.memory_space<hbm>> -> memref<32x256xf32, #tpu.memory_space<hbm>>
    %dma_start3A_1212 = arith.constant 0 : i32
    %dma_start3A_1213 = tpu.memref_slice %arg5[%add3A_1204, %dma_start3A_1212] : memref<16384x256xf32, #tpu.memory_space<hbm>> -> memref<32x256xf32, #tpu.memory_space<hbm>>
    %dma_start3A_1214 = arith.constant 0 : i32
    %dma_start3A_1215 = arith.constant 0 : i32
    %dma_start3A_1216 = tpu.memref_slice %arg8[%dma_start3A_1205, %dma_start3A_1214, %dma_start3A_1215] : memref<5x32x256xf32, #tpu.memory_space<vmem>> -> memref<1x32x256xf32, #tpu.memory_space<vmem>>
    %dma_start3A_1217 = tpu.memref_squeeze %dma_start3A_1216 : memref<1x32x256xf32, #tpu.memory_space<vmem>> -> memref<32x256xf32, #tpu.memory_space<vmem>>
    tpu.enqueue_dma source(%dma_start3A_1217 : memref<32x256xf32, #tpu.memory_space<vmem>>) target(%dma_start3A_1213 : memref<32x256xf32, #tpu.memory_space<hbm>>) target_semaphore(%arg17 : memref<!tpu.dma_semaphore, #tpu.memory_space<semaphore_mem>>)
    %dma_start3A_1218 = arith.constant 2 : i32
    %dma_start3A_1219 = arith.constant 0 : i32
    %dma_start3A_1220 = arith.constant 0 : i32
    %dma_start3A_1221 = tpu.memref_slice %arg9[%dma_start3A_1218, %dma_start3A_1219, %dma_start3A_1220] : memref<5x32x512xf32, #tpu.memory_space<vmem>> -> memref<1x32x512xf32, #tpu.memory_space<vmem>>
    %dma_start3A_1222 = tpu.memref_squeeze %dma_start3A_1221 : memref<1x32x512xf32, #tpu.memory_space<vmem>> -> memref<32x512xf32, #tpu.memory_space<vmem>>
    %dma_start3A_1223 = arith.constant 0 : i32
    %dma_start3A_1224 = tpu.memref_slice %arg6[%add3A_1204, %dma_start3A_1223] : memref<16384x512xf32, #tpu.memory_space<hbm>> -> memref<32x512xf32, #tpu.memory_space<hbm>>
    %dma_start3A_1225 = arith.constant 0 : i32
    %dma_start3A_1226 = tpu.memref_slice %arg6[%add3A_1204, %dma_start3A_1225] : memref<16384x512xf32, #tpu.memory_space<hbm>> -> memref<32x512xf32, #tpu.memory_space<hbm>>
    %dma_start3A_1227 = arith.constant 0 : i32
    %dma_start3A_1228 = arith.constant 0 : i32
    %dma_start3A_1229 = tpu.memref_slice %arg9[%dma_start3A_1218, %dma_start3A_1227, %dma_start3A_1228] : memref<5x32x512xf32, #tpu.memory_space<vmem>> -> memref<1x32x512xf32, #tpu.memory_space<vmem>>
    %dma_start3A_1230 = tpu.memref_squeeze %dma_start3A_1229 : memref<1x32x512xf32, #tpu.memory_space<vmem>> -> memref<32x512xf32, #tpu.memory_space<vmem>>
    tpu.enqueue_dma source(%dma_start3A_1230 : memref<32x512xf32, #tpu.memory_space<vmem>>) target(%dma_start3A_1226 : memref<32x512xf32, #tpu.memory_space<hbm>>) target_semaphore(%arg17 : memref<!tpu.dma_semaphore, #tpu.memory_space<semaphore_mem>>)
    %dma_wait3A_1231 = arith.constant 3 : i32
    %dma_wait3A_1232 = arith.constant 0 : i32
    %dma_wait3A_1233 = arith.constant 0 : i32
    %dma_wait3A_1234 = tpu.memref_slice %arg8[%dma_wait3A_1231, %dma_wait3A_1232, %dma_wait3A_1233] : memref<5x32x256xf32, #tpu.memory_space<vmem>> -> memref<1x32x256xf32, #tpu.memory_space<vmem>>
    %dma_wait3A_1235 = tpu.memref_squeeze %dma_wait3A_1234 : memref<1x32x256xf32, #tpu.memory_space<vmem>> -> memref<32x256xf32, #tpu.memory_space<vmem>>
    %dma_wait3A_1236 = arith.constant 416 : i32
    %dma_wait3A_1237 = tpu.memref_slice %arg7[%dma_wait3A_1236] : memref<512xi32, #tpu.memory_space<vmem>> -> memref<32xi32, #tpu.memory_space<vmem>>
    %dma_wait3A_1238 = arith.constant 0 : i32
    %dma_wait3A_1239 = arith.constant 0 : i32
    %dma_wait3A_1240 = tpu.memref_slice %arg2[%dma_wait3A_1238, %dma_wait3A_1239] : memref<100000x256xf32, #tpu.memory_space<hbm>> -> memref<100000x256xf32, #tpu.memory_space<hbm>>
    tpu.wait_indirect_dma semaphore(%arg13 : memref<!tpu.dma_semaphore, #tpu.memory_space<semaphore_mem>>) src(%dma_wait3A_1240 : memref<100000x256xf32, #tpu.memory_space<hbm>>) dst(%dma_wait3A_1235 : memref<32x256xf32, #tpu.memory_space<vmem>>)
    %dma_wait3A_1241 = arith.constant 3 : i32
    %dma_wait3A_1242 = arith.constant 0 : i32
    %dma_wait3A_1243 = arith.constant 0 : i32
    %dma_wait3A_1244 = tpu.memref_slice %arg9[%dma_wait3A_1241, %dma_wait3A_1242, %dma_wait3A_1243] : memref<5x32x512xf32, #tpu.memory_space<vmem>> -> memref<1x32x512xf32, #tpu.memory_space<vmem>>
    %dma_wait3A_1245 = tpu.memref_squeeze %dma_wait3A_1244 : memref<1x32x512xf32, #tpu.memory_space<vmem>> -> memref<32x512xf32, #tpu.memory_space<vmem>>
    %dma_wait3A_1246 = arith.constant 416 : i32
    %dma_wait3A_1247 = tpu.memref_slice %arg7[%dma_wait3A_1246] : memref<512xi32, #tpu.memory_space<vmem>> -> memref<32xi32, #tpu.memory_space<vmem>>
    %dma_wait3A_1248 = arith.constant 0 : i32
    %dma_wait3A_1249 = arith.constant 0 : i32
    %dma_wait3A_1250 = tpu.memref_slice %arg3[%dma_wait3A_1248, %dma_wait3A_1249] : memref<100000x512xf32, #tpu.memory_space<hbm>> -> memref<100000x512xf32, #tpu.memory_space<hbm>>
    tpu.wait_indirect_dma semaphore(%arg13 : memref<!tpu.dma_semaphore, #tpu.memory_space<semaphore_mem>>) src(%dma_wait3A_1250 : memref<100000x512xf32, #tpu.memory_space<hbm>>) dst(%dma_wait3A_1245 : memref<32x512xf32, #tpu.memory_space<vmem>>)
    %add3A_1251 = arith.constant 416 : i32
    %add3A_1252 = arith.addi %mul3A_2, %add3A_1251 : i32
    %dma_start3A_1253 = arith.constant 3 : i32
    %dma_start3A_1254 = arith.constant 0 : i32
    %dma_start3A_1255 = arith.constant 0 : i32
    %dma_start3A_1256 = tpu.memref_slice %arg8[%dma_start3A_1253, %dma_start3A_1254, %dma_start3A_1255] : memref<5x32x256xf32, #tpu.memory_space<vmem>> -> memref<1x32x256xf32, #tpu.memory_space<vmem>>
    %dma_start3A_1257 = tpu.memref_squeeze %dma_start3A_1256 : memref<1x32x256xf32, #tpu.memory_space<vmem>> -> memref<32x256xf32, #tpu.memory_space<vmem>>
    %dma_start3A_1258 = arith.constant 0 : i32
    %dma_start3A_1259 = tpu.memref_slice %arg5[%add3A_1252, %dma_start3A_1258] : memref<16384x256xf32, #tpu.memory_space<hbm>> -> memref<32x256xf32, #tpu.memory_space<hbm>>
    %dma_start3A_1260 = arith.constant 0 : i32
    %dma_start3A_1261 = tpu.memref_slice %arg5[%add3A_1252, %dma_start3A_1260] : memref<16384x256xf32, #tpu.memory_space<hbm>> -> memref<32x256xf32, #tpu.memory_space<hbm>>
    %dma_start3A_1262 = arith.constant 0 : i32
    %dma_start3A_1263 = arith.constant 0 : i32
    %dma_start3A_1264 = tpu.memref_slice %arg8[%dma_start3A_1253, %dma_start3A_1262, %dma_start3A_1263] : memref<5x32x256xf32, #tpu.memory_space<vmem>> -> memref<1x32x256xf32, #tpu.memory_space<vmem>>
    %dma_start3A_1265 = tpu.memref_squeeze %dma_start3A_1264 : memref<1x32x256xf32, #tpu.memory_space<vmem>> -> memref<32x256xf32, #tpu.memory_space<vmem>>
    tpu.enqueue_dma source(%dma_start3A_1265 : memref<32x256xf32, #tpu.memory_space<vmem>>) target(%dma_start3A_1261 : memref<32x256xf32, #tpu.memory_space<hbm>>) target_semaphore(%arg18 : memref<!tpu.dma_semaphore, #tpu.memory_space<semaphore_mem>>)
    %dma_start3A_1266 = arith.constant 3 : i32
    %dma_start3A_1267 = arith.constant 0 : i32
    %dma_start3A_1268 = arith.constant 0 : i32
    %dma_start3A_1269 = tpu.memref_slice %arg9[%dma_start3A_1266, %dma_start3A_1267, %dma_start3A_1268] : memref<5x32x512xf32, #tpu.memory_space<vmem>> -> memref<1x32x512xf32, #tpu.memory_space<vmem>>
    %dma_start3A_1270 = tpu.memref_squeeze %dma_start3A_1269 : memref<1x32x512xf32, #tpu.memory_space<vmem>> -> memref<32x512xf32, #tpu.memory_space<vmem>>
    %dma_start3A_1271 = arith.constant 0 : i32
    %dma_start3A_1272 = tpu.memref_slice %arg6[%add3A_1252, %dma_start3A_1271] : memref<16384x512xf32, #tpu.memory_space<hbm>> -> memref<32x512xf32, #tpu.memory_space<hbm>>
    %dma_start3A_1273 = arith.constant 0 : i32
    %dma_start3A_1274 = tpu.memref_slice %arg6[%add3A_1252, %dma_start3A_1273] : memref<16384x512xf32, #tpu.memory_space<hbm>> -> memref<32x512xf32, #tpu.memory_space<hbm>>
    %dma_start3A_1275 = arith.constant 0 : i32
    %dma_start3A_1276 = arith.constant 0 : i32
    %dma_start3A_1277 = tpu.memref_slice %arg9[%dma_start3A_1266, %dma_start3A_1275, %dma_start3A_1276] : memref<5x32x512xf32, #tpu.memory_space<vmem>> -> memref<1x32x512xf32, #tpu.memory_space<vmem>>
    %dma_start3A_1278 = tpu.memref_squeeze %dma_start3A_1277 : memref<1x32x512xf32, #tpu.memory_space<vmem>> -> memref<32x512xf32, #tpu.memory_space<vmem>>
    tpu.enqueue_dma source(%dma_start3A_1278 : memref<32x512xf32, #tpu.memory_space<vmem>>) target(%dma_start3A_1274 : memref<32x512xf32, #tpu.memory_space<hbm>>) target_semaphore(%arg18 : memref<!tpu.dma_semaphore, #tpu.memory_space<semaphore_mem>>)
    %dma_wait3A_1279 = arith.constant 4 : i32
    %dma_wait3A_1280 = arith.constant 0 : i32
    %dma_wait3A_1281 = arith.constant 0 : i32
    %dma_wait3A_1282 = tpu.memref_slice %arg8[%dma_wait3A_1279, %dma_wait3A_1280, %dma_wait3A_1281] : memref<5x32x256xf32, #tpu.memory_space<vmem>> -> memref<1x32x256xf32, #tpu.memory_space<vmem>>
    %dma_wait3A_1283 = tpu.memref_squeeze %dma_wait3A_1282 : memref<1x32x256xf32, #tpu.memory_space<vmem>> -> memref<32x256xf32, #tpu.memory_space<vmem>>
    %dma_wait3A_1284 = arith.constant 448 : i32
    %dma_wait3A_1285 = tpu.memref_slice %arg7[%dma_wait3A_1284] : memref<512xi32, #tpu.memory_space<vmem>> -> memref<32xi32, #tpu.memory_space<vmem>>
    %dma_wait3A_1286 = arith.constant 0 : i32
    %dma_wait3A_1287 = arith.constant 0 : i32
    %dma_wait3A_1288 = tpu.memref_slice %arg2[%dma_wait3A_1286, %dma_wait3A_1287] : memref<100000x256xf32, #tpu.memory_space<hbm>> -> memref<100000x256xf32, #tpu.memory_space<hbm>>
    tpu.wait_indirect_dma semaphore(%arg14 : memref<!tpu.dma_semaphore, #tpu.memory_space<semaphore_mem>>) src(%dma_wait3A_1288 : memref<100000x256xf32, #tpu.memory_space<hbm>>) dst(%dma_wait3A_1283 : memref<32x256xf32, #tpu.memory_space<vmem>>)
    %dma_wait3A_1289 = arith.constant 4 : i32
    %dma_wait3A_1290 = arith.constant 0 : i32
    %dma_wait3A_1291 = arith.constant 0 : i32
    %dma_wait3A_1292 = tpu.memref_slice %arg9[%dma_wait3A_1289, %dma_wait3A_1290, %dma_wait3A_1291] : memref<5x32x512xf32, #tpu.memory_space<vmem>> -> memref<1x32x512xf32, #tpu.memory_space<vmem>>
    %dma_wait3A_1293 = tpu.memref_squeeze %dma_wait3A_1292 : memref<1x32x512xf32, #tpu.memory_space<vmem>> -> memref<32x512xf32, #tpu.memory_space<vmem>>
    %dma_wait3A_1294 = arith.constant 448 : i32
    %dma_wait3A_1295 = tpu.memref_slice %arg7[%dma_wait3A_1294] : memref<512xi32, #tpu.memory_space<vmem>> -> memref<32xi32, #tpu.memory_space<vmem>>
    %dma_wait3A_1296 = arith.constant 0 : i32
    %dma_wait3A_1297 = arith.constant 0 : i32
    %dma_wait3A_1298 = tpu.memref_slice %arg3[%dma_wait3A_1296, %dma_wait3A_1297] : memref<100000x512xf32, #tpu.memory_space<hbm>> -> memref<100000x512xf32, #tpu.memory_space<hbm>>
    tpu.wait_indirect_dma semaphore(%arg14 : memref<!tpu.dma_semaphore, #tpu.memory_space<semaphore_mem>>) src(%dma_wait3A_1298 : memref<100000x512xf32, #tpu.memory_space<hbm>>) dst(%dma_wait3A_1293 : memref<32x512xf32, #tpu.memory_space<vmem>>)
    %add3A_1299 = arith.constant 448 : i32
    %add3A_1300 = arith.addi %mul3A_2, %add3A_1299 : i32
    %dma_start3A_1301 = arith.constant 4 : i32
    %dma_start3A_1302 = arith.constant 0 : i32
    %dma_start3A_1303 = arith.constant 0 : i32
    %dma_start3A_1304 = tpu.memref_slice %arg8[%dma_start3A_1301, %dma_start3A_1302, %dma_start3A_1303] : memref<5x32x256xf32, #tpu.memory_space<vmem>> -> memref<1x32x256xf32, #tpu.memory_space<vmem>>
    %dma_start3A_1305 = tpu.memref_squeeze %dma_start3A_1304 : memref<1x32x256xf32, #tpu.memory_space<vmem>> -> memref<32x256xf32, #tpu.memory_space<vmem>>
    %dma_start3A_1306 = arith.constant 0 : i32
    %dma_start3A_1307 = tpu.memref_slice %arg5[%add3A_1300, %dma_start3A_1306] : memref<16384x256xf32, #tpu.memory_space<hbm>> -> memref<32x256xf32, #tpu.memory_space<hbm>>
    %dma_start3A_1308 = arith.constant 0 : i32
    %dma_start3A_1309 = tpu.memref_slice %arg5[%add3A_1300, %dma_start3A_1308] : memref<16384x256xf32, #tpu.memory_space<hbm>> -> memref<32x256xf32, #tpu.memory_space<hbm>>
    %dma_start3A_1310 = arith.constant 0 : i32
    %dma_start3A_1311 = arith.constant 0 : i32
    %dma_start3A_1312 = tpu.memref_slice %arg8[%dma_start3A_1301, %dma_start3A_1310, %dma_start3A_1311] : memref<5x32x256xf32, #tpu.memory_space<vmem>> -> memref<1x32x256xf32, #tpu.memory_space<vmem>>
    %dma_start3A_1313 = tpu.memref_squeeze %dma_start3A_1312 : memref<1x32x256xf32, #tpu.memory_space<vmem>> -> memref<32x256xf32, #tpu.memory_space<vmem>>
    tpu.enqueue_dma source(%dma_start3A_1313 : memref<32x256xf32, #tpu.memory_space<vmem>>) target(%dma_start3A_1309 : memref<32x256xf32, #tpu.memory_space<hbm>>) target_semaphore(%arg19 : memref<!tpu.dma_semaphore, #tpu.memory_space<semaphore_mem>>)
    %dma_start3A_1314 = arith.constant 4 : i32
    %dma_start3A_1315 = arith.constant 0 : i32
    %dma_start3A_1316 = arith.constant 0 : i32
    %dma_start3A_1317 = tpu.memref_slice %arg9[%dma_start3A_1314, %dma_start3A_1315, %dma_start3A_1316] : memref<5x32x512xf32, #tpu.memory_space<vmem>> -> memref<1x32x512xf32, #tpu.memory_space<vmem>>
    %dma_start3A_1318 = tpu.memref_squeeze %dma_start3A_1317 : memref<1x32x512xf32, #tpu.memory_space<vmem>> -> memref<32x512xf32, #tpu.memory_space<vmem>>
    %dma_start3A_1319 = arith.constant 0 : i32
    %dma_start3A_1320 = tpu.memref_slice %arg6[%add3A_1300, %dma_start3A_1319] : memref<16384x512xf32, #tpu.memory_space<hbm>> -> memref<32x512xf32, #tpu.memory_space<hbm>>
    %dma_start3A_1321 = arith.constant 0 : i32
    %dma_start3A_1322 = tpu.memref_slice %arg6[%add3A_1300, %dma_start3A_1321] : memref<16384x512xf32, #tpu.memory_space<hbm>> -> memref<32x512xf32, #tpu.memory_space<hbm>>
    %dma_start3A_1323 = arith.constant 0 : i32
    %dma_start3A_1324 = arith.constant 0 : i32
    %dma_start3A_1325 = tpu.memref_slice %arg9[%dma_start3A_1314, %dma_start3A_1323, %dma_start3A_1324] : memref<5x32x512xf32, #tpu.memory_space<vmem>> -> memref<1x32x512xf32, #tpu.memory_space<vmem>>
    %dma_start3A_1326 = tpu.memref_squeeze %dma_start3A_1325 : memref<1x32x512xf32, #tpu.memory_space<vmem>> -> memref<32x512xf32, #tpu.memory_space<vmem>>
    tpu.enqueue_dma source(%dma_start3A_1326 : memref<32x512xf32, #tpu.memory_space<vmem>>) target(%dma_start3A_1322 : memref<32x512xf32, #tpu.memory_space<hbm>>) target_semaphore(%arg19 : memref<!tpu.dma_semaphore, #tpu.memory_space<semaphore_mem>>)
    %dma_wait3A_1327 = arith.constant 0 : i32
    %dma_wait3A_1328 = arith.constant 0 : i32
    %dma_wait3A_1329 = arith.constant 0 : i32
    %dma_wait3A_1330 = tpu.memref_slice %arg8[%dma_wait3A_1327, %dma_wait3A_1328, %dma_wait3A_1329] : memref<5x32x256xf32, #tpu.memory_space<vmem>> -> memref<1x32x256xf32, #tpu.memory_space<vmem>>
    %dma_wait3A_1331 = tpu.memref_squeeze %dma_wait3A_1330 : memref<1x32x256xf32, #tpu.memory_space<vmem>> -> memref<32x256xf32, #tpu.memory_space<vmem>>
    %dma_wait3A_1332 = arith.constant 480 : i32
    %dma_wait3A_1333 = tpu.memref_slice %arg7[%dma_wait3A_1332] : memref<512xi32, #tpu.memory_space<vmem>> -> memref<32xi32, #tpu.memory_space<vmem>>
    %dma_wait3A_1334 = arith.constant 0 : i32
    %dma_wait3A_1335 = arith.constant 0 : i32
    %dma_wait3A_1336 = tpu.memref_slice %arg2[%dma_wait3A_1334, %dma_wait3A_1335] : memref<100000x256xf32, #tpu.memory_space<hbm>> -> memref<100000x256xf32, #tpu.memory_space<hbm>>
    tpu.wait_indirect_dma semaphore(%arg10 : memref<!tpu.dma_semaphore, #tpu.memory_space<semaphore_mem>>) src(%dma_wait3A_1336 : memref<100000x256xf32, #tpu.memory_space<hbm>>) dst(%dma_wait3A_1331 : memref<32x256xf32, #tpu.memory_space<vmem>>)
    %dma_wait3A_1337 = arith.constant 0 : i32
    %dma_wait3A_1338 = arith.constant 0 : i32
    %dma_wait3A_1339 = arith.constant 0 : i32
    %dma_wait3A_1340 = tpu.memref_slice %arg9[%dma_wait3A_1337, %dma_wait3A_1338, %dma_wait3A_1339] : memref<5x32x512xf32, #tpu.memory_space<vmem>> -> memref<1x32x512xf32, #tpu.memory_space<vmem>>
    %dma_wait3A_1341 = tpu.memref_squeeze %dma_wait3A_1340 : memref<1x32x512xf32, #tpu.memory_space<vmem>> -> memref<32x512xf32, #tpu.memory_space<vmem>>
    %dma_wait3A_1342 = arith.constant 480 : i32
    %dma_wait3A_1343 = tpu.memref_slice %arg7[%dma_wait3A_1342] : memref<512xi32, #tpu.memory_space<vmem>> -> memref<32xi32, #tpu.memory_space<vmem>>
    %dma_wait3A_1344 = arith.constant 0 : i32
    %dma_wait3A_1345 = arith.constant 0 : i32
    %dma_wait3A_1346 = tpu.memref_slice %arg3[%dma_wait3A_1344, %dma_wait3A_1345] : memref<100000x512xf32, #tpu.memory_space<hbm>> -> memref<100000x512xf32, #tpu.memory_space<hbm>>
    tpu.wait_indirect_dma semaphore(%arg10 : memref<!tpu.dma_semaphore, #tpu.memory_space<semaphore_mem>>) src(%dma_wait3A_1346 : memref<100000x512xf32, #tpu.memory_space<hbm>>) dst(%dma_wait3A_1341 : memref<32x512xf32, #tpu.memory_space<vmem>>)
    %add3A_1347 = arith.constant 480 : i32
    %add3A_1348 = arith.addi %mul3A_2, %add3A_1347 : i32
    %dma_start3A_1349 = arith.constant 0 : i32
    %dma_start3A_1350 = arith.constant 0 : i32
    %dma_start3A_1351 = arith.constant 0 : i32
    %dma_start3A_1352 = tpu.memref_slice %arg8[%dma_start3A_1349, %dma_start3A_1350, %dma_start3A_1351] : memref<5x32x256xf32, #tpu.memory_space<vmem>> -> memref<1x32x256xf32, #tpu.memory_space<vmem>>
    %dma_start3A_1353 = tpu.memref_squeeze %dma_start3A_1352 : memref<1x32x256xf32, #tpu.memory_space<vmem>> -> memref<32x256xf32, #tpu.memory_space<vmem>>
    %dma_start3A_1354 = arith.constant 0 : i32
    %dma_start3A_1355 = tpu.memref_slice %arg5[%add3A_1348, %dma_start3A_1354] : memref<16384x256xf32, #tpu.memory_space<hbm>> -> memref<32x256xf32, #tpu.memory_space<hbm>>
    %dma_start3A_1356 = arith.constant 0 : i32
    %dma_start3A_1357 = tpu.memref_slice %arg5[%add3A_1348, %dma_start3A_1356] : memref<16384x256xf32, #tpu.memory_space<hbm>> -> memref<32x256xf32, #tpu.memory_space<hbm>>
    %dma_start3A_1358 = arith.constant 0 : i32
    %dma_start3A_1359 = arith.constant 0 : i32
    %dma_start3A_1360 = tpu.memref_slice %arg8[%dma_start3A_1349, %dma_start3A_1358, %dma_start3A_1359] : memref<5x32x256xf32, #tpu.memory_space<vmem>> -> memref<1x32x256xf32, #tpu.memory_space<vmem>>
    %dma_start3A_1361 = tpu.memref_squeeze %dma_start3A_1360 : memref<1x32x256xf32, #tpu.memory_space<vmem>> -> memref<32x256xf32, #tpu.memory_space<vmem>>
    tpu.enqueue_dma source(%dma_start3A_1361 : memref<32x256xf32, #tpu.memory_space<vmem>>) target(%dma_start3A_1357 : memref<32x256xf32, #tpu.memory_space<hbm>>) target_semaphore(%arg15 : memref<!tpu.dma_semaphore, #tpu.memory_space<semaphore_mem>>)
    %dma_start3A_1362 = arith.constant 0 : i32
    %dma_start3A_1363 = arith.constant 0 : i32
    %dma_start3A_1364 = arith.constant 0 : i32
    %dma_start3A_1365 = tpu.memref_slice %arg9[%dma_start3A_1362, %dma_start3A_1363, %dma_start3A_1364] : memref<5x32x512xf32, #tpu.memory_space<vmem>> -> memref<1x32x512xf32, #tpu.memory_space<vmem>>
    %dma_start3A_1366 = tpu.memref_squeeze %dma_start3A_1365 : memref<1x32x512xf32, #tpu.memory_space<vmem>> -> memref<32x512xf32, #tpu.memory_space<vmem>>
    %dma_start3A_1367 = arith.constant 0 : i32
    %dma_start3A_1368 = tpu.memref_slice %arg6[%add3A_1348, %dma_start3A_1367] : memref<16384x512xf32, #tpu.memory_space<hbm>> -> memref<32x512xf32, #tpu.memory_space<hbm>>
    %dma_start3A_1369 = arith.constant 0 : i32
    %dma_start3A_1370 = tpu.memref_slice %arg6[%add3A_1348, %dma_start3A_1369] : memref<16384x512xf32, #tpu.memory_space<hbm>> -> memref<32x512xf32, #tpu.memory_space<hbm>>
    %dma_start3A_1371 = arith.constant 0 : i32
    %dma_start3A_1372 = arith.constant 0 : i32
    %dma_start3A_1373 = tpu.memref_slice %arg9[%dma_start3A_1362, %dma_start3A_1371, %dma_start3A_1372] : memref<5x32x512xf32, #tpu.memory_space<vmem>> -> memref<1x32x512xf32, #tpu.memory_space<vmem>>
    %dma_start3A_1374 = tpu.memref_squeeze %dma_start3A_1373 : memref<1x32x512xf32, #tpu.memory_space<vmem>> -> memref<32x512xf32, #tpu.memory_space<vmem>>
    tpu.enqueue_dma source(%dma_start3A_1374 : memref<32x512xf32, #tpu.memory_space<vmem>>) target(%dma_start3A_1370 : memref<32x512xf32, #tpu.memory_space<hbm>>) target_semaphore(%arg15 : memref<!tpu.dma_semaphore, #tpu.memory_space<semaphore_mem>>)
    %dma_wait3A_1375 = arith.constant 0 : i32
    %dma_wait3A_1376 = arith.constant 0 : i32
    %dma_wait3A_1377 = arith.constant 0 : i32
    %dma_wait3A_1378 = tpu.memref_slice %arg8[%dma_wait3A_1375, %dma_wait3A_1376, %dma_wait3A_1377] : memref<5x32x256xf32, #tpu.memory_space<vmem>> -> memref<1x32x256xf32, #tpu.memory_space<vmem>>
    %dma_wait3A_1379 = tpu.memref_squeeze %dma_wait3A_1378 : memref<1x32x256xf32, #tpu.memory_space<vmem>> -> memref<32x256xf32, #tpu.memory_space<vmem>>
    %dma_wait3A_1380 = arith.constant 0 : i32
    %dma_wait3A_1381 = tpu.memref_slice %arg5[%add3A_1348, %dma_wait3A_1380] : memref<16384x256xf32, #tpu.memory_space<hbm>> -> memref<32x256xf32, #tpu.memory_space<hbm>>
    %dma_wait3A_1382 = arith.constant 0 : i32
    %dma_wait3A_1383 = tpu.memref_slice %arg5[%add3A_1348, %dma_wait3A_1382] : memref<16384x256xf32, #tpu.memory_space<hbm>> -> memref<32x256xf32, #tpu.memory_space<hbm>>
    %dma_wait3A_1384 = arith.constant 0 : i32
    %dma_wait3A_1385 = arith.constant 0 : i32
    %dma_wait3A_1386 = tpu.memref_slice %arg8[%dma_wait3A_1375, %dma_wait3A_1384, %dma_wait3A_1385] : memref<5x32x256xf32, #tpu.memory_space<vmem>> -> memref<1x32x256xf32, #tpu.memory_space<vmem>>
    %dma_wait3A_1387 = tpu.memref_squeeze %dma_wait3A_1386 : memref<1x32x256xf32, #tpu.memory_space<vmem>> -> memref<32x256xf32, #tpu.memory_space<vmem>>
    tpu.wait_dma2 semaphore(%arg15 : memref<!tpu.dma_semaphore, #tpu.memory_space<semaphore_mem>>) src(%dma_wait3A_1387 : memref<32x256xf32, #tpu.memory_space<vmem>>) dst(%dma_wait3A_1383 : memref<32x256xf32, #tpu.memory_space<hbm>>)
    %dma_wait3A_1388 = arith.constant 0 : i32
    %dma_wait3A_1389 = arith.constant 0 : i32
    %dma_wait3A_1390 = arith.constant 0 : i32
    %dma_wait3A_1391 = tpu.memref_slice %arg9[%dma_wait3A_1388, %dma_wait3A_1389, %dma_wait3A_1390] : memref<5x32x512xf32, #tpu.memory_space<vmem>> -> memref<1x32x512xf32, #tpu.memory_space<vmem>>
    %dma_wait3A_1392 = tpu.memref_squeeze %dma_wait3A_1391 : memref<1x32x512xf32, #tpu.memory_space<vmem>> -> memref<32x512xf32, #tpu.memory_space<vmem>>
    %dma_wait3A_1393 = arith.constant 0 : i32
    %dma_wait3A_1394 = tpu.memref_slice %arg6[%add3A_1348, %dma_wait3A_1393] : memref<16384x512xf32, #tpu.memory_space<hbm>> -> memref<32x512xf32, #tpu.memory_space<hbm>>
    %dma_wait3A_1395 = arith.constant 0 : i32
    %dma_wait3A_1396 = tpu.memref_slice %arg6[%add3A_1348, %dma_wait3A_1395] : memref<16384x512xf32, #tpu.memory_space<hbm>> -> memref<32x512xf32, #tpu.memory_space<hbm>>
    %dma_wait3A_1397 = arith.constant 0 : i32
    %dma_wait3A_1398 = arith.constant 0 : i32
    %dma_wait3A_1399 = tpu.memref_slice %arg9[%dma_wait3A_1388, %dma_wait3A_1397, %dma_wait3A_1398] : memref<5x32x512xf32, #tpu.memory_space<vmem>> -> memref<1x32x512xf32, #tpu.memory_space<vmem>>
    %dma_wait3A_1400 = tpu.memref_squeeze %dma_wait3A_1399 : memref<1x32x512xf32, #tpu.memory_space<vmem>> -> memref<32x512xf32, #tpu.memory_space<vmem>>
    tpu.wait_dma2 semaphore(%arg15 : memref<!tpu.dma_semaphore, #tpu.memory_space<semaphore_mem>>) src(%dma_wait3A_1400 : memref<32x512xf32, #tpu.memory_space<vmem>>) dst(%dma_wait3A_1396 : memref<32x512xf32, #tpu.memory_space<hbm>>)
    %dma_wait3A_1401 = arith.constant 1 : i32
    %dma_wait3A_1402 = arith.constant 0 : i32
    %dma_wait3A_1403 = arith.constant 0 : i32
    %dma_wait3A_1404 = tpu.memref_slice %arg8[%dma_wait3A_1401, %dma_wait3A_1402, %dma_wait3A_1403] : memref<5x32x256xf32, #tpu.memory_space<vmem>> -> memref<1x32x256xf32, #tpu.memory_space<vmem>>
    %dma_wait3A_1405 = tpu.memref_squeeze %dma_wait3A_1404 : memref<1x32x256xf32, #tpu.memory_space<vmem>> -> memref<32x256xf32, #tpu.memory_space<vmem>>
    %dma_wait3A_1406 = arith.constant 0 : i32
    %dma_wait3A_1407 = tpu.memref_slice %arg5[%add3A_1156, %dma_wait3A_1406] : memref<16384x256xf32, #tpu.memory_space<hbm>> -> memref<32x256xf32, #tpu.memory_space<hbm>>
    %dma_wait3A_1408 = arith.constant 0 : i32
    %dma_wait3A_1409 = tpu.memref_slice %arg5[%add3A_1156, %dma_wait3A_1408] : memref<16384x256xf32, #tpu.memory_space<hbm>> -> memref<32x256xf32, #tpu.memory_space<hbm>>
    %dma_wait3A_1410 = arith.constant 0 : i32
    %dma_wait3A_1411 = arith.constant 0 : i32
    %dma_wait3A_1412 = tpu.memref_slice %arg8[%dma_wait3A_1401, %dma_wait3A_1410, %dma_wait3A_1411] : memref<5x32x256xf32, #tpu.memory_space<vmem>> -> memref<1x32x256xf32, #tpu.memory_space<vmem>>
    %dma_wait3A_1413 = tpu.memref_squeeze %dma_wait3A_1412 : memref<1x32x256xf32, #tpu.memory_space<vmem>> -> memref<32x256xf32, #tpu.memory_space<vmem>>
    tpu.wait_dma2 semaphore(%arg16 : memref<!tpu.dma_semaphore, #tpu.memory_space<semaphore_mem>>) src(%dma_wait3A_1413 : memref<32x256xf32, #tpu.memory_space<vmem>>) dst(%dma_wait3A_1409 : memref<32x256xf32, #tpu.memory_space<hbm>>)
    %dma_wait3A_1414 = arith.constant 1 : i32
    %dma_wait3A_1415 = arith.constant 0 : i32
    %dma_wait3A_1416 = arith.constant 0 : i32
    %dma_wait3A_1417 = tpu.memref_slice %arg9[%dma_wait3A_1414, %dma_wait3A_1415, %dma_wait3A_1416] : memref<5x32x512xf32, #tpu.memory_space<vmem>> -> memref<1x32x512xf32, #tpu.memory_space<vmem>>
    %dma_wait3A_1418 = tpu.memref_squeeze %dma_wait3A_1417 : memref<1x32x512xf32, #tpu.memory_space<vmem>> -> memref<32x512xf32, #tpu.memory_space<vmem>>
    %dma_wait3A_1419 = arith.constant 0 : i32
    %dma_wait3A_1420 = tpu.memref_slice %arg6[%add3A_1156, %dma_wait3A_1419] : memref<16384x512xf32, #tpu.memory_space<hbm>> -> memref<32x512xf32, #tpu.memory_space<hbm>>
    %dma_wait3A_1421 = arith.constant 0 : i32
    %dma_wait3A_1422 = tpu.memref_slice %arg6[%add3A_1156, %dma_wait3A_1421] : memref<16384x512xf32, #tpu.memory_space<hbm>> -> memref<32x512xf32, #tpu.memory_space<hbm>>
    %dma_wait3A_1423 = arith.constant 0 : i32
    %dma_wait3A_1424 = arith.constant 0 : i32
    %dma_wait3A_1425 = tpu.memref_slice %arg9[%dma_wait3A_1414, %dma_wait3A_1423, %dma_wait3A_1424] : memref<5x32x512xf32, #tpu.memory_space<vmem>> -> memref<1x32x512xf32, #tpu.memory_space<vmem>>
    %dma_wait3A_1426 = tpu.memref_squeeze %dma_wait3A_1425 : memref<1x32x512xf32, #tpu.memory_space<vmem>> -> memref<32x512xf32, #tpu.memory_space<vmem>>
    tpu.wait_dma2 semaphore(%arg16 : memref<!tpu.dma_semaphore, #tpu.memory_space<semaphore_mem>>) src(%dma_wait3A_1426 : memref<32x512xf32, #tpu.memory_space<vmem>>) dst(%dma_wait3A_1422 : memref<32x512xf32, #tpu.memory_space<hbm>>)
    %dma_wait3A_1427 = arith.constant 2 : i32
    %dma_wait3A_1428 = arith.constant 0 : i32
    %dma_wait3A_1429 = arith.constant 0 : i32
    %dma_wait3A_1430 = tpu.memref_slice %arg8[%dma_wait3A_1427, %dma_wait3A_1428, %dma_wait3A_1429] : memref<5x32x256xf32, #tpu.memory_space<vmem>> -> memref<1x32x256xf32, #tpu.memory_space<vmem>>
    %dma_wait3A_1431 = tpu.memref_squeeze %dma_wait3A_1430 : memref<1x32x256xf32, #tpu.memory_space<vmem>> -> memref<32x256xf32, #tpu.memory_space<vmem>>
    %dma_wait3A_1432 = arith.constant 0 : i32
    %dma_wait3A_1433 = tpu.memref_slice %arg5[%add3A_1204, %dma_wait3A_1432] : memref<16384x256xf32, #tpu.memory_space<hbm>> -> memref<32x256xf32, #tpu.memory_space<hbm>>
    %dma_wait3A_1434 = arith.constant 0 : i32
    %dma_wait3A_1435 = tpu.memref_slice %arg5[%add3A_1204, %dma_wait3A_1434] : memref<16384x256xf32, #tpu.memory_space<hbm>> -> memref<32x256xf32, #tpu.memory_space<hbm>>
    %dma_wait3A_1436 = arith.constant 0 : i32
    %dma_wait3A_1437 = arith.constant 0 : i32
    %dma_wait3A_1438 = tpu.memref_slice %arg8[%dma_wait3A_1427, %dma_wait3A_1436, %dma_wait3A_1437] : memref<5x32x256xf32, #tpu.memory_space<vmem>> -> memref<1x32x256xf32, #tpu.memory_space<vmem>>
    %dma_wait3A_1439 = tpu.memref_squeeze %dma_wait3A_1438 : memref<1x32x256xf32, #tpu.memory_space<vmem>> -> memref<32x256xf32, #tpu.memory_space<vmem>>
    tpu.wait_dma2 semaphore(%arg17 : memref<!tpu.dma_semaphore, #tpu.memory_space<semaphore_mem>>) src(%dma_wait3A_1439 : memref<32x256xf32, #tpu.memory_space<vmem>>) dst(%dma_wait3A_1435 : memref<32x256xf32, #tpu.memory_space<hbm>>)
    %dma_wait3A_1440 = arith.constant 2 : i32
    %dma_wait3A_1441 = arith.constant 0 : i32
    %dma_wait3A_1442 = arith.constant 0 : i32
    %dma_wait3A_1443 = tpu.memref_slice %arg9[%dma_wait3A_1440, %dma_wait3A_1441, %dma_wait3A_1442] : memref<5x32x512xf32, #tpu.memory_space<vmem>> -> memref<1x32x512xf32, #tpu.memory_space<vmem>>
    %dma_wait3A_1444 = tpu.memref_squeeze %dma_wait3A_1443 : memref<1x32x512xf32, #tpu.memory_space<vmem>> -> memref<32x512xf32, #tpu.memory_space<vmem>>
    %dma_wait3A_1445 = arith.constant 0 : i32
    %dma_wait3A_1446 = tpu.memref_slice %arg6[%add3A_1204, %dma_wait3A_1445] : memref<16384x512xf32, #tpu.memory_space<hbm>> -> memref<32x512xf32, #tpu.memory_space<hbm>>
    %dma_wait3A_1447 = arith.constant 0 : i32
    %dma_wait3A_1448 = tpu.memref_slice %arg6[%add3A_1204, %dma_wait3A_1447] : memref<16384x512xf32, #tpu.memory_space<hbm>> -> memref<32x512xf32, #tpu.memory_space<hbm>>
    %dma_wait3A_1449 = arith.constant 0 : i32
    %dma_wait3A_1450 = arith.constant 0 : i32
    %dma_wait3A_1451 = tpu.memref_slice %arg9[%dma_wait3A_1440, %dma_wait3A_1449, %dma_wait3A_1450] : memref<5x32x512xf32, #tpu.memory_space<vmem>> -> memref<1x32x512xf32, #tpu.memory_space<vmem>>
    %dma_wait3A_1452 = tpu.memref_squeeze %dma_wait3A_1451 : memref<1x32x512xf32, #tpu.memory_space<vmem>> -> memref<32x512xf32, #tpu.memory_space<vmem>>
    tpu.wait_dma2 semaphore(%arg17 : memref<!tpu.dma_semaphore, #tpu.memory_space<semaphore_mem>>) src(%dma_wait3A_1452 : memref<32x512xf32, #tpu.memory_space<vmem>>) dst(%dma_wait3A_1448 : memref<32x512xf32, #tpu.memory_space<hbm>>)
    %dma_wait3A_1453 = arith.constant 3 : i32
    %dma_wait3A_1454 = arith.constant 0 : i32
    %dma_wait3A_1455 = arith.constant 0 : i32
    %dma_wait3A_1456 = tpu.memref_slice %arg8[%dma_wait3A_1453, %dma_wait3A_1454, %dma_wait3A_1455] : memref<5x32x256xf32, #tpu.memory_space<vmem>> -> memref<1x32x256xf32, #tpu.memory_space<vmem>>
    %dma_wait3A_1457 = tpu.memref_squeeze %dma_wait3A_1456 : memref<1x32x256xf32, #tpu.memory_space<vmem>> -> memref<32x256xf32, #tpu.memory_space<vmem>>
    %dma_wait3A_1458 = arith.constant 0 : i32
    %dma_wait3A_1459 = tpu.memref_slice %arg5[%add3A_1252, %dma_wait3A_1458] : memref<16384x256xf32, #tpu.memory_space<hbm>> -> memref<32x256xf32, #tpu.memory_space<hbm>>
    %dma_wait3A_1460 = arith.constant 0 : i32
    %dma_wait3A_1461 = tpu.memref_slice %arg5[%add3A_1252, %dma_wait3A_1460] : memref<16384x256xf32, #tpu.memory_space<hbm>> -> memref<32x256xf32, #tpu.memory_space<hbm>>
    %dma_wait3A_1462 = arith.constant 0 : i32
    %dma_wait3A_1463 = arith.constant 0 : i32
    %dma_wait3A_1464 = tpu.memref_slice %arg8[%dma_wait3A_1453, %dma_wait3A_1462, %dma_wait3A_1463] : memref<5x32x256xf32, #tpu.memory_space<vmem>> -> memref<1x32x256xf32, #tpu.memory_space<vmem>>
    %dma_wait3A_1465 = tpu.memref_squeeze %dma_wait3A_1464 : memref<1x32x256xf32, #tpu.memory_space<vmem>> -> memref<32x256xf32, #tpu.memory_space<vmem>>
    tpu.wait_dma2 semaphore(%arg18 : memref<!tpu.dma_semaphore, #tpu.memory_space<semaphore_mem>>) src(%dma_wait3A_1465 : memref<32x256xf32, #tpu.memory_space<vmem>>) dst(%dma_wait3A_1461 : memref<32x256xf32, #tpu.memory_space<hbm>>)
    %dma_wait3A_1466 = arith.constant 3 : i32
    %dma_wait3A_1467 = arith.constant 0 : i32
    %dma_wait3A_1468 = arith.constant 0 : i32
    %dma_wait3A_1469 = tpu.memref_slice %arg9[%dma_wait3A_1466, %dma_wait3A_1467, %dma_wait3A_1468] : memref<5x32x512xf32, #tpu.memory_space<vmem>> -> memref<1x32x512xf32, #tpu.memory_space<vmem>>
    %dma_wait3A_1470 = tpu.memref_squeeze %dma_wait3A_1469 : memref<1x32x512xf32, #tpu.memory_space<vmem>> -> memref<32x512xf32, #tpu.memory_space<vmem>>
    %dma_wait3A_1471 = arith.constant 0 : i32
    %dma_wait3A_1472 = tpu.memref_slice %arg6[%add3A_1252, %dma_wait3A_1471] : memref<16384x512xf32, #tpu.memory_space<hbm>> -> memref<32x512xf32, #tpu.memory_space<hbm>>
    %dma_wait3A_1473 = arith.constant 0 : i32
    %dma_wait3A_1474 = tpu.memref_slice %arg6[%add3A_1252, %dma_wait3A_1473] : memref<16384x512xf32, #tpu.memory_space<hbm>> -> memref<32x512xf32, #tpu.memory_space<hbm>>
    %dma_wait3A_1475 = arith.constant 0 : i32
    %dma_wait3A_1476 = arith.constant 0 : i32
    %dma_wait3A_1477 = tpu.memref_slice %arg9[%dma_wait3A_1466, %dma_wait3A_1475, %dma_wait3A_1476] : memref<5x32x512xf32, #tpu.memory_space<vmem>> -> memref<1x32x512xf32, #tpu.memory_space<vmem>>
    %dma_wait3A_1478 = tpu.memref_squeeze %dma_wait3A_1477 : memref<1x32x512xf32, #tpu.memory_space<vmem>> -> memref<32x512xf32, #tpu.memory_space<vmem>>
    tpu.wait_dma2 semaphore(%arg18 : memref<!tpu.dma_semaphore, #tpu.memory_space<semaphore_mem>>) src(%dma_wait3A_1478 : memref<32x512xf32, #tpu.memory_space<vmem>>) dst(%dma_wait3A_1474 : memref<32x512xf32, #tpu.memory_space<hbm>>)
    %dma_wait3A_1479 = arith.constant 4 : i32
    %dma_wait3A_1480 = arith.constant 0 : i32
    %dma_wait3A_1481 = arith.constant 0 : i32
    %dma_wait3A_1482 = tpu.memref_slice %arg8[%dma_wait3A_1479, %dma_wait3A_1480, %dma_wait3A_1481] : memref<5x32x256xf32, #tpu.memory_space<vmem>> -> memref<1x32x256xf32, #tpu.memory_space<vmem>>
    %dma_wait3A_1483 = tpu.memref_squeeze %dma_wait3A_1482 : memref<1x32x256xf32, #tpu.memory_space<vmem>> -> memref<32x256xf32, #tpu.memory_space<vmem>>
    %dma_wait3A_1484 = arith.constant 0 : i32
    %dma_wait3A_1485 = tpu.memref_slice %arg5[%add3A_1300, %dma_wait3A_1484] : memref<16384x256xf32, #tpu.memory_space<hbm>> -> memref<32x256xf32, #tpu.memory_space<hbm>>
    %dma_wait3A_1486 = arith.constant 0 : i32
    %dma_wait3A_1487 = tpu.memref_slice %arg5[%add3A_1300, %dma_wait3A_1486] : memref<16384x256xf32, #tpu.memory_space<hbm>> -> memref<32x256xf32, #tpu.memory_space<hbm>>
    %dma_wait3A_1488 = arith.constant 0 : i32
    %dma_wait3A_1489 = arith.constant 0 : i32
    %dma_wait3A_1490 = tpu.memref_slice %arg8[%dma_wait3A_1479, %dma_wait3A_1488, %dma_wait3A_1489] : memref<5x32x256xf32, #tpu.memory_space<vmem>> -> memref<1x32x256xf32, #tpu.memory_space<vmem>>
    %dma_wait3A_1491 = tpu.memref_squeeze %dma_wait3A_1490 : memref<1x32x256xf32, #tpu.memory_space<vmem>> -> memref<32x256xf32, #tpu.memory_space<vmem>>
    tpu.wait_dma2 semaphore(%arg19 : memref<!tpu.dma_semaphore, #tpu.memory_space<semaphore_mem>>) src(%dma_wait3A_1491 : memref<32x256xf32, #tpu.memory_space<vmem>>) dst(%dma_wait3A_1487 : memref<32x256xf32, #tpu.memory_space<hbm>>)
    %dma_wait3A_1492 = arith.constant 4 : i32
    %dma_wait3A_1493 = arith.constant 0 : i32
    %dma_wait3A_1494 = arith.constant 0 : i32
    %dma_wait3A_1495 = tpu.memref_slice %arg9[%dma_wait3A_1492, %dma_wait3A_1493, %dma_wait3A_1494] : memref<5x32x512xf32, #tpu.memory_space<vmem>> -> memref<1x32x512xf32, #tpu.memory_space<vmem>>
    %dma_wait3A_1496 = tpu.memref_squeeze %dma_wait3A_1495 : memref<1x32x512xf32, #tpu.memory_space<vmem>> -> memref<32x512xf32, #tpu.memory_space<vmem>>
    %dma_wait3A_1497 = arith.constant 0 : i32
    %dma_wait3A_1498 = tpu.memref_slice %arg6[%add3A_1300, %dma_wait3A_1497] : memref<16384x512xf32, #tpu.memory_space<hbm>> -> memref<32x512xf32, #tpu.memory_space<hbm>>
    %dma_wait3A_1499 = arith.constant 0 : i32
    %dma_wait3A_1500 = tpu.memref_slice %arg6[%add3A_1300, %dma_wait3A_1499] : memref<16384x512xf32, #tpu.memory_space<hbm>> -> memref<32x512xf32, #tpu.memory_space<hbm>>
    %dma_wait3A_1501 = arith.constant 0 : i32
    %dma_wait3A_1502 = arith.constant 0 : i32
    %dma_wait3A_1503 = tpu.memref_slice %arg9[%dma_wait3A_1492, %dma_wait3A_1501, %dma_wait3A_1502] : memref<5x32x512xf32, #tpu.memory_space<vmem>> -> memref<1x32x512xf32, #tpu.memory_space<vmem>>
    %dma_wait3A_1504 = tpu.memref_squeeze %dma_wait3A_1503 : memref<1x32x512xf32, #tpu.memory_space<vmem>> -> memref<32x512xf32, #tpu.memory_space<vmem>>
    tpu.wait_dma2 semaphore(%arg19 : memref<!tpu.dma_semaphore, #tpu.memory_space<semaphore_mem>>) src(%dma_wait3A_1504 : memref<32x512xf32, #tpu.memory_space<vmem>>) dst(%dma_wait3A_1500 : memref<32x512xf32, #tpu.memory_space<hbm>>)
    return
  }
}

module attributes {stable_mosaic.version = 14 : i64} {
  func.func @_mm_body(%arg0: i32, %arg1: memref<4096x256xf32, #tpu.memory_space<vmem>>, %arg2: memref<4096x512xf32, #tpu.memory_space<vmem>>, %arg3: memref<256x256xf32, #tpu.memory_space<vmem>>, %arg4: memref<512x256xf32, #tpu.memory_space<vmem>>, %arg5: memref<4096x256xf32, #tpu.memory_space<vmem>>) attributes {dimension_semantics = [#tpu.dimension_semantics<arbitrary>], iteration_bounds = array<i64: 4>, scalar_prefetch = 0 : i64, scratch_operands = 0 : i64, tpu.core_type = #tpu.core_type<tc>, window_params = [{transform_indices = @transform_0, window_bounds = array<i64: 4096, 256>}, {transform_indices = @transform_1, window_bounds = array<i64: 4096, 512>}, {pipeline_mode = #tpu.pipeline_mode<synchronous>, transform_indices = @transform_2, window_bounds = array<i64: 256, 256>}, {pipeline_mode = #tpu.pipeline_mode<synchronous>, transform_indices = @transform_3, window_bounds = array<i64: 512, 256>}, {transform_indices = @transform_4, window_bounds = array<i64: 4096, 256>}]} {
    %get3A = arith.constant 0 : index
    %get3A_0 = arith.constant 0 : index
    %get3A_1 = vector.load %arg1[%get3A, %get3A_0] : memref<4096x256xf32, #tpu.memory_space<vmem>>, vector<4096x256xf32>
    %get3A_2 = arith.constant 0 : index
    %get3A_3 = arith.constant 0 : index
    %get3A_4 = vector.load %arg3[%get3A_2, %get3A_3] : memref<256x256xf32, #tpu.memory_space<vmem>>, vector<256x256xf32>
    %dot_general3A = arith.constant dense<0.000000e+00> : vector<4096x256xf32>
    %dot_general3A_5 = tpu.matmul %get3A_1, %get3A_4, %dot_general3A {dimension_numbers = #tpu.dot_dimension_numbers<[1], [0], [0], [1], [0, 0, 1, 1], [], []>, transpose_lhs_hint = false} : vector<4096x256xf32>, vector<256x256xf32>, vector<4096x256xf32> -> vector<4096x256xf32>
    %get3A_6 = arith.constant 0 : index
    %get3A_7 = arith.constant 0 : index
    %get3A_8 = vector.load %arg2[%get3A_6, %get3A_7] : memref<4096x512xf32, #tpu.memory_space<vmem>>, vector<4096x512xf32>
    %get3A_9 = arith.constant 0 : index
    %get3A_10 = arith.constant 0 : index
    %get3A_11 = vector.load %arg4[%get3A_9, %get3A_10] : memref<512x256xf32, #tpu.memory_space<vmem>>, vector<512x256xf32>
    %dot_general3A_12 = arith.constant dense<0.000000e+00> : vector<4096x256xf32>
    %dot_general3A_13 = tpu.matmul %get3A_8, %get3A_11, %dot_general3A_12 {dimension_numbers = #tpu.dot_dimension_numbers<[1], [0], [0], [1], [0, 0, 1, 1], [], []>, transpose_lhs_hint = false} : vector<4096x512xf32>, vector<512x256xf32>, vector<4096x256xf32> -> vector<4096x256xf32>
    %add3A = arith.addf %dot_general3A_5, %dot_general3A_13 : vector<4096x256xf32>
    %swap3A = arith.constant 0 : index
    %swap3A_14 = arith.constant 0 : index
    %swap3A_15 = vector.load %arg5[%swap3A, %swap3A_14] : memref<4096x256xf32, #tpu.memory_space<vmem>>, vector<4096x256xf32>
    tpu.vector_store %arg5[%swap3A, %swap3A_14], %add3A {strides = array<i32>} : memref<4096x256xf32, #tpu.memory_space<vmem>>, vector<4096x256xf32>,
    return
  }
  func.func @transform_0(%arg0: i32) -> (i32, i32) {
    %c0_i32 = arith.constant 0 : i32
    %c0_i32_0 = arith.constant 0 : i32
    return %arg0, %c0_i32 : i32, i32
  }
  func.func @transform_1(%arg0: i32) -> (i32, i32) {
    %c0_i32 = arith.constant 0 : i32
    %c0_i32_0 = arith.constant 0 : i32
    return %arg0, %c0_i32 : i32, i32
  }
  func.func @transform_2(%arg0: i32) -> (i32, i32) {
    %c0_i32 = arith.constant 0 : i32
    %c0_i32_0 = arith.constant 0 : i32
    %c0_i32_1 = arith.constant 0 : i32
    return %c0_i32, %c0_i32_0 : i32, i32
  }
  func.func @transform_3(%arg0: i32) -> (i32, i32) {
    %c0_i32 = arith.constant 0 : i32
    %c0_i32_0 = arith.constant 0 : i32
    %c0_i32_1 = arith.constant 0 : i32
    return %c0_i32, %c0_i32_0 : i32, i32
  }
  func.func @transform_4(%arg0: i32) -> (i32, i32) {
    %c0_i32 = arith.constant 0 : i32
    %c0_i32_0 = arith.constant 0 : i32
    return %arg0, %c0_i32 : i32, i32
  }
}

</mosaic_0001>

<sc_bundles>
// kernel: kernel.4.cloned.1.call-start
scs
__scs_entry_jumppad:
0x0: {  	(pc) =	sbr.rel $0x88, $3  }
0x1: {  	(tag) =	ssettag $0x0;
	lr =	simm.s32 $0x1  }
0x2: {  	[smem:$0x3F9C] =	sst lr;
	_ =	strace $0xD0000000  }
0x3: {  	_ = 	snop  }
0x4: {  	_ = 	snop  }
0x5: {  	_ = 	snop  }
0x6: {  	_ = 	snop  }
0x7: {  	_ = 	snop  }
__scs_overlays_trampoline_lowered:
0x8: {  	[smem:$0x3FAB] =	sst s0  }
0x9: {  	[smem:$0x3FAC] =	sst s1  }
0xa: {  	[smem:$0x3FAD] =	sst s2  }
0xb: {  	[smem:$0x3FAE] =	sst s3  }
0xc: {  	[smem:$0x3FAF] =	sst s4  }
0xd: {  	[smem:$0x3FB0] =	sst s5  }
0xe: {  	[smem:$0x3FB1] =	sst s6  }
0xf: {  	[smem:$0x3FB2] =	sst s7  }
0x10: {  	[smem:$0x3FB3] =	sst s8  }
0x11: {  	[smem:$0x3FB4] =	sst s9;
	s0 =	simm.s32 @!p0 $0x0  }
0x12: {  	s1 =	sld [smem:$0x3F9A];
	s0 =	simm.s32 @p0 $0x1  }
0x13: {  	[smem:$0x3FB5] =	sst s0;
	s0 =	simm.s32 @!p1 $0x0  }
0x14: {  	s2 =	sld [smem:$0x3F99];
	s0 =	simm.s32 @p1 $0x1  }
0x15: {  	[smem:$0x3FB6] =	sst s0;
	s0 =	simm.s32 @!p2 $0x0  }
0x16: {  	s3 =	sld [smem:$0x3FDB];
	s0 =	simm.s32 @p2 $0x1  }
0x17: {  	s4 =	simm.s32 $0x1BF5;
	[smem:$0x3FB8] =	sst s0  }
0x18: {  	s0 =	sld [smem:$0x3F9B];
	_ =	swait.ge [sflag:s4], $0x0  }
0x19: {  	s7 =	sld [smem:$0x3F9C]  }
0x1a: {  	s8 =	sadd.s32 $0xFFFFE003, lr  }
0x1b: {  	s9 =	sadd.s32 $0xFFFFFEF7, lr;
	s5 =	simm.s32 $0xFFFFFFFF;
	p2 =	slt.u32 s8, $0xFFFFF086  }
0x1c: {  	p1 =	slt.u32 s9, $0xF7A;
	s5 =	simm.s32 @!p2 $0x0  }
0x1d: {  	s5 =	simm.s32 @p1 $0x1;
	p0 =	seq.s32 s7, s2  }
0x1e: {  	s7 =	smul.u32 @!p0 $0xF7A, s2;
	p2 =	seq.s32 @!p0 s5, $0x0  }
0x1f: {  	s9 =	smul.u32 $0xF7A, s1;
	s8 =	simm.s32 @!p0 $0x1BF5;
	p2 =	por !p2, p0  }
0x20: {  	[sflag:s8] =	ssyncset.s32 @!p0 $0xFFFFF086;
	s6 =	sadd.s32 @!p0 s3, s7;
	s7 =	simm.s32 @!p0 $0x108  }
0x21: {  	s3 =	sadd.s32 s3, s9;
	s6 =	sadd.s32 @!p0 $0x88, s6;
	s7 =	simm.s32 @p2 $0x1082  }
0x22: {  	[simem:s7], [sflag:s8] =	dma.local @!p0 [hbm:s6], $0xF7A  }
0x23: {  	s9 =	sor.u32 $0xD0000000, s2;
	s6 =	simm.s32 $0x108;
	_ =	swait.ge @!p0 [sflag:s8], $0x0  }
0x24: {  	s3 =	sadd.s32 $0x88, s3;
	s6 =	simm.s32 @!p1 $0x1082;
	[sflag:s4] =	ssyncset.s32 $0xFFFFF086  }
0x25: {  	[simem:s6], [sflag:s4] =	dma.local [hbm:s3], $0xF7A  }
0x26: {  	[smem:$0x3F9C] =	sst s1;
	(tag) =	ssettag s2;
	_ =	strace s9  }
0x27: {  	s1 =	sld [smem:$0x3FAC]  }
0x28: {  	s2 =	sld [smem:$0x3FAD]  }
0x29: {  	s4 =	sld [smem:$0x3FAF]  }
0x2a: {  	p0 =	seq.s32 s5, $0x0;
	s5 =	sld [smem:$0x3FB0]  }
0x2b: {  	s6 =	sld [smem:$0x3FB1]  }
0x2c: {  	s7 =	sld [smem:$0x3FB2]  }
0x2d: {  	s3 =	simm.s32 $0x108;
	s8 =	sld [smem:$0x3FB3]  }
0x2e: {  	s3 =	simm.s32 @!p0 $0x1082;
	s9 =	sld [smem:$0x3FB4]  }
0x2f: {  	lr =	sadd.s32 s0, s3;
	s0 =	sld [smem:$0x3FAB]  }
0x30: {  	s3 =	sld [smem:$0x3FAE]  }
0x31: {  	[smem:$0x3FB7] =	sst s10  }
0x32: {  	s10 =	sld [smem:$0x3FB5];
	_ =	sdelay $0x3  }
0x33: {  	p0 =	seq.s32 s10, $0x1;
	s10 =	sld [smem:$0x3FB7];
	_ =	sdelay $0x3  }
0x34: {  	[smem:$0x3FB7] =	sst s10  }
0x35: {  	s10 =	sld [smem:$0x3FB6];
	_ =	sdelay $0x3  }
0x36: {  	p1 =	seq.s32 s10, $0x1;
	s10 =	sld [smem:$0x3FB7];
	_ =	sdelay $0x3  }
0x37: {  	[smem:$0x3FB7] =	sst s10  }
0x38: {  	s10 =	sld [smem:$0x3FB8]  }
0x39: {  	_ = 	snop;
	(pc) =	sbr.ind lr, $3  }
0x3a: {  	_ = 	snop  }
0x3b: {  	_ = 	snop  }
0x3c: {  	p2 =	seq.s32 s10, $0x1;
	s10 =	sld [smem:$0x3FB7]  }
0x3d: {  	_ =	shalt  }
0x3e: {  	_ =	shalt  }
0x3f: {  	_ =	shalt  }
0x40: {  	_ =	shalt  }
0x41: {  	_ =	shalt  }
0x42: {  	_ =	shalt  }
0x43: {  	_ =	shalt  }
0x44: {  	_ =	shalt  }
0x45: {  	_ =	shalt  }
0x46: {  	_ =	shalt  }
0x47: {  	_ =	shalt  }
0x48: {  	_ =	shalt  }
0x49: {  	_ =	shalt  }
0x4a: {  	_ =	shalt  }
0x4b: {  	_ =	shalt  }
0x4c: {  	_ =	shalt  }
0x4d: {  	_ =	shalt  }
0x4e: {  	_ =	shalt  }
0x4f: {  	_ =	shalt  }
0x50: {  	_ =	shalt  }
0x51: {  	_ =	shalt  }
0x52: {  	_ =	shalt  }
0x53: {  	_ =	shalt  }
0x54: {  	_ =	shalt  }
0x55: {  	_ =	shalt  }
0x56: {  	_ =	shalt  }
0x57: {  	_ =	shalt  }
0x58: {  	_ =	shalt  }
0x59: {  	_ =	shalt  }
0x5a: {  	_ =	shalt  }
0x5b: {  	_ =	shalt  }
0x5c: {  	_ =	shalt  }
0x5d: {  	_ =	shalt  }
0x5e: {  	_ =	shalt  }
0x5f: {  	_ =	shalt  }
0x60: {  	_ =	shalt  }
0x61: {  	_ =	shalt  }
0x62: {  	_ =	shalt  }
0x63: {  	_ =	shalt  }
0x64: {  	_ =	shalt  }
0x65: {  	_ =	shalt  }
0x66: {  	_ =	shalt  }
0x67: {  	_ =	shalt  }
0x68: {  	_ =	shalt  }
0x69: {  	_ =	shalt  }
0x6a: {  	_ =	shalt  }
0x6b: {  	_ =	shalt  }
0x6c: {  	_ =	shalt  }
0x6d: {  	_ =	shalt  }
0x6e: {  	_ =	shalt  }
0x6f: {  	_ =	shalt  }
0x70: {  	_ =	shalt  }
0x71: {  	_ =	shalt  }
0x72: {  	_ =	shalt  }
0x73: {  	_ =	shalt  }
0x74: {  	_ =	shalt  }
0x75: {  	_ =	shalt  }
0x76: {  	_ =	shalt  }
0x77: {  	_ =	shalt  }
0x78: {  	_ =	shalt  }
0x79: {  	_ =	shalt  }
0x7a: {  	_ =	shalt  }
0x7b: {  	_ =	shalt  }
0x7c: {  	_ =	shalt  }
0x7d: {  	_ =	shalt  }
0x7e: {  	_ =	shalt  }
0x7f: {  	_ =	shalt  }
0x80: {  	_ =	shalt  }
0x81: {  	_ =	shalt  }
0x82: {  	_ =	shalt  }
0x83: {  	_ =	shalt  }
0x84: {  	_ =	shalt  }
0x85: {  	_ =	shalt  }
0x86: {  	_ =	shalt  }
0x87: {  	_ =	shalt  }
.Lfunc_end0:
.L_simem_size_0:
called_computation_lowered:
.L_overlay_start_0:
0x88: {  	s2 =	sld [smem:$0x3FD9]  }
0x89: {  	s3 =	sld [smem:$0x3FFE];
	_ =	sdelay $0x1  }
0x8a: {  	s1 =	srdreg.scid  }
0x8b: {  	s0 =	sand.u32 $0x1, s1  }
0x8c: {  	s17 =	sshll.u32 s0, $0xA;
	s2 =	sadd.s32 s3, s2  }
0x8d: {  	s2 =	sadd.s32 s2, s17  }
0x8e: {  	[smem:$0x3FC3] =	sst s2  }
0x8f: {  	_ = 	snop  }
0x90: {  	s2 =	sld [smem:$0x3FC9]  }
0x91: {  	s18 =	sld [smem:$0x3FC8]  }
0x92: {  	s4 =	sld [smem:$0x3FC7]  }
0x93: {  	s5 =	sld [smem:$0x3FD0];
	(tm) =	ssettm $0x1  }
0x94: {  	s6 =	sld [smem:$0x3FFB];
	_ =	sdelay $0x3  }
0x95: {  	_ =	strace s6  }
0x96: {  	s6 =	sld [smem:$0x3FFC];
	_ =	sdelay $0x3  }
0x97: {  	_ =	strace s6  }
0x98: {  	s6 =	sld [smem:$0x3FFD];
	_ =	sdelay $0x3  }
0x99: {  	_ =	strace s6  }
0x9a: {  	_ =	strace $0x8FFFFFFF  }
0x9b: {  	s19 =	sld [smem:$0x3FDB];
	_ =	sdelay $0x1  }
0x9c: {  	s7 =	simm.s32 $_scs_section_size  }
0x9d: {  	s8 =	simm.s32 $_size__tile_overlayer_lowered;
	s9 =	simm.s32 $_tile_overlayer_lowered  }
0x9e: {  	s22 =	simm.s32 $0x1BFF;
	s21 =	sshll.u32 s9, $0x1;
	s6 =	sadd.s32 s7, s19  }
0x9f: {  	s10 =	simm.s32 $0x0;
	s20 =	sshll.u32 s8, $0x1;
	s8 =	sadd.s32 s21, s6  }
0xa0: {  	[timem:s10], [sflag:s22] =	dma.local [hbm:s8], s20  }
0xa1: {  	_ =	swait.ge [sflag:s22], s20  }
0xa2: {  	s7 =	ssub.s32 $0x0, s20;
	[sflag:s22] =	ssyncset.done $0x0  }
0xa3: {  	[sflag:s22] =	ssyncadd.s32 s7;
	_ =	sdelay $0x1  }
0xa4: {  	s23 =	simm.s32 $0x1B8B  }
0xa5: {  	_ =	swait.ge [sflag:s23], $0x1  }
0xa6: {  	[sflag:s23] =	ssyncset.done $0x0  }
0xa7: {  	s25 =	simm.s32 $0x1B8E;
	s24 =	sld [smem:$0x3FFE];
	[sflag:s23] =	ssyncadd.s32 $0xFFFFFFFF  }
0xa8: {  	s26 =	simm.s32 $execute0_lowered;
	[smem:$0x3FD2] =	sst s25  }
0xa9: {  	s8 =	sshll.u32 s26, $0x1;
	_ =	strace $0x80000046;
	[dreg:$0x1] =	wrdreg $0xFFFFFFFF  }
0xaa: {  	s28 =	simm.s32 $_size_execute0_lowered;
	s6 =	sadd.s32 s6, s8;
	[dreg:$0x0] =	wrdreg $0x0  }
0xab: {  	s8 =	sshll.u32 s28, $0x1;
	[dreg:$0x2] =	wrdreg s6  }
0xac: {  	[dreg:$0x3] =	wrdreg s8  }
0xad: {  	[dreg:$0x4] =	wrdreg $0xC0  }
0xae: {  	_ =	task [dreg:s10], $0x5FFFF  }
0xaf: {  	[dreg:$0x1] =	wrdreg $0xFFFFFFFF  }
0xb0: {  	[dreg:$0x0] =	wrdreg $0x60  }
0xb1: {  	[dreg:$0x2] =	wrdreg s4  }
0xb2: {  	[dreg:$0x3] =	wrdreg s2  }
0xb3: {  	[dreg:$0x4] =	wrdreg s18  }
0xb4: {  	[dreg:$0x5] =	wrdreg s5  }
0xb5: {  	[dreg:$0x6] =	wrdreg s24  }
0xb6: {  	[dreg:$0x7] =	wrdreg $0x9  }
0xb7: {  	_ =	task.clear_ibuf [dreg:s10], $0x8FFFF;
	_ =	strace $0x90000046  }
0xb8: {  	s29 =	simm.s32 $0x9;
	_ =	strace $0x80000048  }
0xb9: {  	_ =	swait.ge [sflag:s29], $0x1  }
0xba: {  	[sflag:s29] =	ssyncadd.s32 $0xFFFFFFFF  }
0xbb: {  	_ =	strace $0x90000048  }
0xbc: {  	_ =	sfence  }
0xbd: {  	s30 =	sld [smem:$0x0];
	_ =	sdelay $0x2  }
0xbe: {  	s31 =	sshll.u32 s1, $0xD;
	s1 =	sshrl.u32 s1, $0x2  }
0xbf: {  	s3 =	sand.u32 $0x4000, s31;
	s1 =	sadd.s32 s1, s30  }
0xc0: {  	s0 =	sor.u32 s3, s0;
	s1 =	sshll.u32 s1, $0x11  }
0xc1: {  	s0 =	sor.u32 s1, s0  }
0xc2: {  	s0 =	sadd.s32 $0x8F2B, s0  }
0xc3: {  	[sflag:s0] =	ssyncadd.remote.s32 $0x1  }
0xc4: {  	_ =	sfence.sel $0xFFFF  }
0xc5: {  	[dreg:$0x0] =	wrdreg $0xFFFFFFFF;
	(pc) =	sbr.abs _section_cstart, $3  }
0xc6: {  	[dreg:$0x1] =	wrdreg $0xFFFFFFFF  }
0xc7: {  	_ =	task.clear_ibuf [dreg:s10], $0x2FFFF;
	_ =	strace $0x9FFFFFFF  }
0xc8: {  	(tm) =	ssettm $0x7FFFFFFF  }
0xc9: {  	_ =	shalt  }
tec
execute0_lowered:
.L_overlay_start_1:
0x0: {  	(tag) =	ssettag $0x1  }
0x1: {  	s0 =	rddreg [dreg:$0x0]  }
0x2: {  	s2 =	rddreg [dreg:$0x1]  }
0x3: {  	s3 =	rddreg [dreg:$0x2];
	s4 =	srdreg.scid  }
0x4: {  	s1 =	rddreg [dreg:$0x3];
	s6 =	stileid.u32  }
0x5: {  	s7 =	rddreg [dreg:$0x4];
	s28 =	simm.s32 $0x2;
	s29 =	simm.s32 $0x7  }
0x6: {  	s30 =	simm.s32 $0x3;
	s5 =	sand.u32 $0x1, s4;
	s4 =	simm.s32 $0x0  }
0x7: {  	s6 =	sshll.u32 s6, $0xA;
	s8 =	sshll.u32 s5, $0x9;
	[smem:$0x7FF] =	sst s4  }
0x8: {  	s5 =	ssub.s32 $0x2, s5;
	s8 =	sor.u32 s8, s6;
	_ =	strace $0x80000047  }
0x9: {  	s6 =	sshrl.u32 s8, $0x3;
	s22 =	sshll.u32 s8, $0x5;
	s8 =	sshll.u32 s8, $0x6  }
0xa: {  	s9 =	sadd.s32 s3, s6;
	s3 =	sadd.s32 $0xE00, s7;
	s7 =	sadd.s32 s1, s22  }
0xb: {  	s23 =	sor.u32 $0x4, s6;
	s11 =	sor.u32 $0xC, s6;
	[dreg:$0x6] =	wrdreg s9  }
0xc: {  	s17 =	sor.u32 $0x10, s6;
	s19 =	sor.u32 $0x14, s6;
	[dreg:$0x7] =	wrdreg s7  }
0xd: {  	s24 =	sadd.s32 s3, s8;
	s25 =	sshll.u32 s23, $0x8;
	s31 =	sshll.u32 s23, $0x9  }
0xe: {  	s9 =	sor.u32 $0x8, s6;
	s13 =	sshll.u32 s11, $0x8;
	s15 =	sshll.u32 s11, $0x9  }
0xf: {  	s18 =	sshll.u32 s17, $0x8;
	s21 =	sshll.u32 s19, $0x8;
	s23 =	sshll.u32 s19, $0x9  }
0x10: {  	[dreg:$0x8] =	wrdreg s24;
	s26 =	sadd.s32 s1, s25;
	s8 =	sadd.s32 s3, s31  }
0x11: {  	s10 =	sshll.u32 s9, $0x8;
	s14 =	sadd.s32 s1, s13;
	[dreg:$0x9] =	wrdreg s26  }
0x12: {  	s16 =	sadd.s32 s3, s15;
	s22 =	sadd.s32 s1, s21;
	[dreg:$0xa] =	wrdreg s8  }
0x13: {  	s24 =	sadd.s32 s3, s23;
	s25 =	sor.u32 $0x18, s6;
	[dreg:$0xd] =	wrdreg s14  }
0x14: {  	s31 =	sor.u32 $0x1C, s6;
	s15 =	sor.u32 $0x20, s6;
	[dreg:$0xe] =	wrdreg s16  }
0x15: {  	s23 =	sor.u32 $0x28, s6;
	s7 =	sadd.s32 s1, s10;
	[dreg:$0x11] =	wrdreg s22  }
0x16: {  	s8 =	sshll.u32 s9, $0x9;
	[dreg:$0x12] =	wrdreg s24;
	s26 =	sshll.u32 s25, $0x8  }
0x17: {  	s11 =	sshll.u32 s31, $0x8;
	s13 =	sshll.u32 s31, $0x9;
	s16 =	sshll.u32 s15, $0x8  }
0x18: {  	s24 =	sshll.u32 s23, $0x8;
	s9 =	simm.s32 $0x4;
	[dreg:$0xb] =	wrdreg s7  }
0x19: {  	s12 =	sadd.s32 s3, s8;
	s7 =	sadd.s32 s1, s18;
	s8 =	sshll.u32 s17, $0x9  }
0x1a: {  	s14 =	sadd.s32 s3, s13;
	s17 =	sor.u32 $0x24, s6;
	[dreg:$0xc] =	wrdreg s12  }
0x1b: {  	s13 =	sor.u32 $0x30, s6;
	[dreg:$0xf] =	wrdreg s7;
	s20 =	sadd.s32 s3, s8  }
0x1c: {  	s7 =	sadd.s32 s1, s26;
	s8 =	sshll.u32 s25, $0x9;
	[dreg:$0x16] =	wrdreg s14  }
0x1d: {  	s12 =	sadd.s32 s1, s11;
	s19 =	sshll.u32 s17, $0x8;
	[dreg:$0x10] =	wrdreg s20  }
0x1e: {  	s21 =	sshll.u32 s17, $0x9;
	s25 =	sor.u32 $0x2C, s6;
	[dreg:$0x13] =	wrdreg s7  }
0x1f: {  	s14 =	sshll.u32 s13, $0x8;
	s10 =	sadd.s32 s3, s8;
	[dreg:$0x15] =	wrdreg s12  }
0x20: {  	s7 =	sadd.s32 s1, s16;
	s8 =	sshll.u32 s15, $0x9;
	s20 =	sadd.s32 s1, s19  }
0x21: {  	s22 =	sadd.s32 s3, s21;
	s31 =	sshll.u32 s25, $0x8;
	[dreg:$0x14] =	wrdreg s10  }
0x22: {  	s11 =	sshll.u32 s25, $0x9;
	s15 =	sor.u32 $0x34, s6;
	[dreg:$0x17] =	wrdreg s7  }
0x23: {  	s21 =	sor.u32 $0x38, s6;
	s6 =	sor.u32 $0x3C, s6;
	[dreg:$0x19] =	wrdreg s20  }
0x24: {  	s25 =	sshrl.u32 s5, $0x1;
	s18 =	sadd.s32 s3, s8;
	[dreg:$0x1a] =	wrdreg s22  }
0x25: {  	s7 =	sadd.s32 s1, s24;
	s8 =	sshll.u32 s23, $0x9;
	s10 =	sadd.s32 s1, s31  }
0x26: {  	s12 =	sadd.s32 s3, s11;
	s17 =	sshll.u32 s15, $0x8;
	s19 =	sshll.u32 s15, $0x9  }
0x27: {  	s22 =	sshll.u32 s21, $0x8;
	s24 =	sshll.u32 s6, $0x8;
	[dreg:$0x18] =	wrdreg s18  }
0x28: {  	s6 =	sshll.u32 s6, $0x9;
	s31 =	ssub.s32 s5, s25;
	[dreg:$0x1b] =	wrdreg s7  }
0x29: {  	s5 =	sadd.s32 $0x100, s2;
	s11 =	simm.s32 $0x5;
	[dreg:$0x1d] =	wrdreg s10  }
0x2a: {  	s26 =	sadd.s32 s3, s8;
	[dreg:$0x1e] =	wrdreg s12;
	s7 =	sadd.s32 s1, s14  }
0x2b: {  	s8 =	sshll.u32 s13, $0x9;
	s18 =	sadd.s32 s1, s17;
	[dreg:$0x1c] =	wrdreg s26  }
0x2c: {  	s20 =	sadd.s32 s3, s19;
	s19 =	smax.u32 s31, $0x1;
	[dreg:$0x1f] =	wrdreg s7  }
0x2d: {  	s10 =	simm.s32 $0x9;
	s13 =	simm.s32 $0xA;
	[smem:$0x7F8] =	sst s18  }
0x2e: {  	s12 =	simm.s32 $0xA200;
	s16 =	sadd.s32 s3, s8;
	[smem:$0x7F9] =	sst s20  }
0x2f: {  	s7 =	sadd.s32 s1, s22;
	s8 =	sshll.u32 s21, $0x9;
	[smem:$0x7F7] =	sst s16  }
0x30: {  	s1 =	sadd.s32 s1, s24;
	s26 =	sadd.s32 s3, s6;
	[smem:$0x7FA] =	sst s7  }
0x31: {  	v2 =	vlaneseq.u32;
	s21 =	simm.s32 $0x1;
	s22 =	simm.s32 $0x6;
	[smem:$0x7FC] =	sst s1  }
0x32: {  	vm0 =	vmmov $0xffff;
	v1 =	vshrl.u32 v2, $0x3;
	s20 =	simm.s32 $0x1A200;
	s23 =	sadd.s32 s3, s8;
	[smem:$0x7FD] =	sst s26  }
0x33: {  	v0 =	vand.u32 $0x7, v2;
	v2 =	vor.u32 $0x8, v2;
	v1 =	vmul.u32 $0x8, v1;
	s3 =	simm.s32 $0x8;
	s16 =	simm.s32 $0x200;
	[smem:$0x7FB] =	sst s23  }
.LBB2_1:
0x34: {  	s14 =	rddreg [dreg:$0x6];
	s24 =	simm.s32 $0xB  }
0x35: {  	[tilespmem:s4], [sflag:$0xB] =	stream.linear.gather [hbm4b:s14+s4], $0x200, $0x38;
	[tilespmem:$0x1E200] =	vst v63  }
0x36: {  	_ =	swait.ge [sflag:s24], $0x200  }
0x37: {  	[sflag:s24] =	ssyncset.done $0x0  }
0x38: {  	[sflag:s24] =	ssyncadd.s32 $0xFFFFFE00  }
0x39: {  	v3 =	vld [tilespmem:$0x0];
	_ =	sdelay $0x4  }
0x3a: {  	v4 =	vshll.u32 v3, $0x1  }
0x3b: {  	v3 =	vand.u32 $0x7, v3;
	v4 =	vand.u32 $0xFFFFFFF0, v4  }
0x3c: {  	v3 =	vor.u32 v3, v4  }
0x3d: {  	v4 =	vperm.xlane v3, v0;
	_ =	sdelay $0x1  }
0x3e: {  	v3 =	vperm.xlane v3, v2;
	v4 =	vadd.s32 v1, v4;
	_ =	sdelay $0x1  }
0x3f: {  	v3 =	vadd.s32 v1, v3;
	_ =	sdelay $0x2  }
0x40: {  	[tilespmem:s16], [sflag:$0x1] =	stream.indirect_vreg.gather [hbm4b:s0+s4], $0x80, v4, vm0, $0xb8;
	[tilespmem:$0x1E200] =	vst v63  }
0x41: {  	s1 =	simm.s32 $0xA00  }
0x42: {  	[tilespmem:s1], [sflag:$0x1] =	stream.indirect_vreg.gather [hbm4b:s0+s4], $0x80, v3, vm0, $0xb8;
	[tilespmem:$0x1E200] =	vst v63  }
0x43: {  	v3 =	vld [tilespmem:$0x10];
	_ =	sdelay $0x4  }
0x44: {  	v57 =	vshll.u32 v3, $0x1  }
0x45: {  	v3 =	vand.u32 $0x7, v3;
	v4 =	vand.u32 $0xFFFFFFF0, v57  }
0x46: {  	v3 =	vor.u32 v3, v4  }
0x47: {  	v4 =	vperm.xlane v3, v0;
	_ =	sdelay $0x1  }
0x48: {  	v3 =	vperm.xlane v3, v2;
	v4 =	vadd.s32 v1, v4;
	_ =	sdelay $0x1  }
0x49: {  	v3 =	vadd.s32 v1, v3;
	_ =	sdelay $0x1  }
0x4a: {  	s25 =	simm.s32 $0x1200  }
0x4b: {  	[tilespmem:s25], [sflag:$0x1] =	stream.indirect_vreg.gather [hbm4b:s0+s4], $0x80, v4, vm0, $0xb8;
	[tilespmem:$0x1E200] =	vst v63  }
0x4c: {  	s26 =	simm.s32 $0x1A00  }
0x4d: {  	[tilespmem:s26], [sflag:$0x1] =	stream.indirect_vreg.gather [hbm4b:s0+s4], $0x80, v3, vm0, $0xb8;
	[tilespmem:$0x1E200] =	vst v63  }
0x4e: {  	v3 =	vld [tilespmem:$0x0];
	_ =	sdelay $0x4  }
0x4f: {  	v58 =	vshll.u32 v3, $0x2  }
0x50: {  	v3 =	vand.u32 $0x7, v3;
	v4 =	vand.u32 $0xFFFFFFE0, v58  }
0x51: {  	v3 =	vor.u32 v3, v4  }
0x52: {  	v4 =	vperm.xlane v3, v0;
	_ =	sdelay $0x1  }
0x53: {  	v4 =	vadd.s32 v1, v4;
	_ =	sdelay $0x1  }
0x54: {  	v3 =	vperm.xlane v3, v2;
	_ =	sdelay $0x1  }
0x55: {  	v3 =	vadd.s32 v1, v3  }
0x56: {  	[tilespmem:s12], [sflag:$0x1] =	stream.indirect_vreg.gather [hbm4b:s2+s4], $0x80, v4, vm0, $0xb8;
	[tilespmem:$0x1E200] =	vst v63  }
0x57: {  	s31 =	simm.s32 $0xAA00  }
0x58: {  	[tilespmem:s31], [sflag:$0x1] =	stream.indirect_vreg.gather [hbm4b:s5+s4], $0x80, v4, vm0, $0xb8;
	[tilespmem:$0x1E200] =	vst v63  }
0x59: {  	s6 =	simm.s32 $0xB200  }
0x5a: {  	[tilespmem:s6], [sflag:$0x1] =	stream.indirect_vreg.gather [hbm4b:s2+s4], $0x80, v3, vm0, $0xb8;
	[tilespmem:$0x1E200] =	vst v63  }
0x5b: {  	s7 =	simm.s32 $0xBA00  }
0x5c: {  	[tilespmem:s7], [sflag:$0x1] =	stream.indirect_vreg.gather [hbm4b:s5+s4], $0x80, v3, vm0, $0xb8;
	[tilespmem:$0x1E200] =	vst v63  }
0x5d: {  	v3 =	vld [tilespmem:$0x10];
	_ =	sdelay $0x4  }
0x5e: {  	v59 =	vshll.u32 v3, $0x2  }
0x5f: {  	v3 =	vand.u32 $0x7, v3;
	v4 =	vand.u32 $0xFFFFFFE0, v59  }
0x60: {  	v3 =	vor.u32 v3, v4  }
0x61: {  	v4 =	vperm.xlane v3, v0;
	_ =	sdelay $0x1  }
0x62: {  	v4 =	vadd.s32 v1, v4;
	_ =	sdelay $0x1  }
0x63: {  	v3 =	vperm.xlane v3, v2;
	_ =	sdelay $0x1  }
0x64: {  	s8 =	simm.s32 $0xC200;
	v3 =	vadd.s32 v1, v3  }
0x65: {  	[tilespmem:s8], [sflag:$0x1] =	stream.indirect_vreg.gather [hbm4b:s2+s4], $0x80, v4, vm0, $0xb8;
	[tilespmem:$0x1E200] =	vst v63  }
0x66: {  	s14 =	simm.s32 $0xCA00  }
0x67: {  	[tilespmem:s14], [sflag:$0x1] =	stream.indirect_vreg.gather [hbm4b:s5+s4], $0x80, v4, vm0, $0xb8;
	[tilespmem:$0x1E200] =	vst v63  }
0x68: {  	s15 =	simm.s32 $0xD200  }
0x69: {  	[tilespmem:s15], [sflag:$0x1] =	stream.indirect_vreg.gather [hbm4b:s2+s4], $0x80, v3, vm0, $0xb8;
	[tilespmem:$0x1E200] =	vst v63  }
0x6a: {  	s17 =	simm.s32 $0xDA00  }
0x6b: {  	[tilespmem:s17], [sflag:$0x1] =	stream.indirect_vreg.gather [hbm4b:s5+s4], $0x80, v3, vm0, $0xb8;
	[tilespmem:$0x1E200] =	vst v63  }
0x6c: {  	v3 =	vld [tilespmem:$0x20];
	_ =	sdelay $0x4  }
0x6d: {  	v60 =	vshll.u32 v3, $0x1  }
0x6e: {  	v3 =	vand.u32 $0x7, v3;
	v4 =	vand.u32 $0xFFFFFFF0, v60  }
0x6f: {  	v3 =	vor.u32 v3, v4  }
0x70: {  	v4 =	vperm.xlane v3, v0;
	_ =	sdelay $0x1  }
0x71: {  	v3 =	vperm.xlane v3, v2;
	v4 =	vadd.s32 v1, v4;
	_ =	sdelay $0x1  }
0x72: {  	v3 =	vadd.s32 v1, v3;
	_ =	sdelay $0x1  }
0x73: {  	s18 =	simm.s32 $0x2200  }
0x74: {  	[tilespmem:s18], [sflag:$0x2] =	stream.indirect_vreg.gather [hbm4b:s0+s4], $0x80, v4, vm0, $0xb8;
	[tilespmem:$0x1E200] =	vst v63  }
0x75: {  	s25 =	simm.s32 $0x2A00  }
0x76: {  	[tilespmem:s25], [sflag:$0x2] =	stream.indirect_vreg.gather [hbm4b:s0+s4], $0x80, v3, vm0, $0xb8;
	[tilespmem:$0x1E200] =	vst v63  }
0x77: {  	v3 =	vld [tilespmem:$0x30];
	_ =	sdelay $0x4  }
0x78: {  	v61 =	vshll.u32 v3, $0x1  }
0x79: {  	v3 =	vand.u32 $0x7, v3;
	v4 =	vand.u32 $0xFFFFFFF0, v61  }
0x7a: {  	v3 =	vor.u32 v3, v4  }
0x7b: {  	v4 =	vperm.xlane v3, v0;
	_ =	sdelay $0x1  }
0x7c: {  	v3 =	vperm.xlane v3, v2;
	v4 =	vadd.s32 v1, v4;
	_ =	sdelay $0x1  }
0x7d: {  	v3 =	vadd.s32 v1, v3;
	_ =	sdelay $0x1  }
0x7e: {  	s31 =	simm.s32 $0x3200  }
0x7f: {  	[tilespmem:s31], [sflag:$0x2] =	stream.indirect_vreg.gather [hbm4b:s0+s4], $0x80, v4, vm0, $0xb8;
	[tilespmem:$0x1E200] =	vst v63  }
0x80: {  	s6 =	simm.s32 $0x3A00  }
0x81: {  	[tilespmem:s6], [sflag:$0x2] =	stream.indirect_vreg.gather [hbm4b:s0+s4], $0x80, v3, vm0, $0xb8;
	[tilespmem:$0x1E200] =	vst v63  }
0x82: {  	v3 =	vld [tilespmem:$0x20];
	_ =	sdelay $0x4  }
0x83: {  	v62 =	vshll.u32 v3, $0x2  }
0x84: {  	v3 =	vand.u32 $0x7, v3;
	v4 =	vand.u32 $0xFFFFFFE0, v62  }
0x85: {  	v3 =	vor.u32 v3, v4  }
0x86: {  	v4 =	vperm.xlane v3, v0;
	_ =	sdelay $0x1  }
0x87: {  	v4 =	vadd.s32 v1, v4;
	_ =	sdelay $0x1  }
0x88: {  	v3 =	vperm.xlane v3, v2;
	_ =	sdelay $0x1  }
0x89: {  	s7 =	simm.s32 $0xE200;
	v3 =	vadd.s32 v1, v3  }
0x8a: {  	[tilespmem:s7], [sflag:$0x2] =	stream.indirect_vreg.gather [hbm4b:s2+s4], $0x80, v4, vm0, $0xb8;
	[tilespmem:$0x1E200] =	vst v63  }
0x8b: {  	s6 =	simm.s32 $0xEA00  }
0x8c: {  	[tilespmem:s6], [sflag:$0x2] =	stream.indirect_vreg.gather [hbm4b:s5+s4], $0x80, v4, vm0, $0xb8;
	[tilespmem:$0x1E200] =	vst v63  }
0x8d: {  	s8 =	simm.s32 $0xF200  }
0x8e: {  	[tilespmem:s8], [sflag:$0x2] =	stream.indirect_vreg.gather [hbm4b:s2+s4], $0x80, v3, vm0, $0xb8;
	[tilespmem:$0x1E200] =	vst v63  }
0x8f: {  	s14 =	simm.s32 $0xFA00  }
0x90: {  	[tilespmem:s14], [sflag:$0x2] =	stream.indirect_vreg.gather [hbm4b:s5+s4], $0x80, v3, vm0, $0xb8;
	[tilespmem:$0x1E200] =	vst v63  }
0x91: {  	v3 =	vld [tilespmem:$0x30];
	_ =	sdelay $0x4  }
0x92: {  	v63 =	vshll.u32 v3, $0x2  }
0x93: {  	v3 =	vand.u32 $0x7, v3;
	v4 =	vand.u32 $0xFFFFFFE0, v63  }
0x94: {  	v3 =	vor.u32 v3, v4  }
0x95: {  	v4 =	vperm.xlane v3, v0;
	_ =	sdelay $0x1  }
0x96: {  	v4 =	vadd.s32 v1, v4;
	_ =	sdelay $0x1  }
0x97: {  	v3 =	vperm.xlane v3, v2;
	_ =	sdelay $0x1  }
0x98: {  	s15 =	simm.s32 $0x10200;
	v3 =	vadd.s32 v1, v3  }
0x99: {  	[tilespmem:s15], [sflag:$0x2] =	stream.indirect_vreg.gather [hbm4b:s2+s4], $0x80, v4, vm0, $0xb8;
	[tilespmem:$0x1E200] =	vst v63  }
0x9a: {  	s17 =	simm.s32 $0x10A00  }
0x9b: {  	[tilespmem:s17], [sflag:$0x2] =	stream.indirect_vreg.gather [hbm4b:s5+s4], $0x80, v4, vm0, $0xb8;
	[tilespmem:$0x1E200] =	vst v63  }
0x9c: {  	s18 =	simm.s32 $0x11200  }
0x9d: {  	[tilespmem:s18], [sflag:$0x2] =	stream.indirect_vreg.gather [hbm4b:s2+s4], $0x80, v3, vm0, $0xb8;
	[tilespmem:$0x1E200] =	vst v63  }
0x9e: {  	s25 =	simm.s32 $0x11A00  }
0x9f: {  	[tilespmem:s25], [sflag:$0x2] =	stream.indirect_vreg.gather [hbm4b:s5+s4], $0x80, v3, vm0, $0xb8;
	[tilespmem:$0x1E200] =	vst v63  }
0xa0: {  	v3 =	vld [tilespmem:$0x40];
	_ =	sdelay $0x4  }
0xa1: {  	v8 =	vshll.u32 v3, $0x1  }
0xa2: {  	v3 =	vand.u32 $0x7, v3;
	v4 =	vand.u32 $0xFFFFFFF0, v8  }
0xa3: {  	v3 =	vor.u32 v3, v4  }
0xa4: {  	v4 =	vperm.xlane v3, v0;
	_ =	sdelay $0x1  }
0xa5: {  	v3 =	vperm.xlane v3, v2;
	v4 =	vadd.s32 v1, v4;
	_ =	sdelay $0x1  }
0xa6: {  	v3 =	vadd.s32 v1, v3;
	_ =	sdelay $0x1  }
0xa7: {  	s31 =	simm.s32 $0x4200  }
0xa8: {  	[tilespmem:s31], [sflag:$0x3] =	stream.indirect_vreg.gather [hbm4b:s0+s4], $0x80, v4, vm0, $0xb8;
	[tilespmem:$0x1E200] =	vst v63  }
0xa9: {  	s7 =	simm.s32 $0x4A00  }
0xaa: {  	[tilespmem:s7], [sflag:$0x3] =	stream.indirect_vreg.gather [hbm4b:s0+s4], $0x80, v3, vm0, $0xb8;
	[tilespmem:$0x1E200] =	vst v63  }
0xab: {  	v3 =	vld [tilespmem:$0x50];
	_ =	sdelay $0x4  }
0xac: {  	v9 =	vshll.u32 v3, $0x1  }
0xad: {  	v3 =	vand.u32 $0x7, v3;
	v4 =	vand.u32 $0xFFFFFFF0, v9  }
0xae: {  	v3 =	vor.u32 v3, v4  }
0xaf: {  	v4 =	vperm.xlane v3, v0;
	_ =	sdelay $0x1  }
0xb0: {  	v3 =	vperm.xlane v3, v2;
	v4 =	vadd.s32 v1, v4;
	_ =	sdelay $0x1  }
0xb1: {  	v3 =	vadd.s32 v1, v3;
	_ =	sdelay $0x1  }
0xb2: {  	s8 =	simm.s32 $0x5200  }
0xb3: {  	[tilespmem:s8], [sflag:$0x3] =	stream.indirect_vreg.gather [hbm4b:s0+s4], $0x80, v4, vm0, $0xb8;
	[tilespmem:$0x1E200] =	vst v63  }
0xb4: {  	s14 =	simm.s32 $0x5A00  }
0xb5: {  	[tilespmem:s14], [sflag:$0x3] =	stream.indirect_vreg.gather [hbm4b:s0+s4], $0x80, v3, vm0, $0xb8;
	[tilespmem:$0x1E200] =	vst v63  }
0xb6: {  	v3 =	vld [tilespmem:$0x40];
	_ =	sdelay $0x4  }
0xb7: {  	v10 =	vshll.u32 v3, $0x2  }
0xb8: {  	v3 =	vand.u32 $0x7, v3;
	v4 =	vand.u32 $0xFFFFFFE0, v10  }
0xb9: {  	v3 =	vor.u32 v3, v4  }
0xba: {  	v4 =	vperm.xlane v3, v0;
	_ =	sdelay $0x1  }
0xbb: {  	v4 =	vadd.s32 v1, v4;
	_ =	sdelay $0x1  }
0xbc: {  	v3 =	vperm.xlane v3, v2;
	_ =	sdelay $0x1  }
0xbd: {  	s15 =	simm.s32 $0x12200;
	v3 =	vadd.s32 v1, v3  }
0xbe: {  	[tilespmem:s15], [sflag:$0x3] =	stream.indirect_vreg.gather [hbm4b:s2+s4], $0x80, v4, vm0, $0xb8;
	[tilespmem:$0x1E200] =	vst v63  }
0xbf: {  	s17 =	simm.s32 $0x12A00  }
0xc0: {  	[tilespmem:s17], [sflag:$0x3] =	stream.indirect_vreg.gather [hbm4b:s5+s4], $0x80, v4, vm0, $0xb8;
	[tilespmem:$0x1E200] =	vst v63  }
0xc1: {  	s18 =	simm.s32 $0x13200  }
0xc2: {  	[tilespmem:s18], [sflag:$0x3] =	stream.indirect_vreg.gather [hbm4b:s2+s4], $0x80, v3, vm0, $0xb8;
	[tilespmem:$0x1E200] =	vst v63  }
0xc3: {  	s25 =	simm.s32 $0x13A00  }
0xc4: {  	[tilespmem:s25], [sflag:$0x3] =	stream.indirect_vreg.gather [hbm4b:s5+s4], $0x80, v3, vm0, $0xb8;
	[tilespmem:$0x1E200] =	vst v63  }
0xc5: {  	v3 =	vld [tilespmem:$0x50];
	_ =	sdelay $0x4  }
0xc6: {  	v11 =	vshll.u32 v3, $0x2  }
0xc7: {  	v3 =	vand.u32 $0x7, v3;
	v4 =	vand.u32 $0xFFFFFFE0, v11  }
0xc8: {  	v3 =	vor.u32 v3, v4  }
0xc9: {  	v4 =	vperm.xlane v3, v0;
	_ =	sdelay $0x1  }
0xca: {  	v4 =	vadd.s32 v1, v4;
	_ =	sdelay $0x1  }
0xcb: {  	v3 =	vperm.xlane v3, v2;
	_ =	sdelay $0x1  }
0xcc: {  	s31 =	simm.s32 $0x14200;
	v3 =	vadd.s32 v1, v3  }
0xcd: {  	[tilespmem:s31], [sflag:$0x3] =	stream.indirect_vreg.gather [hbm4b:s2+s4], $0x80, v4, vm0, $0xb8;
	[tilespmem:$0x1E200] =	vst v63  }
0xce: {  	s8 =	simm.s32 $0x14A00  }
0xcf: {  	[tilespmem:s8], [sflag:$0x3] =	stream.indirect_vreg.gather [hbm4b:s5+s4], $0x80, v4, vm0, $0xb8;
	[tilespmem:$0x1E200] =	vst v63  }
0xd0: {  	s14 =	simm.s32 $0x15200  }
0xd1: {  	[tilespmem:s14], [sflag:$0x3] =	stream.indirect_vreg.gather [hbm4b:s2+s4], $0x80, v3, vm0, $0xb8;
	[tilespmem:$0x1E200] =	vst v63  }
0xd2: {  	s15 =	simm.s32 $0x15A00  }
0xd3: {  	[tilespmem:s15], [sflag:$0x3] =	stream.indirect_vreg.gather [hbm4b:s5+s4], $0x80, v3, vm0, $0xb8;
	[tilespmem:$0x1E200] =	vst v63  }
0xd4: {  	v3 =	vld [tilespmem:$0x60];
	_ =	sdelay $0x4  }
0xd5: {  	v12 =	vshll.u32 v3, $0x1  }
0xd6: {  	v3 =	vand.u32 $0x7, v3;
	v4 =	vand.u32 $0xFFFFFFF0, v12  }
0xd7: {  	v3 =	vor.u32 v3, v4  }
0xd8: {  	v4 =	vperm.xlane v3, v0;
	_ =	sdelay $0x1  }
0xd9: {  	v3 =	vperm.xlane v3, v2;
	v4 =	vadd.s32 v1, v4;
	_ =	sdelay $0x1  }
0xda: {  	v3 =	vadd.s32 v1, v3;
	_ =	sdelay $0x1  }
0xdb: {  	s17 =	simm.s32 $0x6200  }
0xdc: {  	[tilespmem:s17], [sflag:$0x4] =	stream.indirect_vreg.gather [hbm4b:s0+s4], $0x80, v4, vm0, $0xb8;
	[tilespmem:$0x1E200] =	vst v63  }
0xdd: {  	s18 =	simm.s32 $0x6A00  }
0xde: {  	[tilespmem:s18], [sflag:$0x4] =	stream.indirect_vreg.gather [hbm4b:s0+s4], $0x80, v3, vm0, $0xb8;
	[tilespmem:$0x1E200] =	vst v63  }
0xdf: {  	v3 =	vld [tilespmem:$0x70];
	_ =	sdelay $0x4  }
0xe0: {  	v13 =	vshll.u32 v3, $0x1  }
0xe1: {  	v3 =	vand.u32 $0x7, v3;
	v4 =	vand.u32 $0xFFFFFFF0, v13  }
0xe2: {  	v3 =	vor.u32 v3, v4  }
0xe3: {  	v4 =	vperm.xlane v3, v0;
	_ =	sdelay $0x1  }
0xe4: {  	v3 =	vperm.xlane v3, v2;
	v4 =	vadd.s32 v1, v4;
	_ =	sdelay $0x1  }
0xe5: {  	v3 =	vadd.s32 v1, v3;
	_ =	sdelay $0x1  }
0xe6: {  	s25 =	simm.s32 $0x7200  }
0xe7: {  	[tilespmem:s25], [sflag:$0x4] =	stream.indirect_vreg.gather [hbm4b:s0+s4], $0x80, v4, vm0, $0xb8;
	[tilespmem:$0x1E200] =	vst v63  }
0xe8: {  	s31 =	simm.s32 $0x7A00  }
0xe9: {  	[tilespmem:s31], [sflag:$0x4] =	stream.indirect_vreg.gather [hbm4b:s0+s4], $0x80, v3, vm0, $0xb8;
	[tilespmem:$0x1E200] =	vst v63  }
0xea: {  	v3 =	vld [tilespmem:$0x60];
	_ =	sdelay $0x4  }
0xeb: {  	v14 =	vshll.u32 v3, $0x2  }
0xec: {  	v3 =	vand.u32 $0x7, v3;
	v4 =	vand.u32 $0xFFFFFFE0, v14  }
0xed: {  	v3 =	vor.u32 v3, v4  }
0xee: {  	v4 =	vperm.xlane v3, v0;
	_ =	sdelay $0x1  }
0xef: {  	v4 =	vadd.s32 v1, v4;
	_ =	sdelay $0x1  }
0xf0: {  	v3 =	vperm.xlane v3, v2;
	_ =	sdelay $0x1  }
0xf1: {  	s8 =	simm.s32 $0x16200;
	v3 =	vadd.s32 v1, v3  }
0xf2: {  	[tilespmem:s8], [sflag:$0x4] =	stream.indirect_vreg.gather [hbm4b:s2+s4], $0x80, v4, vm0, $0xb8;
	[tilespmem:$0x1E200] =	vst v63  }
0xf3: {  	s14 =	simm.s32 $0x16A00  }
0xf4: {  	[tilespmem:s14], [sflag:$0x4] =	stream.indirect_vreg.gather [hbm4b:s5+s4], $0x80, v4, vm0, $0xb8;
	[tilespmem:$0x1E200] =	vst v63  }
0xf5: {  	s15 =	simm.s32 $0x17200  }
0xf6: {  	[tilespmem:s15], [sflag:$0x4] =	stream.indirect_vreg.gather [hbm4b:s2+s4], $0x80, v3, vm0, $0xb8;
	[tilespmem:$0x1E200] =	vst v63  }
0xf7: {  	s17 =	simm.s32 $0x17A00  }
0xf8: {  	[tilespmem:s17], [sflag:$0x4] =	stream.indirect_vreg.gather [hbm4b:s5+s4], $0x80, v3, vm0, $0xb8;
	[tilespmem:$0x1E200] =	vst v63  }
0xf9: {  	v3 =	vld [tilespmem:$0x70];
	_ =	sdelay $0x4  }
0xfa: {  	v15 =	vshll.u32 v3, $0x2  }
0xfb: {  	v3 =	vand.u32 $0x7, v3;
	v4 =	vand.u32 $0xFFFFFFE0, v15  }
0xfc: {  	v3 =	vor.u32 v3, v4  }
0xfd: {  	v4 =	vperm.xlane v3, v0;
	_ =	sdelay $0x1  }
0xfe: {  	v4 =	vadd.s32 v1, v4;
	_ =	sdelay $0x1  }
0xff: {  	v3 =	vperm.xlane v3, v2;
	_ =	sdelay $0x1  }
0x100: {  	s18 =	simm.s32 $0x18200;
	v3 =	vadd.s32 v1, v3  }
0x101: {  	[tilespmem:s18], [sflag:$0x4] =	stream.indirect_vreg.gather [hbm4b:s2+s4], $0x80, v4, vm0, $0xb8;
	[tilespmem:$0x1E200] =	vst v63  }
0x102: {  	s25 =	simm.s32 $0x18A00  }
0x103: {  	[tilespmem:s25], [sflag:$0x4] =	stream.indirect_vreg.gather [hbm4b:s5+s4], $0x80, v4, vm0, $0xb8;
	[tilespmem:$0x1E200] =	vst v63  }
0x104: {  	s31 =	simm.s32 $0x19200  }
0x105: {  	[tilespmem:s31], [sflag:$0x4] =	stream.indirect_vreg.gather [hbm4b:s2+s4], $0x80, v3, vm0, $0xb8;
	[tilespmem:$0x1E200] =	vst v63  }
0x106: {  	s14 =	simm.s32 $0x19A00  }
0x107: {  	[tilespmem:s14], [sflag:$0x4] =	stream.indirect_vreg.gather [hbm4b:s5+s4], $0x80, v3, vm0, $0xb8;
	[tilespmem:$0x1E200] =	vst v63  }
0x108: {  	v3 =	vld [tilespmem:$0x80];
	_ =	sdelay $0x4  }
0x109: {  	v16 =	vshll.u32 v3, $0x1  }
0x10a: {  	v3 =	vand.u32 $0x7, v3;
	v4 =	vand.u32 $0xFFFFFFF0, v16  }
0x10b: {  	v3 =	vor.u32 v3, v4  }
0x10c: {  	v4 =	vperm.xlane v3, v0;
	_ =	sdelay $0x1  }
0x10d: {  	v3 =	vperm.xlane v3, v2;
	v4 =	vadd.s32 v1, v4;
	_ =	sdelay $0x1  }
0x10e: {  	v3 =	vadd.s32 v1, v3;
	_ =	sdelay $0x1  }
0x10f: {  	s15 =	simm.s32 $0x8200  }
0x110: {  	[tilespmem:s15], [sflag:$0x5] =	stream.indirect_vreg.gather [hbm4b:s0+s4], $0x80, v4, vm0, $0xb8;
	[tilespmem:$0x1E200] =	vst v63  }
0x111: {  	s17 =	simm.s32 $0x8A00  }
0x112: {  	[tilespmem:s17], [sflag:$0x5] =	stream.indirect_vreg.gather [hbm4b:s0+s4], $0x80, v3, vm0, $0xb8;
	[tilespmem:$0x1E200] =	vst v63  }
0x113: {  	v3 =	vld [tilespmem:$0x90];
	_ =	sdelay $0x4  }
0x114: {  	v17 =	vshll.u32 v3, $0x1  }
0x115: {  	v3 =	vand.u32 $0x7, v3;
	v4 =	vand.u32 $0xFFFFFFF0, v17  }
0x116: {  	v3 =	vor.u32 v3, v4  }
0x117: {  	v4 =	vperm.xlane v3, v0;
	_ =	sdelay $0x1  }
0x118: {  	v3 =	vperm.xlane v3, v2;
	v4 =	vadd.s32 v1, v4;
	_ =	sdelay $0x1  }
0x119: {  	v3 =	vadd.s32 v1, v3;
	_ =	sdelay $0x1  }
0x11a: {  	s18 =	simm.s32 $0x9200  }
0x11b: {  	[tilespmem:s18], [sflag:$0x5] =	stream.indirect_vreg.gather [hbm4b:s0+s4], $0x80, v4, vm0, $0xb8;
	[tilespmem:$0x1E200] =	vst v63  }
0x11c: {  	s25 =	simm.s32 $0x9A00  }
0x11d: {  	[tilespmem:s25], [sflag:$0x5] =	stream.indirect_vreg.gather [hbm4b:s0+s4], $0x80, v3, vm0, $0xb8;
	[tilespmem:$0x1E200] =	vst v63  }
0x11e: {  	v3 =	vld [tilespmem:$0x80];
	_ =	sdelay $0x4  }
0x11f: {  	v18 =	vshll.u32 v3, $0x2  }
0x120: {  	v3 =	vand.u32 $0x7, v3;
	v4 =	vand.u32 $0xFFFFFFE0, v18  }
0x121: {  	v3 =	vor.u32 v3, v4  }
0x122: {  	v4 =	vperm.xlane v3, v0;
	_ =	sdelay $0x1  }
0x123: {  	v4 =	vadd.s32 v1, v4;
	_ =	sdelay $0x1  }
0x124: {  	v3 =	vperm.xlane v3, v2;
	_ =	sdelay $0x1  }
0x125: {  	v3 =	vadd.s32 v1, v3  }
0x126: {  	[tilespmem:s20], [sflag:$0x5] =	stream.indirect_vreg.gather [hbm4b:s2+s4], $0x80, v4, vm0, $0xb8;
	[tilespmem:$0x1E200] =	vst v63  }
0x127: {  	s31 =	simm.s32 $0x1AA00  }
0x128: {  	[tilespmem:s31], [sflag:$0x5] =	stream.indirect_vreg.gather [hbm4b:s5+s4], $0x80, v4, vm0, $0xb8;
	[tilespmem:$0x1E200] =	vst v63  }
0x129: {  	s14 =	simm.s32 $0x1B200  }
0x12a: {  	[tilespmem:s14], [sflag:$0x5] =	stream.indirect_vreg.gather [hbm4b:s2+s4], $0x80, v3, vm0, $0xb8;
	[tilespmem:$0x1E200] =	vst v63  }
0x12b: {  	s15 =	simm.s32 $0x1BA00  }
0x12c: {  	[tilespmem:s15], [sflag:$0x5] =	stream.indirect_vreg.gather [hbm4b:s5+s4], $0x80, v3, vm0, $0xb8;
	[tilespmem:$0x1E200] =	vst v63  }
0x12d: {  	v3 =	vld [tilespmem:$0x90];
	_ =	sdelay $0x4  }
0x12e: {  	v19 =	vshll.u32 v3, $0x2  }
0x12f: {  	v3 =	vand.u32 $0x7, v3;
	v4 =	vand.u32 $0xFFFFFFE0, v19  }
0x130: {  	v3 =	vor.u32 v3, v4  }
0x131: {  	v4 =	vperm.xlane v3, v0;
	_ =	sdelay $0x1  }
0x132: {  	v4 =	vadd.s32 v1, v4;
	_ =	sdelay $0x1  }
0x133: {  	v3 =	vperm.xlane v3, v2;
	_ =	sdelay $0x1  }
0x134: {  	s17 =	simm.s32 $0x1C200;
	v3 =	vadd.s32 v1, v3  }
0x135: {  	[tilespmem:s17], [sflag:$0x5] =	stream.indirect_vreg.gather [hbm4b:s2+s4], $0x80, v4, vm0, $0xb8;
	[tilespmem:$0x1E200] =	vst v63  }
0x136: {  	s18 =	simm.s32 $0x1CA00  }
0x137: {  	[tilespmem:s18], [sflag:$0x5] =	stream.indirect_vreg.gather [hbm4b:s5+s4], $0x80, v4, vm0, $0xb8;
	[tilespmem:$0x1E200] =	vst v63  }
0x138: {  	s25 =	simm.s32 $0x1D200  }
0x139: {  	[tilespmem:s25], [sflag:$0x5] =	stream.indirect_vreg.gather [hbm4b:s2+s4], $0x80, v3, vm0, $0xb8;
	[tilespmem:$0x1E200] =	vst v63  }
0x13a: {  	s31 =	simm.s32 $0x1DA00  }
0x13b: {  	[tilespmem:s31], [sflag:$0x5] =	stream.indirect_vreg.gather [hbm4b:s5+s4], $0x80, v3, vm0, $0xb8;
	[tilespmem:$0x1E200] =	vst v63  }
0x13c: {  	_ =	swait.ge [sflag:s21], $0x2000  }
0x13d: {  	[sflag:s21] =	ssyncset.done $0x0  }
0x13e: {  	[sflag:s21] =	ssyncadd.s32 $0xFFFFE000  }
0x13f: {  	_ =	swait.ge [sflag:s21], $0x4000  }
0x140: {  	[sflag:s21] =	ssyncset.done $0x0  }
0x141: {  	s6 =	rddreg [dreg:$0x7];
	[sflag:s21] =	ssyncadd.s32 $0xFFFFC000  }
0x142: {  	[hbm4b:s6+s4] =	stream.linear.scatter [tilespmem:s16], [sflag:$0x6], $0x2000, $0x38;
	[tilespmem:$0x1E200] =	vst v63  }
0x143: {  	s15 =	rddreg [dreg:$0x8]  }
0x144: {  	[hbm4b:s15+s4] =	stream.linear.scatter [tilespmem:s12], [sflag:$0x6], $0x4000, $0x38;
	[tilespmem:$0x1E200] =	vst v63  }
0x145: {  	_ =	swait.ge [sflag:s22], $0x2000  }
0x146: {  	[sflag:s22] =	ssyncset.done $0x0  }
0x147: {  	[sflag:s22] =	ssyncadd.s32 $0xFFFFE000  }
0x148: {  	_ =	swait.ge [sflag:s22], $0x4000  }
0x149: {  	[sflag:s22] =	ssyncset.done $0x0  }
0x14a: {  	[sflag:s22] =	ssyncadd.s32 $0xFFFFC000  }
0x14b: {  	v3 =	vld [tilespmem:$0xA0];
	_ =	sdelay $0x4  }
0x14c: {  	v20 =	vshll.u32 v3, $0x1  }
0x14d: {  	v3 =	vand.u32 $0x7, v3;
	v4 =	vand.u32 $0xFFFFFFF0, v20  }
0x14e: {  	v3 =	vor.u32 v3, v4  }
0x14f: {  	v4 =	vperm.xlane v3, v0;
	_ =	sdelay $0x1  }
0x150: {  	v3 =	vperm.xlane v3, v2;
	v4 =	vadd.s32 v1, v4;
	_ =	sdelay $0x1  }
0x151: {  	v3 =	vadd.s32 v1, v3;
	_ =	sdelay $0x2  }
0x152: {  	[tilespmem:s16], [sflag:$0x1] =	stream.indirect_vreg.gather [hbm4b:s0+s4], $0x80, v4, vm0, $0xb8;
	[tilespmem:$0x1E200] =	vst v63  }
0x153: {  	s23 =	simm.s32 $0xA00  }
0x154: {  	[tilespmem:s23], [sflag:$0x1] =	stream.indirect_vreg.gather [hbm4b:s0+s4], $0x80, v3, vm0, $0xb8;
	[tilespmem:$0x1E200] =	vst v63  }
0x155: {  	v3 =	vld [tilespmem:$0xB0];
	_ =	sdelay $0x4  }
0x156: {  	v21 =	vshll.u32 v3, $0x1  }
0x157: {  	v3 =	vand.u32 $0x7, v3;
	v4 =	vand.u32 $0xFFFFFFF0, v21  }
0x158: {  	v3 =	vor.u32 v3, v4  }
0x159: {  	v4 =	vperm.xlane v3, v0;
	_ =	sdelay $0x1  }
0x15a: {  	v3 =	vperm.xlane v3, v2;
	v4 =	vadd.s32 v1, v4;
	_ =	sdelay $0x1  }
0x15b: {  	v3 =	vadd.s32 v1, v3;
	_ =	sdelay $0x1  }
0x15c: {  	s23 =	simm.s32 $0x1200  }
0x15d: {  	[tilespmem:s23], [sflag:$0x1] =	stream.indirect_vreg.gather [hbm4b:s0+s4], $0x80, v4, vm0, $0xb8;
	[tilespmem:$0x1E200] =	vst v63  }
0x15e: {  	s24 =	simm.s32 $0x1A00  }
0x15f: {  	[tilespmem:s24], [sflag:$0x1] =	stream.indirect_vreg.gather [hbm4b:s0+s4], $0x80, v3, vm0, $0xb8;
	[tilespmem:$0x1E200] =	vst v63  }
0x160: {  	v3 =	vld [tilespmem:$0xA0];
	_ =	sdelay $0x4  }
0x161: {  	v22 =	vshll.u32 v3, $0x2  }
0x162: {  	v3 =	vand.u32 $0x7, v3;
	v4 =	vand.u32 $0xFFFFFFE0, v22  }
0x163: {  	v3 =	vor.u32 v3, v4  }
0x164: {  	v4 =	vperm.xlane v3, v0;
	_ =	sdelay $0x1  }
0x165: {  	v4 =	vadd.s32 v1, v4;
	_ =	sdelay $0x1  }
0x166: {  	v3 =	vperm.xlane v3, v2;
	_ =	sdelay $0x1  }
0x167: {  	v3 =	vadd.s32 v1, v3  }
0x168: {  	[tilespmem:s12], [sflag:$0x1] =	stream.indirect_vreg.gather [hbm4b:s2+s4], $0x80, v4, vm0, $0xb8;
	[tilespmem:$0x1E200] =	vst v63  }
0x169: {  	s24 =	simm.s32 $0xAA00  }
0x16a: {  	[tilespmem:s24], [sflag:$0x1] =	stream.indirect_vreg.gather [hbm4b:s5+s4], $0x80, v4, vm0, $0xb8;
	[tilespmem:$0x1E200] =	vst v63  }
0x16b: {  	s25 =	simm.s32 $0xB200  }
0x16c: {  	[tilespmem:s25], [sflag:$0x1] =	stream.indirect_vreg.gather [hbm4b:s2+s4], $0x80, v3, vm0, $0xb8;
	[tilespmem:$0x1E200] =	vst v63  }
0x16d: {  	s26 =	simm.s32 $0xBA00  }
0x16e: {  	[tilespmem:s26], [sflag:$0x1] =	stream.indirect_vreg.gather [hbm4b:s5+s4], $0x80, v3, vm0, $0xb8;
	[tilespmem:$0x1E200] =	vst v63  }
0x16f: {  	v3 =	vld [tilespmem:$0xB0];
	_ =	sdelay $0x4  }
0x170: {  	v23 =	vshll.u32 v3, $0x2  }
0x171: {  	v3 =	vand.u32 $0x7, v3;
	v4 =	vand.u32 $0xFFFFFFE0, v23  }
0x172: {  	v3 =	vor.u32 v3, v4  }
0x173: {  	v4 =	vperm.xlane v3, v0;
	_ =	sdelay $0x1  }
0x174: {  	v4 =	vadd.s32 v1, v4;
	_ =	sdelay $0x1  }
0x175: {  	v3 =	vperm.xlane v3, v2;
	_ =	sdelay $0x1  }
0x176: {  	s26 =	simm.s32 $0xC200;
	v3 =	vadd.s32 v1, v3  }
0x177: {  	[tilespmem:s26], [sflag:$0x1] =	stream.indirect_vreg.gather [hbm4b:s2+s4], $0x80, v4, vm0, $0xb8;
	[tilespmem:$0x1E200] =	vst v63  }
0x178: {  	s31 =	simm.s32 $0xCA00  }
0x179: {  	[tilespmem:s31], [sflag:$0x1] =	stream.indirect_vreg.gather [hbm4b:s5+s4], $0x80, v4, vm0, $0xb8;
	[tilespmem:$0x1E200] =	vst v63  }
0x17a: {  	s18 =	simm.s32 $0xD200  }
0x17b: {  	[tilespmem:s18], [sflag:$0x1] =	stream.indirect_vreg.gather [hbm4b:s2+s4], $0x80, v3, vm0, $0xb8;
	[tilespmem:$0x1E200] =	vst v63  }
0x17c: {  	s17 =	simm.s32 $0xDA00  }
0x17d: {  	[tilespmem:s17], [sflag:$0x1] =	stream.indirect_vreg.gather [hbm4b:s5+s4], $0x80, v3, vm0, $0xb8;
	[tilespmem:$0x1E200] =	vst v63  }
0x17e: {  	_ =	swait.ge [sflag:s28], $0x2000  }
0x17f: {  	[sflag:s28] =	ssyncset.done $0x0  }
0x180: {  	[sflag:s28] =	ssyncadd.s32 $0xFFFFE000  }
0x181: {  	_ =	swait.ge [sflag:s28], $0x4000  }
0x182: {  	[sflag:s28] =	ssyncset.done $0x0  }
0x183: {  	s6 =	simm.s32 $0x2200;
	s14 =	rddreg [dreg:$0x9];
	[sflag:s28] =	ssyncadd.s32 $0xFFFFC000  }
0x184: {  	[hbm4b:s14+s4] =	stream.linear.scatter [tilespmem:s6], [sflag:$0x7], $0x2000, $0x38;
	[tilespmem:$0x1E200] =	vst v63  }
0x185: {  	s1 =	simm.s32 $0xE200;
	s15 =	rddreg [dreg:$0xa]  }
0x186: {  	[hbm4b:s15+s4] =	stream.linear.scatter [tilespmem:s1], [sflag:$0x7], $0x4000, $0x38;
	[tilespmem:$0x1E200] =	vst v63  }
0x187: {  	_ =	swait.ge [sflag:s29], $0x2000  }
0x188: {  	[sflag:s29] =	ssyncset.done $0x0  }
0x189: {  	[sflag:s29] =	ssyncadd.s32 $0xFFFFE000  }
0x18a: {  	_ =	swait.ge [sflag:s29], $0x4000  }
0x18b: {  	[sflag:s29] =	ssyncset.done $0x0  }
0x18c: {  	[sflag:s29] =	ssyncadd.s32 $0xFFFFC000  }
0x18d: {  	v3 =	vld [tilespmem:$0xC0];
	_ =	sdelay $0x4  }
0x18e: {  	v24 =	vshll.u32 v3, $0x1  }
0x18f: {  	v3 =	vand.u32 $0x7, v3;
	v4 =	vand.u32 $0xFFFFFFF0, v24  }
0x190: {  	v3 =	vor.u32 v3, v4  }
0x191: {  	v4 =	vperm.xlane v3, v0;
	_ =	sdelay $0x1  }
0x192: {  	v3 =	vperm.xlane v3, v2;
	v4 =	vadd.s32 v1, v4;
	_ =	sdelay $0x1  }
0x193: {  	v3 =	vadd.s32 v1, v3;
	_ =	sdelay $0x2  }
0x194: {  	[tilespmem:s6], [sflag:$0x2] =	stream.indirect_vreg.gather [hbm4b:s0+s4], $0x80, v4, vm0, $0xb8;
	[tilespmem:$0x1E200] =	vst v63  }
0x195: {  	s15 =	simm.s32 $0x2A00  }
0x196: {  	[tilespmem:s15], [sflag:$0x2] =	stream.indirect_vreg.gather [hbm4b:s0+s4], $0x80, v3, vm0, $0xb8;
	[tilespmem:$0x1E200] =	vst v63  }
0x197: {  	v3 =	vld [tilespmem:$0xD0];
	_ =	sdelay $0x4  }
0x198: {  	v25 =	vshll.u32 v3, $0x1  }
0x199: {  	v3 =	vand.u32 $0x7, v3;
	v4 =	vand.u32 $0xFFFFFFF0, v25  }
0x19a: {  	v3 =	vor.u32 v3, v4  }
0x19b: {  	v4 =	vperm.xlane v3, v0;
	_ =	sdelay $0x1  }
0x19c: {  	v3 =	vperm.xlane v3, v2;
	v4 =	vadd.s32 v1, v4;
	_ =	sdelay $0x1  }
0x19d: {  	v3 =	vadd.s32 v1, v3;
	_ =	sdelay $0x1  }
0x19e: {  	s14 =	simm.s32 $0x3200  }
0x19f: {  	[tilespmem:s14], [sflag:$0x2] =	stream.indirect_vreg.gather [hbm4b:s0+s4], $0x80, v4, vm0, $0xb8;
	[tilespmem:$0x1E200] =	vst v63  }
0x1a0: {  	s15 =	simm.s32 $0x3A00  }
0x1a1: {  	[tilespmem:s15], [sflag:$0x2] =	stream.indirect_vreg.gather [hbm4b:s0+s4], $0x80, v3, vm0, $0xb8;
	[tilespmem:$0x1E200] =	vst v63  }
0x1a2: {  	v3 =	vld [tilespmem:$0xC0];
	_ =	sdelay $0x4  }
0x1a3: {  	v26 =	vshll.u32 v3, $0x2  }
0x1a4: {  	v3 =	vand.u32 $0x7, v3;
	v4 =	vand.u32 $0xFFFFFFE0, v26  }
0x1a5: {  	v3 =	vor.u32 v3, v4  }
0x1a6: {  	v4 =	vperm.xlane v3, v0;
	_ =	sdelay $0x1  }
0x1a7: {  	v4 =	vadd.s32 v1, v4;
	_ =	sdelay $0x1  }
0x1a8: {  	v3 =	vperm.xlane v3, v2;
	_ =	sdelay $0x1  }
0x1a9: {  	v3 =	vadd.s32 v1, v3  }
0x1aa: {  	[tilespmem:s1], [sflag:$0x2] =	stream.indirect_vreg.gather [hbm4b:s2+s4], $0x80, v4, vm0, $0xb8;
	[tilespmem:$0x1E200] =	vst v63  }
0x1ab: {  	s14 =	simm.s32 $0xEA00  }
0x1ac: {  	[tilespmem:s14], [sflag:$0x2] =	stream.indirect_vreg.gather [hbm4b:s5+s4], $0x80, v4, vm0, $0xb8;
	[tilespmem:$0x1E200] =	vst v63  }
0x1ad: {  	s15 =	simm.s32 $0xF200  }
0x1ae: {  	[tilespmem:s15], [sflag:$0x2] =	stream.indirect_vreg.gather [hbm4b:s2+s4], $0x80, v3, vm0, $0xb8;
	[tilespmem:$0x1E200] =	vst v63  }
0x1af: {  	s6 =	simm.s32 $0xFA00  }
0x1b0: {  	[tilespmem:s6], [sflag:$0x2] =	stream.indirect_vreg.gather [hbm4b:s5+s4], $0x80, v3, vm0, $0xb8;
	[tilespmem:$0x1E200] =	vst v63  }
0x1b1: {  	v3 =	vld [tilespmem:$0xD0];
	_ =	sdelay $0x4  }
0x1b2: {  	v27 =	vshll.u32 v3, $0x2  }
0x1b3: {  	v3 =	vand.u32 $0x7, v3;
	v4 =	vand.u32 $0xFFFFFFE0, v27  }
0x1b4: {  	v3 =	vor.u32 v3, v4  }
0x1b5: {  	v4 =	vperm.xlane v3, v0;
	_ =	sdelay $0x1  }
0x1b6: {  	v4 =	vadd.s32 v1, v4;
	_ =	sdelay $0x1  }
0x1b7: {  	v3 =	vperm.xlane v3, v2;
	_ =	sdelay $0x1  }
0x1b8: {  	s14 =	simm.s32 $0x10200;
	v3 =	vadd.s32 v1, v3  }
0x1b9: {  	[tilespmem:s14], [sflag:$0x2] =	stream.indirect_vreg.gather [hbm4b:s2+s4], $0x80, v4, vm0, $0xb8;
	[tilespmem:$0x1E200] =	vst v63  }
0x1ba: {  	s15 =	simm.s32 $0x10A00  }
0x1bb: {  	[tilespmem:s15], [sflag:$0x2] =	stream.indirect_vreg.gather [hbm4b:s5+s4], $0x80, v4, vm0, $0xb8;
	[tilespmem:$0x1E200] =	vst v63  }
0x1bc: {  	s6 =	simm.s32 $0x11200  }
0x1bd: {  	[tilespmem:s6], [sflag:$0x2] =	stream.indirect_vreg.gather [hbm4b:s2+s4], $0x80, v3, vm0, $0xb8;
	[tilespmem:$0x1E200] =	vst v63  }
0x1be: {  	s14 =	simm.s32 $0x11A00  }
0x1bf: {  	[tilespmem:s14], [sflag:$0x2] =	stream.indirect_vreg.gather [hbm4b:s5+s4], $0x80, v3, vm0, $0xb8;
	[tilespmem:$0x1E200] =	vst v63  }
0x1c0: {  	_ =	swait.ge [sflag:s30], $0x2000  }
0x1c1: {  	[sflag:s30] =	ssyncset.done $0x0  }
0x1c2: {  	[sflag:s30] =	ssyncadd.s32 $0xFFFFE000  }
0x1c3: {  	_ =	swait.ge [sflag:s30], $0x4000  }
0x1c4: {  	[sflag:s30] =	ssyncset.done $0x0  }
0x1c5: {  	s6 =	simm.s32 $0x4200;
	s15 =	rddreg [dreg:$0xb];
	[sflag:s30] =	ssyncadd.s32 $0xFFFFC000  }
0x1c6: {  	[hbm4b:s15+s4] =	stream.linear.scatter [tilespmem:s6], [sflag:$0x8], $0x2000, $0x38;
	[tilespmem:$0x1E200] =	vst v63  }
0x1c7: {  	s7 =	simm.s32 $0x12200;
	s1 =	rddreg [dreg:$0xc]  }
0x1c8: {  	[hbm4b:s1+s4] =	stream.linear.scatter [tilespmem:s7], [sflag:$0x8], $0x4000, $0x38;
	[tilespmem:$0x1E200] =	vst v63  }
0x1c9: {  	_ =	swait.ge [sflag:s3], $0x2000  }
0x1ca: {  	[sflag:s3] =	ssyncset.done $0x0  }
0x1cb: {  	[sflag:s3] =	ssyncadd.s32 $0xFFFFE000  }
0x1cc: {  	_ =	swait.ge [sflag:s3], $0x4000  }
0x1cd: {  	[sflag:s3] =	ssyncset.done $0x0  }
0x1ce: {  	[sflag:s3] =	ssyncadd.s32 $0xFFFFC000  }
0x1cf: {  	v3 =	vld [tilespmem:$0xE0];
	_ =	sdelay $0x4  }
0x1d0: {  	v28 =	vshll.u32 v3, $0x1  }
0x1d1: {  	v3 =	vand.u32 $0x7, v3;
	v4 =	vand.u32 $0xFFFFFFF0, v28  }
0x1d2: {  	v3 =	vor.u32 v3, v4  }
0x1d3: {  	v4 =	vperm.xlane v3, v0;
	_ =	sdelay $0x1  }
0x1d4: {  	v3 =	vperm.xlane v3, v2;
	v4 =	vadd.s32 v1, v4;
	_ =	sdelay $0x1  }
0x1d5: {  	v3 =	vadd.s32 v1, v3;
	_ =	sdelay $0x2  }
0x1d6: {  	[tilespmem:s6], [sflag:$0x3] =	stream.indirect_vreg.gather [hbm4b:s0+s4], $0x80, v4, vm0, $0xb8;
	[tilespmem:$0x1E200] =	vst v63  }
0x1d7: {  	s14 =	simm.s32 $0x4A00  }
0x1d8: {  	[tilespmem:s14], [sflag:$0x3] =	stream.indirect_vreg.gather [hbm4b:s0+s4], $0x80, v3, vm0, $0xb8;
	[tilespmem:$0x1E200] =	vst v63  }
0x1d9: {  	v3 =	vld [tilespmem:$0xF0];
	_ =	sdelay $0x4  }
0x1da: {  	v29 =	vshll.u32 v3, $0x1  }
0x1db: {  	v3 =	vand.u32 $0x7, v3;
	v4 =	vand.u32 $0xFFFFFFF0, v29  }
0x1dc: {  	v3 =	vor.u32 v3, v4  }
0x1dd: {  	v4 =	vperm.xlane v3, v0;
	_ =	sdelay $0x1  }
0x1de: {  	v3 =	vperm.xlane v3, v2;
	v4 =	vadd.s32 v1, v4;
	_ =	sdelay $0x1  }
0x1df: {  	v3 =	vadd.s32 v1, v3;
	_ =	sdelay $0x1  }
0x1e0: {  	s15 =	simm.s32 $0x5200  }
0x1e1: {  	[tilespmem:s15], [sflag:$0x3] =	stream.indirect_vreg.gather [hbm4b:s0+s4], $0x80, v4, vm0, $0xb8;
	[tilespmem:$0x1E200] =	vst v63  }
0x1e2: {  	s6 =	simm.s32 $0x5A00  }
0x1e3: {  	[tilespmem:s6], [sflag:$0x3] =	stream.indirect_vreg.gather [hbm4b:s0+s4], $0x80, v3, vm0, $0xb8;
	[tilespmem:$0x1E200] =	vst v63  }
0x1e4: {  	v3 =	vld [tilespmem:$0xE0];
	_ =	sdelay $0x4  }
0x1e5: {  	v30 =	vshll.u32 v3, $0x2  }
0x1e6: {  	v3 =	vand.u32 $0x7, v3;
	v4 =	vand.u32 $0xFFFFFFE0, v30  }
0x1e7: {  	v3 =	vor.u32 v3, v4  }
0x1e8: {  	v4 =	vperm.xlane v3, v0;
	_ =	sdelay $0x1  }
0x1e9: {  	v4 =	vadd.s32 v1, v4;
	_ =	sdelay $0x1  }
0x1ea: {  	v3 =	vperm.xlane v3, v2;
	_ =	sdelay $0x1  }
0x1eb: {  	v3 =	vadd.s32 v1, v3  }
0x1ec: {  	[tilespmem:s7], [sflag:$0x3] =	stream.indirect_vreg.gather [hbm4b:s2+s4], $0x80, v4, vm0, $0xb8;
	[tilespmem:$0x1E200] =	vst v63  }
0x1ed: {  	s7 =	simm.s32 $0x12A00  }
0x1ee: {  	[tilespmem:s7], [sflag:$0x3] =	stream.indirect_vreg.gather [hbm4b:s5+s4], $0x80, v4, vm0, $0xb8;
	[tilespmem:$0x1E200] =	vst v63  }
0x1ef: {  	s14 =	simm.s32 $0x13200  }
0x1f0: {  	[tilespmem:s14], [sflag:$0x3] =	stream.indirect_vreg.gather [hbm4b:s2+s4], $0x80, v3, vm0, $0xb8;
	[tilespmem:$0x1E200] =	vst v63  }
0x1f1: {  	s15 =	simm.s32 $0x13A00  }
0x1f2: {  	[tilespmem:s15], [sflag:$0x3] =	stream.indirect_vreg.gather [hbm4b:s5+s4], $0x80, v3, vm0, $0xb8;
	[tilespmem:$0x1E200] =	vst v63  }
0x1f3: {  	v3 =	vld [tilespmem:$0xF0];
	_ =	sdelay $0x4  }
0x1f4: {  	v31 =	vshll.u32 v3, $0x2  }
0x1f5: {  	v3 =	vand.u32 $0x7, v3;
	v4 =	vand.u32 $0xFFFFFFE0, v31  }
0x1f6: {  	v3 =	vor.u32 v3, v4  }
0x1f7: {  	v4 =	vperm.xlane v3, v0;
	_ =	sdelay $0x1  }
0x1f8: {  	v4 =	vadd.s32 v1, v4;
	_ =	sdelay $0x1  }
0x1f9: {  	v3 =	vperm.xlane v3, v2;
	_ =	sdelay $0x1  }
0x1fa: {  	s6 =	simm.s32 $0x14200;
	v3 =	vadd.s32 v1, v3  }
0x1fb: {  	[tilespmem:s6], [sflag:$0x3] =	stream.indirect_vreg.gather [hbm4b:s2+s4], $0x80, v4, vm0, $0xb8;
	[tilespmem:$0x1E200] =	vst v63  }
0x1fc: {  	s7 =	simm.s32 $0x14A00  }
0x1fd: {  	[tilespmem:s7], [sflag:$0x3] =	stream.indirect_vreg.gather [hbm4b:s5+s4], $0x80, v4, vm0, $0xb8;
	[tilespmem:$0x1E200] =	vst v63  }
0x1fe: {  	s14 =	simm.s32 $0x15200  }
0x1ff: {  	[tilespmem:s14], [sflag:$0x3] =	stream.indirect_vreg.gather [hbm4b:s2+s4], $0x80, v3, vm0, $0xb8;
	[tilespmem:$0x1E200] =	vst v63  }
0x200: {  	s15 =	simm.s32 $0x15A00  }
0x201: {  	[tilespmem:s15], [sflag:$0x3] =	stream.indirect_vreg.gather [hbm4b:s5+s4], $0x80, v3, vm0, $0xb8;
	[tilespmem:$0x1E200] =	vst v63  }
0x202: {  	_ =	swait.ge [sflag:s9], $0x2000  }
0x203: {  	[sflag:s9] =	ssyncset.done $0x0  }
0x204: {  	[sflag:s9] =	ssyncadd.s32 $0xFFFFE000  }
0x205: {  	_ =	swait.ge [sflag:s9], $0x4000  }
0x206: {  	[sflag:s9] =	ssyncset.done $0x0  }
0x207: {  	s7 =	simm.s32 $0x6200;
	s1 =	rddreg [dreg:$0xd];
	[sflag:s9] =	ssyncadd.s32 $0xFFFFC000  }
0x208: {  	[hbm4b:s1+s4] =	stream.linear.scatter [tilespmem:s7], [sflag:$0x9], $0x2000, $0x38;
	[tilespmem:$0x1E200] =	vst v63  }
0x209: {  	s8 =	simm.s32 $0x16200;
	s6 =	rddreg [dreg:$0xe]  }
0x20a: {  	[hbm4b:s6+s4] =	stream.linear.scatter [tilespmem:s8], [sflag:$0x9], $0x4000, $0x38;
	[tilespmem:$0x1E200] =	vst v63  }
0x20b: {  	_ =	swait.ge [sflag:s10], $0x2000  }
0x20c: {  	[sflag:s10] =	ssyncset.done $0x0  }
0x20d: {  	[sflag:s10] =	ssyncadd.s32 $0xFFFFE000  }
0x20e: {  	_ =	swait.ge [sflag:s10], $0x4000  }
0x20f: {  	[sflag:s10] =	ssyncset.done $0x0  }
0x210: {  	[sflag:s10] =	ssyncadd.s32 $0xFFFFC000  }
0x211: {  	v3 =	vld [tilespmem:$0x100];
	_ =	sdelay $0x4  }
0x212: {  	v32 =	vshll.u32 v3, $0x1  }
0x213: {  	v3 =	vand.u32 $0x7, v3;
	v4 =	vand.u32 $0xFFFFFFF0, v32  }
0x214: {  	v3 =	vor.u32 v3, v4  }
0x215: {  	v4 =	vperm.xlane v3, v0;
	_ =	sdelay $0x1  }
0x216: {  	v3 =	vperm.xlane v3, v2;
	v4 =	vadd.s32 v1, v4;
	_ =	sdelay $0x1  }
0x217: {  	v3 =	vadd.s32 v1, v3;
	_ =	sdelay $0x2  }
0x218: {  	[tilespmem:s7], [sflag:$0x4] =	stream.indirect_vreg.gather [hbm4b:s0+s4], $0x80, v4, vm0, $0xb8;
	[tilespmem:$0x1E200] =	vst v63  }
0x219: {  	s15 =	simm.s32 $0x6A00  }
0x21a: {  	[tilespmem:s15], [sflag:$0x4] =	stream.indirect_vreg.gather [hbm4b:s0+s4], $0x80, v3, vm0, $0xb8;
	[tilespmem:$0x1E200] =	vst v63  }
0x21b: {  	v3 =	vld [tilespmem:$0x110];
	_ =	sdelay $0x4  }
0x21c: {  	v33 =	vshll.u32 v3, $0x1  }
0x21d: {  	v3 =	vand.u32 $0x7, v3;
	v4 =	vand.u32 $0xFFFFFFF0, v33  }
0x21e: {  	v3 =	vor.u32 v3, v4  }
0x21f: {  	v4 =	vperm.xlane v3, v0;
	_ =	sdelay $0x1  }
0x220: {  	v3 =	vperm.xlane v3, v2;
	v4 =	vadd.s32 v1, v4;
	_ =	sdelay $0x1  }
0x221: {  	v3 =	vadd.s32 v1, v3;
	_ =	sdelay $0x1  }
0x222: {  	s6 =	simm.s32 $0x7200  }
0x223: {  	[tilespmem:s6], [sflag:$0x4] =	stream.indirect_vreg.gather [hbm4b:s0+s4], $0x80, v4, vm0, $0xb8;
	[tilespmem:$0x1E200] =	vst v63  }
0x224: {  	s7 =	simm.s32 $0x7A00  }
0x225: {  	[tilespmem:s7], [sflag:$0x4] =	stream.indirect_vreg.gather [hbm4b:s0+s4], $0x80, v3, vm0, $0xb8;
	[tilespmem:$0x1E200] =	vst v63  }
0x226: {  	v3 =	vld [tilespmem:$0x100];
	_ =	sdelay $0x4  }
0x227: {  	v34 =	vshll.u32 v3, $0x2  }
0x228: {  	v3 =	vand.u32 $0x7, v3;
	v4 =	vand.u32 $0xFFFFFFE0, v34  }
0x229: {  	v3 =	vor.u32 v3, v4  }
0x22a: {  	v4 =	vperm.xlane v3, v0;
	_ =	sdelay $0x1  }
0x22b: {  	v4 =	vadd.s32 v1, v4;
	_ =	sdelay $0x1  }
0x22c: {  	v3 =	vperm.xlane v3, v2;
	_ =	sdelay $0x1  }
0x22d: {  	v3 =	vadd.s32 v1, v3  }
0x22e: {  	[tilespmem:s8], [sflag:$0x4] =	stream.indirect_vreg.gather [hbm4b:s2+s4], $0x80, v4, vm0, $0xb8;
	[tilespmem:$0x1E200] =	vst v63  }
0x22f: {  	s8 =	simm.s32 $0x16A00  }
0x230: {  	[tilespmem:s8], [sflag:$0x4] =	stream.indirect_vreg.gather [hbm4b:s5+s4], $0x80, v4, vm0, $0xb8;
	[tilespmem:$0x1E200] =	vst v63  }
0x231: {  	s14 =	simm.s32 $0x17200  }
0x232: {  	[tilespmem:s14], [sflag:$0x4] =	stream.indirect_vreg.gather [hbm4b:s2+s4], $0x80, v3, vm0, $0xb8;
	[tilespmem:$0x1E200] =	vst v63  }
0x233: {  	s15 =	simm.s32 $0x17A00  }
0x234: {  	[tilespmem:s15], [sflag:$0x4] =	stream.indirect_vreg.gather [hbm4b:s5+s4], $0x80, v3, vm0, $0xb8;
	[tilespmem:$0x1E200] =	vst v63  }
0x235: {  	v3 =	vld [tilespmem:$0x110];
	_ =	sdelay $0x4  }
0x236: {  	v35 =	vshll.u32 v3, $0x2  }
0x237: {  	v3 =	vand.u32 $0x7, v3;
	v4 =	vand.u32 $0xFFFFFFE0, v35  }
0x238: {  	v3 =	vor.u32 v3, v4  }
0x239: {  	v4 =	vperm.xlane v3, v0;
	_ =	sdelay $0x1  }
0x23a: {  	v4 =	vadd.s32 v1, v4;
	_ =	sdelay $0x1  }
0x23b: {  	v3 =	vperm.xlane v3, v2;
	_ =	sdelay $0x1  }
0x23c: {  	s6 =	simm.s32 $0x18200;
	v3 =	vadd.s32 v1, v3  }
0x23d: {  	[tilespmem:s6], [sflag:$0x4] =	stream.indirect_vreg.gather [hbm4b:s2+s4], $0x80, v4, vm0, $0xb8;
	[tilespmem:$0x1E200] =	vst v63  }
0x23e: {  	s7 =	simm.s32 $0x18A00  }
0x23f: {  	[tilespmem:s7], [sflag:$0x4] =	stream.indirect_vreg.gather [hbm4b:s5+s4], $0x80, v4, vm0, $0xb8;
	[tilespmem:$0x1E200] =	vst v63  }
0x240: {  	s8 =	simm.s32 $0x19200  }
0x241: {  	[tilespmem:s8], [sflag:$0x4] =	stream.indirect_vreg.gather [hbm4b:s2+s4], $0x80, v3, vm0, $0xb8;
	[tilespmem:$0x1E200] =	vst v63  }
0x242: {  	s14 =	simm.s32 $0x19A00  }
0x243: {  	[tilespmem:s14], [sflag:$0x4] =	stream.indirect_vreg.gather [hbm4b:s5+s4], $0x80, v3, vm0, $0xb8;
	[tilespmem:$0x1E200] =	vst v63  }
0x244: {  	_ =	swait.ge [sflag:s11], $0x2000  }
0x245: {  	[sflag:s11] =	ssyncset.done $0x0  }
0x246: {  	[sflag:s11] =	ssyncadd.s32 $0xFFFFE000  }
0x247: {  	_ =	swait.ge [sflag:s11], $0x4000  }
0x248: {  	[sflag:s11] =	ssyncset.done $0x0  }
0x249: {  	s6 =	simm.s32 $0x8200;
	s15 =	rddreg [dreg:$0xf];
	[sflag:s11] =	ssyncadd.s32 $0xFFFFC000  }
0x24a: {  	[hbm4b:s15+s4] =	stream.linear.scatter [tilespmem:s6], [sflag:$0xA], $0x2000, $0x38;
	[tilespmem:$0x1E200] =	vst v63  }
0x24b: {  	s1 =	rddreg [dreg:$0x10]  }
0x24c: {  	[hbm4b:s1+s4] =	stream.linear.scatter [tilespmem:s20], [sflag:$0xA], $0x4000, $0x38;
	[tilespmem:$0x1E200] =	vst v63  }
0x24d: {  	_ =	swait.ge [sflag:s13], $0x2000  }
0x24e: {  	[sflag:s13] =	ssyncset.done $0x0  }
0x24f: {  	[sflag:s13] =	ssyncadd.s32 $0xFFFFE000  }
0x250: {  	_ =	swait.ge [sflag:s13], $0x4000  }
0x251: {  	[sflag:s13] =	ssyncset.done $0x0  }
0x252: {  	[sflag:s13] =	ssyncadd.s32 $0xFFFFC000  }
0x253: {  	v3 =	vld [tilespmem:$0x120];
	_ =	sdelay $0x4  }
0x254: {  	v36 =	vshll.u32 v3, $0x1  }
0x255: {  	v3 =	vand.u32 $0x7, v3;
	v4 =	vand.u32 $0xFFFFFFF0, v36  }
0x256: {  	v3 =	vor.u32 v3, v4  }
0x257: {  	v4 =	vperm.xlane v3, v0;
	_ =	sdelay $0x1  }
0x258: {  	v3 =	vperm.xlane v3, v2;
	v4 =	vadd.s32 v1, v4;
	_ =	sdelay $0x1  }
0x259: {  	v3 =	vadd.s32 v1, v3;
	_ =	sdelay $0x2  }
0x25a: {  	[tilespmem:s6], [sflag:$0x5] =	stream.indirect_vreg.gather [hbm4b:s0+s4], $0x80, v4, vm0, $0xb8;
	[tilespmem:$0x1E200] =	vst v63  }
0x25b: {  	s7 =	simm.s32 $0x8A00  }
0x25c: {  	[tilespmem:s7], [sflag:$0x5] =	stream.indirect_vreg.gather [hbm4b:s0+s4], $0x80, v3, vm0, $0xb8;
	[tilespmem:$0x1E200] =	vst v63  }
0x25d: {  	v3 =	vld [tilespmem:$0x130];
	_ =	sdelay $0x4  }
0x25e: {  	v37 =	vshll.u32 v3, $0x1  }
0x25f: {  	v3 =	vand.u32 $0x7, v3;
	v4 =	vand.u32 $0xFFFFFFF0, v37  }
0x260: {  	v3 =	vor.u32 v3, v4  }
0x261: {  	v4 =	vperm.xlane v3, v0;
	_ =	sdelay $0x1  }
0x262: {  	v3 =	vperm.xlane v3, v2;
	v4 =	vadd.s32 v1, v4;
	_ =	sdelay $0x1  }
0x263: {  	v3 =	vadd.s32 v1, v3;
	_ =	sdelay $0x1  }
0x264: {  	s7 =	simm.s32 $0x9200  }
0x265: {  	[tilespmem:s7], [sflag:$0x5] =	stream.indirect_vreg.gather [hbm4b:s0+s4], $0x80, v4, vm0, $0xb8;
	[tilespmem:$0x1E200] =	vst v63  }
0x266: {  	s8 =	simm.s32 $0x9A00  }
0x267: {  	[tilespmem:s8], [sflag:$0x5] =	stream.indirect_vreg.gather [hbm4b:s0+s4], $0x80, v3, vm0, $0xb8;
	[tilespmem:$0x1E200] =	vst v63  }
0x268: {  	v3 =	vld [tilespmem:$0x120];
	_ =	sdelay $0x4  }
0x269: {  	v38 =	vshll.u32 v3, $0x2  }
0x26a: {  	v3 =	vand.u32 $0x7, v3;
	v4 =	vand.u32 $0xFFFFFFE0, v38  }
0x26b: {  	v3 =	vor.u32 v3, v4  }
0x26c: {  	v4 =	vperm.xlane v3, v0;
	_ =	sdelay $0x1  }
0x26d: {  	v4 =	vadd.s32 v1, v4;
	_ =	sdelay $0x1  }
0x26e: {  	v3 =	vperm.xlane v3, v2;
	_ =	sdelay $0x1  }
0x26f: {  	v3 =	vadd.s32 v1, v3  }
0x270: {  	[tilespmem:s20], [sflag:$0x5] =	stream.indirect_vreg.gather [hbm4b:s2+s4], $0x80, v4, vm0, $0xb8;
	[tilespmem:$0x1E200] =	vst v63  }
0x271: {  	s14 =	simm.s32 $0x1AA00  }
0x272: {  	[tilespmem:s14], [sflag:$0x5] =	stream.indirect_vreg.gather [hbm4b:s5+s4], $0x80, v4, vm0, $0xb8;
	[tilespmem:$0x1E200] =	vst v63  }
0x273: {  	s15 =	simm.s32 $0x1B200  }
0x274: {  	[tilespmem:s15], [sflag:$0x5] =	stream.indirect_vreg.gather [hbm4b:s2+s4], $0x80, v3, vm0, $0xb8;
	[tilespmem:$0x1E200] =	vst v63  }
0x275: {  	s1 =	simm.s32 $0x1BA00  }
0x276: {  	[tilespmem:s1], [sflag:$0x5] =	stream.indirect_vreg.gather [hbm4b:s5+s4], $0x80, v3, vm0, $0xb8;
	[tilespmem:$0x1E200] =	vst v63  }
0x277: {  	v3 =	vld [tilespmem:$0x130];
	_ =	sdelay $0x4  }
0x278: {  	v39 =	vshll.u32 v3, $0x2  }
0x279: {  	v3 =	vand.u32 $0x7, v3;
	v4 =	vand.u32 $0xFFFFFFE0, v39  }
0x27a: {  	v3 =	vor.u32 v3, v4  }
0x27b: {  	v4 =	vperm.xlane v3, v0;
	_ =	sdelay $0x1  }
0x27c: {  	v4 =	vadd.s32 v1, v4;
	_ =	sdelay $0x1  }
0x27d: {  	v3 =	vperm.xlane v3, v2;
	_ =	sdelay $0x1  }
0x27e: {  	s8 =	simm.s32 $0x1C200;
	v3 =	vadd.s32 v1, v3  }
0x27f: {  	[tilespmem:s8], [sflag:$0x5] =	stream.indirect_vreg.gather [hbm4b:s2+s4], $0x80, v4, vm0, $0xb8;
	[tilespmem:$0x1E200] =	vst v63  }
0x280: {  	s14 =	simm.s32 $0x1CA00  }
0x281: {  	[tilespmem:s14], [sflag:$0x5] =	stream.indirect_vreg.gather [hbm4b:s5+s4], $0x80, v4, vm0, $0xb8;
	[tilespmem:$0x1E200] =	vst v63  }
0x282: {  	s15 =	simm.s32 $0x1D200  }
0x283: {  	[tilespmem:s15], [sflag:$0x5] =	stream.indirect_vreg.gather [hbm4b:s2+s4], $0x80, v3, vm0, $0xb8;
	[tilespmem:$0x1E200] =	vst v63  }
0x284: {  	s1 =	simm.s32 $0x1DA00  }
0x285: {  	[tilespmem:s1], [sflag:$0x5] =	stream.indirect_vreg.gather [hbm4b:s5+s4], $0x80, v3, vm0, $0xb8;
	[tilespmem:$0x1E200] =	vst v63  }
0x286: {  	_ =	swait.ge [sflag:s21], $0x2000  }
0x287: {  	[sflag:s21] =	ssyncset.done $0x0  }
0x288: {  	[sflag:s21] =	ssyncadd.s32 $0xFFFFE000  }
0x289: {  	_ =	swait.ge [sflag:s21], $0x4000  }
0x28a: {  	[sflag:s21] =	ssyncset.done $0x0  }
0x28b: {  	s6 =	rddreg [dreg:$0x11];
	[sflag:s21] =	ssyncadd.s32 $0xFFFFC000  }
0x28c: {  	[hbm4b:s6+s4] =	stream.linear.scatter [tilespmem:s16], [sflag:$0x6], $0x2000, $0x38;
	[tilespmem:$0x1E200] =	vst v63  }
0x28d: {  	s8 =	rddreg [dreg:$0x12]  }
0x28e: {  	[hbm4b:s8+s4] =	stream.linear.scatter [tilespmem:s12], [sflag:$0x6], $0x4000, $0x38;
	[tilespmem:$0x1E200] =	vst v63  }
0x28f: {  	_ =	swait.ge [sflag:s22], $0x2000  }
0x290: {  	[sflag:s22] =	ssyncset.done $0x0  }
0x291: {  	[sflag:s22] =	ssyncadd.s32 $0xFFFFE000  }
0x292: {  	_ =	swait.ge [sflag:s22], $0x4000  }
0x293: {  	[sflag:s22] =	ssyncset.done $0x0  }
0x294: {  	[sflag:s22] =	ssyncadd.s32 $0xFFFFC000  }
0x295: {  	v3 =	vld [tilespmem:$0x140];
	_ =	sdelay $0x4  }
0x296: {  	v40 =	vshll.u32 v3, $0x1  }
0x297: {  	v3 =	vand.u32 $0x7, v3;
	v4 =	vand.u32 $0xFFFFFFF0, v40  }
0x298: {  	v3 =	vor.u32 v3, v4  }
0x299: {  	v4 =	vperm.xlane v3, v0;
	_ =	sdelay $0x1  }
0x29a: {  	v3 =	vperm.xlane v3, v2;
	v4 =	vadd.s32 v1, v4;
	_ =	sdelay $0x1  }
0x29b: {  	v3 =	vadd.s32 v1, v3;
	_ =	sdelay $0x2  }
0x29c: {  	[tilespmem:s16], [sflag:$0x1] =	stream.indirect_vreg.gather [hbm4b:s0+s4], $0x80, v4, vm0, $0xb8;
	[tilespmem:$0x1E200] =	vst v63  }
0x29d: {  	s1 =	simm.s32 $0xA00  }
0x29e: {  	[tilespmem:s1], [sflag:$0x1] =	stream.indirect_vreg.gather [hbm4b:s0+s4], $0x80, v3, vm0, $0xb8;
	[tilespmem:$0x1E200] =	vst v63  }
0x29f: {  	v3 =	vld [tilespmem:$0x150];
	_ =	sdelay $0x4  }
0x2a0: {  	v41 =	vshll.u32 v3, $0x1  }
0x2a1: {  	v3 =	vand.u32 $0x7, v3;
	v4 =	vand.u32 $0xFFFFFFF0, v41  }
0x2a2: {  	v3 =	vor.u32 v3, v4  }
0x2a3: {  	v4 =	vperm.xlane v3, v0;
	_ =	sdelay $0x1  }
0x2a4: {  	v3 =	vperm.xlane v3, v2;
	v4 =	vadd.s32 v1, v4;
	_ =	sdelay $0x1  }
0x2a5: {  	v3 =	vadd.s32 v1, v3;
	_ =	sdelay $0x2  }
0x2a6: {  	[tilespmem:s23], [sflag:$0x1] =	stream.indirect_vreg.gather [hbm4b:s0+s4], $0x80, v4, vm0, $0xb8;
	[tilespmem:$0x1E200] =	vst v63  }
0x2a7: {  	s8 =	simm.s32 $0x1A00  }
0x2a8: {  	[tilespmem:s8], [sflag:$0x1] =	stream.indirect_vreg.gather [hbm4b:s0+s4], $0x80, v3, vm0, $0xb8;
	[tilespmem:$0x1E200] =	vst v63  }
0x2a9: {  	v3 =	vld [tilespmem:$0x140];
	_ =	sdelay $0x4  }
0x2aa: {  	v42 =	vshll.u32 v3, $0x2  }
0x2ab: {  	v3 =	vand.u32 $0x7, v3;
	v4 =	vand.u32 $0xFFFFFFE0, v42  }
0x2ac: {  	v3 =	vor.u32 v3, v4  }
0x2ad: {  	v4 =	vperm.xlane v3, v0;
	_ =	sdelay $0x1  }
0x2ae: {  	v4 =	vadd.s32 v1, v4;
	_ =	sdelay $0x1  }
0x2af: {  	v3 =	vperm.xlane v3, v2;
	_ =	sdelay $0x1  }
0x2b0: {  	v3 =	vadd.s32 v1, v3  }
0x2b1: {  	[tilespmem:s12], [sflag:$0x1] =	stream.indirect_vreg.gather [hbm4b:s2+s4], $0x80, v4, vm0, $0xb8;
	[tilespmem:$0x1E200] =	vst v63  }
0x2b2: {  	_ = 	snop  }
0x2b3: {  	[tilespmem:s24], [sflag:$0x1] =	stream.indirect_vreg.gather [hbm4b:s5+s4], $0x80, v4, vm0, $0xb8;
	[tilespmem:$0x1E200] =	vst v63  }
0x2b4: {  	_ = 	snop  }
0x2b5: {  	[tilespmem:s25], [sflag:$0x1] =	stream.indirect_vreg.gather [hbm4b:s2+s4], $0x80, v3, vm0, $0xb8;
	[tilespmem:$0x1E200] =	vst v63  }
0x2b6: {  	s14 =	simm.s32 $0xBA00  }
0x2b7: {  	[tilespmem:s14], [sflag:$0x1] =	stream.indirect_vreg.gather [hbm4b:s5+s4], $0x80, v3, vm0, $0xb8;
	[tilespmem:$0x1E200] =	vst v63  }
0x2b8: {  	v3 =	vld [tilespmem:$0x150];
	_ =	sdelay $0x4  }
0x2b9: {  	v43 =	vshll.u32 v3, $0x2  }
0x2ba: {  	v3 =	vand.u32 $0x7, v3;
	v4 =	vand.u32 $0xFFFFFFE0, v43  }
0x2bb: {  	v3 =	vor.u32 v3, v4  }
0x2bc: {  	v4 =	vperm.xlane v3, v0;
	_ =	sdelay $0x1  }
0x2bd: {  	v4 =	vadd.s32 v1, v4;
	_ =	sdelay $0x1  }
0x2be: {  	v3 =	vperm.xlane v3, v2;
	_ =	sdelay $0x1  }
0x2bf: {  	v3 =	vadd.s32 v1, v3  }
0x2c0: {  	[tilespmem:s26], [sflag:$0x1] =	stream.indirect_vreg.gather [hbm4b:s2+s4], $0x80, v4, vm0, $0xb8;
	[tilespmem:$0x1E200] =	vst v63  }
0x2c1: {  	_ = 	snop  }
0x2c2: {  	[tilespmem:s31], [sflag:$0x1] =	stream.indirect_vreg.gather [hbm4b:s5+s4], $0x80, v4, vm0, $0xb8;
	[tilespmem:$0x1E200] =	vst v63  }
0x2c3: {  	_ = 	snop  }
0x2c4: {  	[tilespmem:s18], [sflag:$0x1] =	stream.indirect_vreg.gather [hbm4b:s2+s4], $0x80, v3, vm0, $0xb8;
	[tilespmem:$0x1E200] =	vst v63  }
0x2c5: {  	_ = 	snop  }
0x2c6: {  	[tilespmem:s17], [sflag:$0x1] =	stream.indirect_vreg.gather [hbm4b:s5+s4], $0x80, v3, vm0, $0xb8;
	[tilespmem:$0x1E200] =	vst v63  }
0x2c7: {  	_ =	swait.ge [sflag:s28], $0x2000  }
0x2c8: {  	[sflag:s28] =	ssyncset.done $0x0  }
0x2c9: {  	[sflag:s28] =	ssyncadd.s32 $0xFFFFE000  }
0x2ca: {  	_ =	swait.ge [sflag:s28], $0x4000  }
0x2cb: {  	[sflag:s28] =	ssyncset.done $0x0  }
0x2cc: {  	s18 =	simm.s32 $0x2200;
	s15 =	rddreg [dreg:$0x13];
	[sflag:s28] =	ssyncadd.s32 $0xFFFFC000  }
0x2cd: {  	[hbm4b:s15+s4] =	stream.linear.scatter [tilespmem:s18], [sflag:$0x7], $0x2000, $0x38;
	[tilespmem:$0x1E200] =	vst v63  }
0x2ce: {  	s23 =	simm.s32 $0xE200;
	s17 =	rddreg [dreg:$0x14]  }
0x2cf: {  	[hbm4b:s17+s4] =	stream.linear.scatter [tilespmem:s23], [sflag:$0x7], $0x4000, $0x38;
	[tilespmem:$0x1E200] =	vst v63  }
0x2d0: {  	_ =	swait.ge [sflag:s29], $0x2000  }
0x2d1: {  	[sflag:s29] =	ssyncset.done $0x0  }
0x2d2: {  	[sflag:s29] =	ssyncadd.s32 $0xFFFFE000  }
0x2d3: {  	_ =	swait.ge [sflag:s29], $0x4000  }
0x2d4: {  	[sflag:s29] =	ssyncset.done $0x0  }
0x2d5: {  	[sflag:s29] =	ssyncadd.s32 $0xFFFFC000  }
0x2d6: {  	v3 =	vld [tilespmem:$0x160];
	_ =	sdelay $0x4  }
0x2d7: {  	v44 =	vshll.u32 v3, $0x1  }
0x2d8: {  	v3 =	vand.u32 $0x7, v3;
	v4 =	vand.u32 $0xFFFFFFF0, v44  }
0x2d9: {  	v3 =	vor.u32 v3, v4  }
0x2da: {  	v4 =	vperm.xlane v3, v0;
	_ =	sdelay $0x1  }
0x2db: {  	v3 =	vperm.xlane v3, v2;
	v4 =	vadd.s32 v1, v4;
	_ =	sdelay $0x1  }
0x2dc: {  	v3 =	vadd.s32 v1, v3;
	_ =	sdelay $0x2  }
0x2dd: {  	[tilespmem:s18], [sflag:$0x2] =	stream.indirect_vreg.gather [hbm4b:s0+s4], $0x80, v4, vm0, $0xb8;
	[tilespmem:$0x1E200] =	vst v63  }
0x2de: {  	s14 =	simm.s32 $0x2A00  }
0x2df: {  	[tilespmem:s14], [sflag:$0x2] =	stream.indirect_vreg.gather [hbm4b:s0+s4], $0x80, v3, vm0, $0xb8;
	[tilespmem:$0x1E200] =	vst v63  }
0x2e0: {  	v3 =	vld [tilespmem:$0x170];
	_ =	sdelay $0x4  }
0x2e1: {  	v45 =	vshll.u32 v3, $0x1  }
0x2e2: {  	v3 =	vand.u32 $0x7, v3;
	v4 =	vand.u32 $0xFFFFFFF0, v45  }
0x2e3: {  	v3 =	vor.u32 v3, v4  }
0x2e4: {  	v4 =	vperm.xlane v3, v0;
	_ =	sdelay $0x1  }
0x2e5: {  	v3 =	vperm.xlane v3, v2;
	v4 =	vadd.s32 v1, v4;
	_ =	sdelay $0x1  }
0x2e6: {  	v3 =	vadd.s32 v1, v3;
	_ =	sdelay $0x1  }
0x2e7: {  	s15 =	simm.s32 $0x3200  }
0x2e8: {  	[tilespmem:s15], [sflag:$0x2] =	stream.indirect_vreg.gather [hbm4b:s0+s4], $0x80, v4, vm0, $0xb8;
	[tilespmem:$0x1E200] =	vst v63  }
0x2e9: {  	s17 =	simm.s32 $0x3A00  }
0x2ea: {  	[tilespmem:s17], [sflag:$0x2] =	stream.indirect_vreg.gather [hbm4b:s0+s4], $0x80, v3, vm0, $0xb8;
	[tilespmem:$0x1E200] =	vst v63  }
0x2eb: {  	v3 =	vld [tilespmem:$0x160];
	_ =	sdelay $0x4  }
0x2ec: {  	v46 =	vshll.u32 v3, $0x2  }
0x2ed: {  	v3 =	vand.u32 $0x7, v3;
	v4 =	vand.u32 $0xFFFFFFE0, v46  }
0x2ee: {  	v3 =	vor.u32 v3, v4  }
0x2ef: {  	v4 =	vperm.xlane v3, v0;
	_ =	sdelay $0x1  }
0x2f0: {  	v4 =	vadd.s32 v1, v4;
	_ =	sdelay $0x1  }
0x2f1: {  	v3 =	vperm.xlane v3, v2;
	_ =	sdelay $0x1  }
0x2f2: {  	v3 =	vadd.s32 v1, v3  }
0x2f3: {  	[tilespmem:s23], [sflag:$0x2] =	stream.indirect_vreg.gather [hbm4b:s2+s4], $0x80, v4, vm0, $0xb8;
	[tilespmem:$0x1E200] =	vst v63  }
0x2f4: {  	s18 =	simm.s32 $0xEA00  }
0x2f5: {  	[tilespmem:s18], [sflag:$0x2] =	stream.indirect_vreg.gather [hbm4b:s5+s4], $0x80, v4, vm0, $0xb8;
	[tilespmem:$0x1E200] =	vst v63  }
0x2f6: {  	s6 =	simm.s32 $0xF200  }
0x2f7: {  	[tilespmem:s6], [sflag:$0x2] =	stream.indirect_vreg.gather [hbm4b:s2+s4], $0x80, v3, vm0, $0xb8;
	[tilespmem:$0x1E200] =	vst v63  }
0x2f8: {  	s8 =	simm.s32 $0xFA00  }
0x2f9: {  	[tilespmem:s8], [sflag:$0x2] =	stream.indirect_vreg.gather [hbm4b:s5+s4], $0x80, v3, vm0, $0xb8;
	[tilespmem:$0x1E200] =	vst v63  }
0x2fa: {  	v3 =	vld [tilespmem:$0x170];
	_ =	sdelay $0x4  }
0x2fb: {  	v47 =	vshll.u32 v3, $0x2  }
0x2fc: {  	v3 =	vand.u32 $0x7, v3;
	v4 =	vand.u32 $0xFFFFFFE0, v47  }
0x2fd: {  	v3 =	vor.u32 v3, v4  }
0x2fe: {  	v4 =	vperm.xlane v3, v0;
	_ =	sdelay $0x1  }
0x2ff: {  	v4 =	vadd.s32 v1, v4;
	_ =	sdelay $0x1  }
0x300: {  	v3 =	vperm.xlane v3, v2;
	_ =	sdelay $0x1  }
0x301: {  	s14 =	simm.s32 $0x10200;
	v3 =	vadd.s32 v1, v3  }
0x302: {  	[tilespmem:s14], [sflag:$0x2] =	stream.indirect_vreg.gather [hbm4b:s2+s4], $0x80, v4, vm0, $0xb8;
	[tilespmem:$0x1E200] =	vst v63  }
0x303: {  	s15 =	simm.s32 $0x10A00  }
0x304: {  	[tilespmem:s15], [sflag:$0x2] =	stream.indirect_vreg.gather [hbm4b:s5+s4], $0x80, v4, vm0, $0xb8;
	[tilespmem:$0x1E200] =	vst v63  }
0x305: {  	s17 =	simm.s32 $0x11200  }
0x306: {  	[tilespmem:s17], [sflag:$0x2] =	stream.indirect_vreg.gather [hbm4b:s2+s4], $0x80, v3, vm0, $0xb8;
	[tilespmem:$0x1E200] =	vst v63  }
0x307: {  	s18 =	simm.s32 $0x11A00  }
0x308: {  	[tilespmem:s18], [sflag:$0x2] =	stream.indirect_vreg.gather [hbm4b:s5+s4], $0x80, v3, vm0, $0xb8;
	[tilespmem:$0x1E200] =	vst v63  }
0x309: {  	_ =	swait.ge [sflag:s30], $0x2000  }
0x30a: {  	[sflag:s30] =	ssyncset.done $0x0  }
0x30b: {  	[sflag:s30] =	ssyncadd.s32 $0xFFFFE000  }
0x30c: {  	_ =	swait.ge [sflag:s30], $0x4000  }
0x30d: {  	[sflag:s30] =	ssyncset.done $0x0  }
0x30e: {  	s8 =	simm.s32 $0x4200;
	s1 =	rddreg [dreg:$0x15];
	[sflag:s30] =	ssyncadd.s32 $0xFFFFC000  }
0x30f: {  	[hbm4b:s1+s4] =	stream.linear.scatter [tilespmem:s8], [sflag:$0x8], $0x2000, $0x38;
	[tilespmem:$0x1E200] =	vst v63  }
0x310: {  	s14 =	simm.s32 $0x12200;
	s6 =	rddreg [dreg:$0x16]  }
0x311: {  	[hbm4b:s6+s4] =	stream.linear.scatter [tilespmem:s14], [sflag:$0x8], $0x4000, $0x38;
	[tilespmem:$0x1E200] =	vst v63  }
0x312: {  	_ =	swait.ge [sflag:s3], $0x2000  }
0x313: {  	[sflag:s3] =	ssyncset.done $0x0  }
0x314: {  	[sflag:s3] =	ssyncadd.s32 $0xFFFFE000  }
0x315: {  	_ =	swait.ge [sflag:s3], $0x4000  }
0x316: {  	[sflag:s3] =	ssyncset.done $0x0  }
0x317: {  	[sflag:s3] =	ssyncadd.s32 $0xFFFFC000  }
0x318: {  	v3 =	vld [tilespmem:$0x180];
	_ =	sdelay $0x4  }
0x319: {  	v48 =	vshll.u32 v3, $0x1  }
0x31a: {  	v3 =	vand.u32 $0x7, v3;
	v4 =	vand.u32 $0xFFFFFFF0, v48  }
0x31b: {  	v3 =	vor.u32 v3, v4  }
0x31c: {  	v4 =	vperm.xlane v3, v0;
	_ =	sdelay $0x1  }
0x31d: {  	v3 =	vperm.xlane v3, v2;
	v4 =	vadd.s32 v1, v4;
	_ =	sdelay $0x1  }
0x31e: {  	v3 =	vadd.s32 v1, v3;
	_ =	sdelay $0x2  }
0x31f: {  	[tilespmem:s8], [sflag:$0x3] =	stream.indirect_vreg.gather [hbm4b:s0+s4], $0x80, v4, vm0, $0xb8;
	[tilespmem:$0x1E200] =	vst v63  }
0x320: {  	s15 =	simm.s32 $0x4A00  }
0x321: {  	[tilespmem:s15], [sflag:$0x3] =	stream.indirect_vreg.gather [hbm4b:s0+s4], $0x80, v3, vm0, $0xb8;
	[tilespmem:$0x1E200] =	vst v63  }
0x322: {  	v3 =	vld [tilespmem:$0x190];
	_ =	sdelay $0x4  }
0x323: {  	v49 =	vshll.u32 v3, $0x1  }
0x324: {  	v3 =	vand.u32 $0x7, v3;
	v4 =	vand.u32 $0xFFFFFFF0, v49  }
0x325: {  	v3 =	vor.u32 v3, v4  }
0x326: {  	v4 =	vperm.xlane v3, v0;
	_ =	sdelay $0x1  }
0x327: {  	v3 =	vperm.xlane v3, v2;
	v4 =	vadd.s32 v1, v4;
	_ =	sdelay $0x1  }
0x328: {  	v3 =	vadd.s32 v1, v3;
	_ =	sdelay $0x1  }
0x329: {  	s17 =	simm.s32 $0x5200  }
0x32a: {  	[tilespmem:s17], [sflag:$0x3] =	stream.indirect_vreg.gather [hbm4b:s0+s4], $0x80, v4, vm0, $0xb8;
	[tilespmem:$0x1E200] =	vst v63  }
0x32b: {  	s18 =	simm.s32 $0x5A00  }
0x32c: {  	[tilespmem:s18], [sflag:$0x3] =	stream.indirect_vreg.gather [hbm4b:s0+s4], $0x80, v3, vm0, $0xb8;
	[tilespmem:$0x1E200] =	vst v63  }
0x32d: {  	v3 =	vld [tilespmem:$0x180];
	_ =	sdelay $0x4  }
0x32e: {  	v50 =	vshll.u32 v3, $0x2  }
0x32f: {  	v3 =	vand.u32 $0x7, v3;
	v4 =	vand.u32 $0xFFFFFFE0, v50  }
0x330: {  	v3 =	vor.u32 v3, v4  }
0x331: {  	v4 =	vperm.xlane v3, v0;
	_ =	sdelay $0x1  }
0x332: {  	v4 =	vadd.s32 v1, v4;
	_ =	sdelay $0x1  }
0x333: {  	v3 =	vperm.xlane v3, v2;
	_ =	sdelay $0x1  }
0x334: {  	v3 =	vadd.s32 v1, v3  }
0x335: {  	[tilespmem:s14], [sflag:$0x3] =	stream.indirect_vreg.gather [hbm4b:s2+s4], $0x80, v4, vm0, $0xb8;
	[tilespmem:$0x1E200] =	vst v63  }
0x336: {  	s6 =	simm.s32 $0x12A00  }
0x337: {  	[tilespmem:s6], [sflag:$0x3] =	stream.indirect_vreg.gather [hbm4b:s5+s4], $0x80, v4, vm0, $0xb8;
	[tilespmem:$0x1E200] =	vst v63  }
0x338: {  	s14 =	simm.s32 $0x13200  }
0x339: {  	[tilespmem:s14], [sflag:$0x3] =	stream.indirect_vreg.gather [hbm4b:s2+s4], $0x80, v3, vm0, $0xb8;
	[tilespmem:$0x1E200] =	vst v63  }
0x33a: {  	s15 =	simm.s32 $0x13A00  }
0x33b: {  	[tilespmem:s15], [sflag:$0x3] =	stream.indirect_vreg.gather [hbm4b:s5+s4], $0x80, v3, vm0, $0xb8;
	[tilespmem:$0x1E200] =	vst v63  }
0x33c: {  	v3 =	vld [tilespmem:$0x190];
	_ =	sdelay $0x4  }
0x33d: {  	v51 =	vshll.u32 v3, $0x2  }
0x33e: {  	v3 =	vand.u32 $0x7, v3;
	v4 =	vand.u32 $0xFFFFFFE0, v51  }
0x33f: {  	v3 =	vor.u32 v3, v4  }
0x340: {  	v4 =	vperm.xlane v3, v0;
	_ =	sdelay $0x1  }
0x341: {  	v4 =	vadd.s32 v1, v4;
	_ =	sdelay $0x1  }
0x342: {  	v3 =	vperm.xlane v3, v2;
	_ =	sdelay $0x1  }
0x343: {  	s18 =	simm.s32 $0x14200;
	v3 =	vadd.s32 v1, v3  }
0x344: {  	[tilespmem:s18], [sflag:$0x3] =	stream.indirect_vreg.gather [hbm4b:s2+s4], $0x80, v4, vm0, $0xb8;
	[tilespmem:$0x1E200] =	vst v63  }
0x345: {  	s6 =	simm.s32 $0x14A00  }
0x346: {  	[tilespmem:s6], [sflag:$0x3] =	stream.indirect_vreg.gather [hbm4b:s5+s4], $0x80, v4, vm0, $0xb8;
	[tilespmem:$0x1E200] =	vst v63  }
0x347: {  	s14 =	simm.s32 $0x15200  }
0x348: {  	[tilespmem:s14], [sflag:$0x3] =	stream.indirect_vreg.gather [hbm4b:s2+s4], $0x80, v3, vm0, $0xb8;
	[tilespmem:$0x1E200] =	vst v63  }
0x349: {  	s15 =	simm.s32 $0x15A00  }
0x34a: {  	[tilespmem:s15], [sflag:$0x3] =	stream.indirect_vreg.gather [hbm4b:s5+s4], $0x80, v3, vm0, $0xb8;
	[tilespmem:$0x1E200] =	vst v63  }
0x34b: {  	_ =	swait.ge [sflag:s9], $0x2000  }
0x34c: {  	[sflag:s9] =	ssyncset.done $0x0  }
0x34d: {  	[sflag:s9] =	ssyncadd.s32 $0xFFFFE000  }
0x34e: {  	_ =	swait.ge [sflag:s9], $0x4000  }
0x34f: {  	[sflag:s9] =	ssyncset.done $0x0  }
0x350: {  	s6 =	simm.s32 $0x6200;
	s18 =	rddreg [dreg:$0x17];
	[sflag:s9] =	ssyncadd.s32 $0xFFFFC000  }
0x351: {  	[hbm4b:s18+s4] =	stream.linear.scatter [tilespmem:s6], [sflag:$0x9], $0x2000, $0x38;
	[tilespmem:$0x1E200] =	vst v63  }
0x352: {  	s14 =	simm.s32 $0x16200;
	s1 =	rddreg [dreg:$0x18]  }
0x353: {  	[hbm4b:s1+s4] =	stream.linear.scatter [tilespmem:s14], [sflag:$0x9], $0x4000, $0x38;
	[tilespmem:$0x1E200] =	vst v63  }
0x354: {  	_ =	swait.ge [sflag:s10], $0x2000  }
0x355: {  	[sflag:s10] =	ssyncset.done $0x0  }
0x356: {  	[sflag:s10] =	ssyncadd.s32 $0xFFFFE000  }
0x357: {  	_ =	swait.ge [sflag:s10], $0x4000  }
0x358: {  	[sflag:s10] =	ssyncset.done $0x0  }
0x359: {  	[sflag:s10] =	ssyncadd.s32 $0xFFFFC000  }
0x35a: {  	v3 =	vld [tilespmem:$0x1A0];
	_ =	sdelay $0x4  }
0x35b: {  	v52 =	vshll.u32 v3, $0x1  }
0x35c: {  	v3 =	vand.u32 $0x7, v3;
	v4 =	vand.u32 $0xFFFFFFF0, v52  }
0x35d: {  	v3 =	vor.u32 v3, v4  }
0x35e: {  	v4 =	vperm.xlane v3, v0;
	_ =	sdelay $0x1  }
0x35f: {  	v3 =	vperm.xlane v3, v2;
	v4 =	vadd.s32 v1, v4;
	_ =	sdelay $0x1  }
0x360: {  	v3 =	vadd.s32 v1, v3;
	_ =	sdelay $0x2  }
0x361: {  	[tilespmem:s6], [sflag:$0x4] =	stream.indirect_vreg.gather [hbm4b:s0+s4], $0x80, v4, vm0, $0xb8;
	[tilespmem:$0x1E200] =	vst v63  }
0x362: {  	s18 =	simm.s32 $0x6A00  }
0x363: {  	[tilespmem:s18], [sflag:$0x4] =	stream.indirect_vreg.gather [hbm4b:s0+s4], $0x80, v3, vm0, $0xb8;
	[tilespmem:$0x1E200] =	vst v63  }
0x364: {  	v3 =	vld [tilespmem:$0x1B0];
	_ =	sdelay $0x4  }
0x365: {  	v53 =	vshll.u32 v3, $0x1  }
0x366: {  	v3 =	vand.u32 $0x7, v3;
	v4 =	vand.u32 $0xFFFFFFF0, v53  }
0x367: {  	v3 =	vor.u32 v3, v4  }
0x368: {  	v4 =	vperm.xlane v3, v0;
	_ =	sdelay $0x1  }
0x369: {  	v3 =	vperm.xlane v3, v2;
	v4 =	vadd.s32 v1, v4;
	_ =	sdelay $0x1  }
0x36a: {  	v3 =	vadd.s32 v1, v3;
	_ =	sdelay $0x1  }
0x36b: {  	s15 =	simm.s32 $0x7200  }
0x36c: {  	[tilespmem:s15], [sflag:$0x4] =	stream.indirect_vreg.gather [hbm4b:s0+s4], $0x80, v4, vm0, $0xb8;
	[tilespmem:$0x1E200] =	vst v63  }
0x36d: {  	s18 =	simm.s32 $0x7A00  }
0x36e: {  	[tilespmem:s18], [sflag:$0x4] =	stream.indirect_vreg.gather [hbm4b:s0+s4], $0x80, v3, vm0, $0xb8;
	[tilespmem:$0x1E200] =	vst v63  }
0x36f: {  	v3 =	vld [tilespmem:$0x1A0];
	_ =	sdelay $0x4  }
0x370: {  	v54 =	vshll.u32 v3, $0x2  }
0x371: {  	v3 =	vand.u32 $0x7, v3;
	v4 =	vand.u32 $0xFFFFFFE0, v54  }
0x372: {  	v3 =	vor.u32 v3, v4  }
0x373: {  	v4 =	vperm.xlane v3, v0;
	_ =	sdelay $0x1  }
0x374: {  	v4 =	vadd.s32 v1, v4;
	_ =	sdelay $0x1  }
0x375: {  	v3 =	vperm.xlane v3, v2;
	_ =	sdelay $0x1  }
0x376: {  	v3 =	vadd.s32 v1, v3  }
0x377: {  	[tilespmem:s14], [sflag:$0x4] =	stream.indirect_vreg.gather [hbm4b:s2+s4], $0x80, v4, vm0, $0xb8;
	[tilespmem:$0x1E200] =	vst v63  }
0x378: {  	s14 =	simm.s32 $0x16A00  }
0x379: {  	[tilespmem:s14], [sflag:$0x4] =	stream.indirect_vreg.gather [hbm4b:s5+s4], $0x80, v4, vm0, $0xb8;
	[tilespmem:$0x1E200] =	vst v63  }
0x37a: {  	s15 =	simm.s32 $0x17200  }
0x37b: {  	[tilespmem:s15], [sflag:$0x4] =	stream.indirect_vreg.gather [hbm4b:s2+s4], $0x80, v3, vm0, $0xb8;
	[tilespmem:$0x1E200] =	vst v63  }
0x37c: {  	s14 =	simm.s32 $0x17A00  }
0x37d: {  	[tilespmem:s14], [sflag:$0x4] =	stream.indirect_vreg.gather [hbm4b:s5+s4], $0x80, v3, vm0, $0xb8;
	[tilespmem:$0x1E200] =	vst v63  }
0x37e: {  	v3 =	vld [tilespmem:$0x1B0];
	_ =	sdelay $0x4  }
0x37f: {  	v55 =	vshll.u32 v3, $0x2  }
0x380: {  	v3 =	vand.u32 $0x7, v3;
	v4 =	vand.u32 $0xFFFFFFE0, v55  }
0x381: {  	v3 =	vor.u32 v3, v4  }
0x382: {  	v4 =	vperm.xlane v3, v0;
	_ =	sdelay $0x1  }
0x383: {  	v4 =	vadd.s32 v1, v4;
	_ =	sdelay $0x1  }
0x384: {  	v3 =	vperm.xlane v3, v2;
	_ =	sdelay $0x1  }
0x385: {  	s15 =	simm.s32 $0x18200;
	v3 =	vadd.s32 v1, v3  }
0x386: {  	[tilespmem:s15], [sflag:$0x4] =	stream.indirect_vreg.gather [hbm4b:s2+s4], $0x80, v4, vm0, $0xb8;
	[tilespmem:$0x1E200] =	vst v63  }
0x387: {  	s14 =	simm.s32 $0x18A00  }
0x388: {  	[tilespmem:s14], [sflag:$0x4] =	stream.indirect_vreg.gather [hbm4b:s5+s4], $0x80, v4, vm0, $0xb8;
	[tilespmem:$0x1E200] =	vst v63  }
0x389: {  	s15 =	simm.s32 $0x19200  }
0x38a: {  	[tilespmem:s15], [sflag:$0x4] =	stream.indirect_vreg.gather [hbm4b:s2+s4], $0x80, v3, vm0, $0xb8;
	[tilespmem:$0x1E200] =	vst v63  }
0x38b: {  	s14 =	simm.s32 $0x19A00  }
0x38c: {  	[tilespmem:s14], [sflag:$0x4] =	stream.indirect_vreg.gather [hbm4b:s5+s4], $0x80, v3, vm0, $0xb8;
	[tilespmem:$0x1E200] =	vst v63  }
0x38d: {  	_ =	swait.ge [sflag:s11], $0x2000  }
0x38e: {  	[sflag:s11] =	ssyncset.done $0x0  }
0x38f: {  	[sflag:s11] =	ssyncadd.s32 $0xFFFFE000  }
0x390: {  	_ =	swait.ge [sflag:s11], $0x4000  }
0x391: {  	[sflag:s11] =	ssyncset.done $0x0  }
0x392: {  	s1 =	simm.s32 $0x8200;
	s14 =	rddreg [dreg:$0x19];
	[sflag:s11] =	ssyncadd.s32 $0xFFFFC000  }
0x393: {  	[hbm4b:s14+s4] =	stream.linear.scatter [tilespmem:s1], [sflag:$0xA], $0x2000, $0x38;
	[tilespmem:$0x1E200] =	vst v63  }
0x394: {  	s15 =	rddreg [dreg:$0x1a]  }
0x395: {  	[hbm4b:s15+s4] =	stream.linear.scatter [tilespmem:s20], [sflag:$0xA], $0x4000, $0x38;
	[tilespmem:$0x1E200] =	vst v63  }
0x396: {  	_ =	swait.ge [sflag:s13], $0x2000  }
0x397: {  	[sflag:s13] =	ssyncset.done $0x0  }
0x398: {  	[sflag:s13] =	ssyncadd.s32 $0xFFFFE000  }
0x399: {  	_ =	swait.ge [sflag:s13], $0x4000  }
0x39a: {  	[sflag:s13] =	ssyncset.done $0x0  }
0x39b: {  	[sflag:s13] =	ssyncadd.s32 $0xFFFFC000  }
0x39c: {  	v3 =	vld [tilespmem:$0x1C0];
	_ =	sdelay $0x4  }
0x39d: {  	v56 =	vshll.u32 v3, $0x1  }
0x39e: {  	v3 =	vand.u32 $0x7, v3;
	v4 =	vand.u32 $0xFFFFFFF0, v56  }
0x39f: {  	v3 =	vor.u32 v3, v4  }
0x3a0: {  	v4 =	vperm.xlane v3, v0;
	_ =	sdelay $0x1  }
0x3a1: {  	v3 =	vperm.xlane v3, v2;
	v4 =	vadd.s32 v1, v4;
	_ =	sdelay $0x1  }
0x3a2: {  	v3 =	vadd.s32 v1, v3;
	_ =	sdelay $0x2  }
0x3a3: {  	[tilespmem:s1], [sflag:$0x5] =	stream.indirect_vreg.gather [hbm4b:s0+s4], $0x80, v4, vm0, $0xb8;
	[tilespmem:$0x1E200] =	vst v63  }
0x3a4: {  	s15 =	simm.s32 $0x8A00  }
0x3a5: {  	[tilespmem:s15], [sflag:$0x5] =	stream.indirect_vreg.gather [hbm4b:s0+s4], $0x80, v3, vm0, $0xb8;
	[tilespmem:$0x1E200] =	vst v63  }
0x3a6: {  	v3 =	vld [tilespmem:$0x1D0];
	_ =	sdelay $0x4  }
0x3a7: {  	v57 =	vshll.u32 v3, $0x1  }
0x3a8: {  	v3 =	vand.u32 $0x7, v3;
	v4 =	vand.u32 $0xFFFFFFF0, v57  }
0x3a9: {  	v3 =	vor.u32 v3, v4  }
0x3aa: {  	v4 =	vperm.xlane v3, v0;
	_ =	sdelay $0x1  }
0x3ab: {  	v3 =	vperm.xlane v3, v2;
	v4 =	vadd.s32 v1, v4;
	_ =	sdelay $0x1  }
0x3ac: {  	v3 =	vadd.s32 v1, v3;
	_ =	sdelay $0x2  }
0x3ad: {  	[tilespmem:s7], [sflag:$0x5] =	stream.indirect_vreg.gather [hbm4b:s0+s4], $0x80, v4, vm0, $0xb8;
	[tilespmem:$0x1E200] =	vst v63  }
0x3ae: {  	s15 =	simm.s32 $0x9A00  }
0x3af: {  	[tilespmem:s15], [sflag:$0x5] =	stream.indirect_vreg.gather [hbm4b:s0+s4], $0x80, v3, vm0, $0xb8;
	[tilespmem:$0x1E200] =	vst v63  }
0x3b0: {  	v3 =	vld [tilespmem:$0x1C0];
	_ =	sdelay $0x4  }
0x3b1: {  	v58 =	vshll.u32 v3, $0x2  }
0x3b2: {  	v3 =	vand.u32 $0x7, v3;
	v4 =	vand.u32 $0xFFFFFFE0, v58  }
0x3b3: {  	v3 =	vor.u32 v3, v4  }
0x3b4: {  	v4 =	vperm.xlane v3, v0;
	_ =	sdelay $0x1  }
0x3b5: {  	v4 =	vadd.s32 v1, v4;
	_ =	sdelay $0x1  }
0x3b6: {  	v3 =	vperm.xlane v3, v2;
	_ =	sdelay $0x1  }
0x3b7: {  	v3 =	vadd.s32 v1, v3  }
0x3b8: {  	[tilespmem:s20], [sflag:$0x5] =	stream.indirect_vreg.gather [hbm4b:s2+s4], $0x80, v4, vm0, $0xb8;
	[tilespmem:$0x1E200] =	vst v63  }
0x3b9: {  	s14 =	simm.s32 $0x1AA00  }
0x3ba: {  	[tilespmem:s14], [sflag:$0x5] =	stream.indirect_vreg.gather [hbm4b:s5+s4], $0x80, v4, vm0, $0xb8;
	[tilespmem:$0x1E200] =	vst v63  }
0x3bb: {  	s15 =	simm.s32 $0x1B200  }
0x3bc: {  	[tilespmem:s15], [sflag:$0x5] =	stream.indirect_vreg.gather [hbm4b:s2+s4], $0x80, v3, vm0, $0xb8;
	[tilespmem:$0x1E200] =	vst v63  }
0x3bd: {  	s14 =	simm.s32 $0x1BA00  }
0x3be: {  	[tilespmem:s14], [sflag:$0x5] =	stream.indirect_vreg.gather [hbm4b:s5+s4], $0x80, v3, vm0, $0xb8;
	[tilespmem:$0x1E200] =	vst v63  }
0x3bf: {  	v3 =	vld [tilespmem:$0x1D0];
	_ =	sdelay $0x4  }
0x3c0: {  	v59 =	vshll.u32 v3, $0x2  }
0x3c1: {  	v3 =	vand.u32 $0x7, v3;
	v4 =	vand.u32 $0xFFFFFFE0, v59  }
0x3c2: {  	v3 =	vor.u32 v3, v4  }
0x3c3: {  	v4 =	vperm.xlane v3, v0;
	_ =	sdelay $0x1  }
0x3c4: {  	v4 =	vadd.s32 v1, v4;
	_ =	sdelay $0x1  }
0x3c5: {  	v3 =	vperm.xlane v3, v2;
	_ =	sdelay $0x1  }
0x3c6: {  	s15 =	simm.s32 $0x1C200;
	v3 =	vadd.s32 v1, v3  }
0x3c7: {  	[tilespmem:s15], [sflag:$0x5] =	stream.indirect_vreg.gather [hbm4b:s2+s4], $0x80, v4, vm0, $0xb8;
	[tilespmem:$0x1E200] =	vst v63  }
0x3c8: {  	s14 =	simm.s32 $0x1CA00  }
0x3c9: {  	[tilespmem:s14], [sflag:$0x5] =	stream.indirect_vreg.gather [hbm4b:s5+s4], $0x80, v4, vm0, $0xb8;
	[tilespmem:$0x1E200] =	vst v63  }
0x3ca: {  	s15 =	simm.s32 $0x1D200  }
0x3cb: {  	[tilespmem:s15], [sflag:$0x5] =	stream.indirect_vreg.gather [hbm4b:s2+s4], $0x80, v3, vm0, $0xb8;
	[tilespmem:$0x1E200] =	vst v63  }
0x3cc: {  	s14 =	simm.s32 $0x1DA00  }
0x3cd: {  	[tilespmem:s14], [sflag:$0x5] =	stream.indirect_vreg.gather [hbm4b:s5+s4], $0x80, v3, vm0, $0xb8;
	[tilespmem:$0x1E200] =	vst v63  }
0x3ce: {  	_ =	swait.ge [sflag:s21], $0x2000  }
0x3cf: {  	[sflag:s21] =	ssyncset.done $0x0  }
0x3d0: {  	[sflag:s21] =	ssyncadd.s32 $0xFFFFE000  }
0x3d1: {  	_ =	swait.ge [sflag:s21], $0x4000  }
0x3d2: {  	[sflag:s21] =	ssyncset.done $0x0  }
0x3d3: {  	s15 =	rddreg [dreg:$0x1b];
	[sflag:s21] =	ssyncadd.s32 $0xFFFFC000  }
0x3d4: {  	[hbm4b:s15+s4] =	stream.linear.scatter [tilespmem:s16], [sflag:$0x6], $0x2000, $0x38;
	[tilespmem:$0x1E200] =	vst v63  }
0x3d5: {  	s7 =	rddreg [dreg:$0x1c]  }
0x3d6: {  	[hbm4b:s7+s4] =	stream.linear.scatter [tilespmem:s12], [sflag:$0x6], $0x4000, $0x38;
	[tilespmem:$0x1E200] =	vst v63  }
0x3d7: {  	_ =	swait.ge [sflag:s22], $0x2000  }
0x3d8: {  	[sflag:s22] =	ssyncset.done $0x0  }
0x3d9: {  	[sflag:s22] =	ssyncadd.s32 $0xFFFFE000  }
0x3da: {  	_ =	swait.ge [sflag:s22], $0x4000  }
0x3db: {  	[sflag:s22] =	ssyncset.done $0x0  }
0x3dc: {  	[sflag:s22] =	ssyncadd.s32 $0xFFFFC000  }
0x3dd: {  	v3 =	vld [tilespmem:$0x1E0];
	_ =	sdelay $0x4  }
0x3de: {  	v60 =	vshll.u32 v3, $0x1  }
0x3df: {  	v3 =	vand.u32 $0x7, v3;
	v4 =	vand.u32 $0xFFFFFFF0, v60  }
0x3e0: {  	v3 =	vor.u32 v3, v4  }
0x3e1: {  	v4 =	vperm.xlane v3, v0;
	_ =	sdelay $0x1  }
0x3e2: {  	v3 =	vperm.xlane v3, v2;
	v4 =	vadd.s32 v1, v4;
	_ =	sdelay $0x1  }
0x3e3: {  	v3 =	vadd.s32 v1, v3;
	_ =	sdelay $0x2  }
0x3e4: {  	[tilespmem:s16], [sflag:$0x1] =	stream.indirect_vreg.gather [hbm4b:s0+s4], $0x80, v4, vm0, $0xb8;
	[tilespmem:$0x1E200] =	vst v63  }
0x3e5: {  	s14 =	simm.s32 $0xA00  }
0x3e6: {  	[tilespmem:s14], [sflag:$0x1] =	stream.indirect_vreg.gather [hbm4b:s0+s4], $0x80, v3, vm0, $0xb8;
	[tilespmem:$0x1E200] =	vst v63  }
0x3e7: {  	v3 =	vld [tilespmem:$0x1F0];
	_ =	sdelay $0x4  }
0x3e8: {  	v61 =	vshll.u32 v3, $0x1  }
0x3e9: {  	v3 =	vand.u32 $0x7, v3;
	v4 =	vand.u32 $0xFFFFFFF0, v61  }
0x3ea: {  	v3 =	vor.u32 v3, v4  }
0x3eb: {  	v4 =	vperm.xlane v3, v0;
	_ =	sdelay $0x1  }
0x3ec: {  	v3 =	vperm.xlane v3, v2;
	v4 =	vadd.s32 v1, v4;
	_ =	sdelay $0x1  }
0x3ed: {  	v3 =	vadd.s32 v1, v3;
	_ =	sdelay $0x1  }
0x3ee: {  	s15 =	simm.s32 $0x1200  }
0x3ef: {  	[tilespmem:s15], [sflag:$0x1] =	stream.indirect_vreg.gather [hbm4b:s0+s4], $0x80, v4, vm0, $0xb8;
	[tilespmem:$0x1E200] =	vst v63  }
0x3f0: {  	s14 =	simm.s32 $0x1A00  }
0x3f1: {  	[tilespmem:s14], [sflag:$0x1] =	stream.indirect_vreg.gather [hbm4b:s0+s4], $0x80, v3, vm0, $0xb8;
	[tilespmem:$0x1E200] =	vst v63  }
0x3f2: {  	v3 =	vld [tilespmem:$0x1E0];
	_ =	sdelay $0x4  }
0x3f3: {  	v62 =	vshll.u32 v3, $0x2  }
0x3f4: {  	v3 =	vand.u32 $0x7, v3;
	v4 =	vand.u32 $0xFFFFFFE0, v62  }
0x3f5: {  	v3 =	vor.u32 v3, v4  }
0x3f6: {  	v4 =	vperm.xlane v3, v0;
	_ =	sdelay $0x1  }
0x3f7: {  	v4 =	vadd.s32 v1, v4;
	_ =	sdelay $0x1  }
0x3f8: {  	v3 =	vperm.xlane v3, v2;
	_ =	sdelay $0x1  }
0x3f9: {  	v3 =	vadd.s32 v1, v3  }
0x3fa: {  	[tilespmem:s12], [sflag:$0x1] =	stream.indirect_vreg.gather [hbm4b:s2+s4], $0x80, v4, vm0, $0xb8;
	[tilespmem:$0x1E200] =	vst v63  }
0x3fb: {  	s15 =	simm.s32 $0xAA00  }
0x3fc: {  	[tilespmem:s15], [sflag:$0x1] =	stream.indirect_vreg.gather [hbm4b:s5+s4], $0x80, v4, vm0, $0xb8;
	[tilespmem:$0x1E200] =	vst v63  }
0x3fd: {  	s25 =	simm.s32 $0xB200  }
0x3fe: {  	[tilespmem:s25], [sflag:$0x1] =	stream.indirect_vreg.gather [hbm4b:s2+s4], $0x80, v3, vm0, $0xb8;
	[tilespmem:$0x1E200] =	vst v63  }
0x3ff: {  	s25 =	simm.s32 $0xBA00  }
0x400: {  	[tilespmem:s25], [sflag:$0x1] =	stream.indirect_vreg.gather [hbm4b:s5+s4], $0x80, v3, vm0, $0xb8;
	[tilespmem:$0x1E200] =	vst v63  }
0x401: {  	v3 =	vld [tilespmem:$0x1F0];
	_ =	sdelay $0x4  }
0x402: {  	v63 =	vshll.u32 v3, $0x2  }
0x403: {  	v3 =	vand.u32 $0x7, v3;
	v4 =	vand.u32 $0xFFFFFFE0, v63  }
0x404: {  	v3 =	vor.u32 v3, v4  }
0x405: {  	v4 =	vperm.xlane v3, v0;
	_ =	sdelay $0x1  }
0x406: {  	v4 =	vadd.s32 v1, v4;
	_ =	sdelay $0x1  }
0x407: {  	v3 =	vperm.xlane v3, v2;
	_ =	sdelay $0x1  }
0x408: {  	s26 =	simm.s32 $0xC200;
	v3 =	vadd.s32 v1, v3  }
0x409: {  	[tilespmem:s26], [sflag:$0x1] =	stream.indirect_vreg.gather [hbm4b:s2+s4], $0x80, v4, vm0, $0xb8;
	[tilespmem:$0x1E200] =	vst v63  }
0x40a: {  	s31 =	simm.s32 $0xCA00  }
0x40b: {  	[tilespmem:s31], [sflag:$0x1] =	stream.indirect_vreg.gather [hbm4b:s5+s4], $0x80, v4, vm0, $0xb8;
	[tilespmem:$0x1E200] =	vst v63  }
0x40c: {  	s14 =	simm.s32 $0xD200  }
0x40d: {  	[tilespmem:s14], [sflag:$0x1] =	stream.indirect_vreg.gather [hbm4b:s2+s4], $0x80, v3, vm0, $0xb8;
	[tilespmem:$0x1E200] =	vst v63  }
0x40e: {  	s15 =	simm.s32 $0xDA00  }
0x40f: {  	[tilespmem:s15], [sflag:$0x1] =	stream.indirect_vreg.gather [hbm4b:s5+s4], $0x80, v3, vm0, $0xb8;
	[tilespmem:$0x1E200] =	vst v63  }
0x410: {  	_ =	swait.ge [sflag:s28], $0x2000  }
0x411: {  	[sflag:s28] =	ssyncset.done $0x0  }
0x412: {  	[sflag:s28] =	ssyncadd.s32 $0xFFFFE000  }
0x413: {  	_ =	swait.ge [sflag:s28], $0x4000  }
0x414: {  	[sflag:s28] =	ssyncset.done $0x0  }
0x415: {  	s24 =	simm.s32 $0x2200;
	s25 =	rddreg [dreg:$0x1d];
	[sflag:s28] =	ssyncadd.s32 $0xFFFFC000  }
0x416: {  	[hbm4b:s25+s4] =	stream.linear.scatter [tilespmem:s24], [sflag:$0x7], $0x2000, $0x38;
	[tilespmem:$0x1E200] =	vst v63  }
0x417: {  	s23 =	simm.s32 $0xE200;
	s26 =	rddreg [dreg:$0x1e]  }
0x418: {  	[hbm4b:s26+s4] =	stream.linear.scatter [tilespmem:s23], [sflag:$0x7], $0x4000, $0x38;
	[tilespmem:$0x1E200] =	vst v63  }
0x419: {  	_ =	swait.ge [sflag:s30], $0x2000  }
0x41a: {  	[sflag:s30] =	ssyncset.done $0x0  }
0x41b: {  	[sflag:s30] =	ssyncadd.s32 $0xFFFFE000  }
0x41c: {  	_ =	swait.ge [sflag:s30], $0x4000  }
0x41d: {  	s31 =	rddreg [dreg:$0x1f];
	[sflag:s30] =	ssyncset.done $0x0  }
0x41e: {  	s8 =	simm.s32 $0x4200;
	s7 =	sld [smem:$0x7F7];
	[sflag:s30] =	ssyncadd.s32 $0xFFFFC000  }
0x41f: {  	[hbm4b:s31+s4] =	stream.linear.scatter [tilespmem:s8], [sflag:$0x8], $0x2000, $0x38;
	[tilespmem:$0x1E200] =	vst v63  }
0x420: {  	s17 =	simm.s32 $0x12200  }
0x421: {  	[hbm4b:s7+s4] =	stream.linear.scatter [tilespmem:s17], [sflag:$0x8], $0x4000, $0x38;
	[tilespmem:$0x1E200] =	vst v63  }
0x422: {  	_ =	swait.ge [sflag:s9], $0x2000  }
0x423: {  	[sflag:s9] =	ssyncset.done $0x0  }
0x424: {  	[sflag:s9] =	ssyncadd.s32 $0xFFFFE000  }
0x425: {  	_ =	swait.ge [sflag:s9], $0x4000  }
0x426: {  	s17 =	sld [smem:$0x7F8]  }
0x427: {  	[sflag:s9] =	ssyncset.done $0x0  }
0x428: {  	s6 =	simm.s32 $0x6200;
	s23 =	sld [smem:$0x7F9];
	[sflag:s9] =	ssyncadd.s32 $0xFFFFC000  }
0x429: {  	[hbm4b:s17+s4] =	stream.linear.scatter [tilespmem:s6], [sflag:$0x9], $0x2000, $0x38;
	[tilespmem:$0x1E200] =	vst v63  }
0x42a: {  	s18 =	simm.s32 $0x16200  }
0x42b: {  	[hbm4b:s23+s4] =	stream.linear.scatter [tilespmem:s18], [sflag:$0x9], $0x4000, $0x38;
	[tilespmem:$0x1E200] =	vst v63  }
0x42c: {  	_ =	swait.ge [sflag:s11], $0x2000  }
0x42d: {  	[sflag:s11] =	ssyncset.done $0x0  }
0x42e: {  	[sflag:s11] =	ssyncadd.s32 $0xFFFFE000  }
0x42f: {  	_ =	swait.ge [sflag:s11], $0x4000  }
0x430: {  	s24 =	sld [smem:$0x7FA]  }
0x431: {  	[sflag:s11] =	ssyncset.done $0x0  }
0x432: {  	s1 =	simm.s32 $0x8200;
	s25 =	sld [smem:$0x7FB];
	[sflag:s11] =	ssyncadd.s32 $0xFFFFC000  }
0x433: {  	[hbm4b:s24+s4] =	stream.linear.scatter [tilespmem:s1], [sflag:$0xA], $0x2000, $0x38;
	[tilespmem:$0x1E200] =	vst v63  }
0x434: {  	_ = 	snop  }
0x435: {  	[hbm4b:s25+s4] =	stream.linear.scatter [tilespmem:s20], [sflag:$0xA], $0x4000, $0x38;
	[tilespmem:$0x1E200] =	vst v63  }
0x436: {  	_ =	swait.ge [sflag:s21], $0x2000  }
0x437: {  	[sflag:s21] =	ssyncset.done $0x0  }
0x438: {  	[sflag:s21] =	ssyncadd.s32 $0xFFFFE000  }
0x439: {  	_ =	swait.ge [sflag:s21], $0x4000  }
0x43a: {  	s26 =	sld [smem:$0x7FC]  }
0x43b: {  	[sflag:s21] =	ssyncset.done $0x0  }
0x43c: {  	s31 =	sld [smem:$0x7FD];
	[sflag:s21] =	ssyncadd.s32 $0xFFFFC000  }
0x43d: {  	[hbm4b:s26+s4] =	stream.linear.scatter [tilespmem:s16], [sflag:$0x6], $0x2000, $0x38;
	[tilespmem:$0x1E200] =	vst v63  }
0x43e: {  	_ = 	snop  }
0x43f: {  	[hbm4b:s31+s4] =	stream.linear.scatter [tilespmem:s12], [sflag:$0x6], $0x4000, $0x38;
	[tilespmem:$0x1E200] =	vst v63  }
0x440: {  	_ =	swait.ge [sflag:s22], $0x2000  }
0x441: {  	[sflag:s22] =	ssyncset.done $0x0  }
0x442: {  	[sflag:s22] =	ssyncadd.s32 $0xFFFFE000  }
0x443: {  	_ =	swait.ge [sflag:s22], $0x4000  }
0x444: {  	[sflag:s22] =	ssyncset.done $0x0  }
0x445: {  	[sflag:s22] =	ssyncadd.s32 $0xFFFFC000  }
0x446: {  	_ =	swait.ge [sflag:s29], $0x2000  }
0x447: {  	[sflag:s29] =	ssyncset.done $0x0  }
0x448: {  	[sflag:s29] =	ssyncadd.s32 $0xFFFFE000  }
0x449: {  	_ =	swait.ge [sflag:s29], $0x4000  }
0x44a: {  	[sflag:s29] =	ssyncset.done $0x0  }
0x44b: {  	[sflag:s29] =	ssyncadd.s32 $0xFFFFC000  }
0x44c: {  	_ =	swait.ge [sflag:s3], $0x2000  }
0x44d: {  	[sflag:s3] =	ssyncset.done $0x0  }
0x44e: {  	[sflag:s3] =	ssyncadd.s32 $0xFFFFE000  }
0x44f: {  	_ =	swait.ge [sflag:s3], $0x4000  }
0x450: {  	[sflag:s3] =	ssyncset.done $0x0  }
0x451: {  	[sflag:s3] =	ssyncadd.s32 $0xFFFFC000  }
0x452: {  	_ =	swait.ge [sflag:s10], $0x2000  }
0x453: {  	[sflag:s10] =	ssyncset.done $0x0  }
0x454: {  	[sflag:s10] =	ssyncadd.s32 $0xFFFFE000  }
0x455: {  	_ =	swait.ge [sflag:s10], $0x4000  }
0x456: {  	[sflag:s10] =	ssyncset.done $0x0  }
0x457: {  	[sflag:s10] =	ssyncadd.s32 $0xFFFFC000  }
0x458: {  	p0 =	sne.s32 s19, $0x1;
	_ =	swait.ge [sflag:s13], $0x2000  }
.Ltmp0:
0x459: {  	[sflag:s13] =	ssyncset.done $0x0;
	(pc) =	sbr.rel @p0 .LBB2_1-.Ltmp0, $4  }
0x45a: {  	[sflag:s13] =	ssyncadd.s32 $0xFFFFE000  }
0x45b: {  	_ =	swait.ge [sflag:s13], $0x4000  }
0x45c: {  	[sflag:s13] =	ssyncset.done $0x0  }
0x45d: {  	s19 =	sadd.s32 $0xFFFFFFFF, s19;
	[sflag:s13] =	ssyncadd.s32 $0xFFFFC000  }
0x45e: {  	_ =	sfence.sel $0x180000  }
0x45f: {  	[bflag:$0x0] =	sbarrier.arrive $0xFFFF  }
0x460: {  	_ =	strace $0x90000047  }
0x461: {  	s0 =	stileid.u32;
	[bflag:$0x2] =	sbarrier.arrive $0xFFFF  }
0x462: {  	p0 =	sne.s32 s0, $0x0;
	s0 =	rddreg [dreg:$0x5]  }
0x463: {  	s0 =	sadd.s32 @!p0 $0x100000, s0  }
0x464: {  	[sflag:s0] =	ssyncadd.tile.s32 @!p0 $0x1;
	_ =	shalt  }
.Lfunc_end2:
_tile_overlayer_lowered:
.L_overlay_start_2:
0x465: {  	(tag) =	ssettag $0x2  }
0x466: {  	s0 =	rddreg [dreg:$0x0];
	s2 =	stileid.u32  }
0x467: {  	s1 =	rddreg [dreg:$0x1];
	p0 =	sne.s32 s2, $0x0  }
0x468: {  	s3 =	rddreg [dreg:$0x2];
	[bflag:$0x3] =	sbarrier.arrive $0xFFFF;
	s2 =	simm.s32 @!p0 $0x1C0B  }
0x469: {  	[timem:s3], [sflag:s2] =	dma.local @!p0 [hbm:s0], s1  }
0x46a: {  	s0 =	simm.s32 @!p0 $0xB  }
0x46b: {  	_ =	swait.ge @!p0 [sflag:s0], s1  }
0x46c: {  	s1 =	ssub.s32 @!p0 $0x0, s1;
	[sflag:s0] =	ssyncset.done @!p0 $0x0  }
0x46d: {  	[sflag:s0] =	ssyncadd.s32 @!p0 s1  }
0x46e: {  	[bflag:$0x3] =	sbarrier.arrive $0xFFFF  }
0x46f: {  	_ =	shalt  }

</sc_bundles>
